<compile_context>
chip_gen: v7x
topology: tpu7x:2x2x1
jax: 0.10.2.dev20260603
libtpu: 0.0.44.dev20260713+nightly
codegen_flags: <defaults>
</compile_context>

<pallas_src>
import jax
import jax.numpy as jnp
from jax import lax
from jax.experimental import pallas as pl
from jax.experimental.pallas import tpu as pltpu
from jax.experimental.pallas import tpu_sc as plsc

NC = 2
NS = 16
LANES = 16
NW = NC * NS

D = 32
SLEN = 128
SPW = 8


def _mf_body(user_ref, item_ref, ut_ref, it_ref, out_ref,
             uidx_v, iidx_v, uwidx, iwidx, ubuf, vbuf, outv,
             sem_i, sem_u, sem_v):
    n_rows_tab = ut_ref.shape[0] // D
    b_per_w = uidx_v.shape[0]
    n_chunks = b_per_w // LANES
    n_streams = (b_per_w * D) // SLEN
    n_groups = b_per_w // LANES
    qpg = b_per_w // SLEN

    wid = lax.axis_index("s") * NC + lax.axis_index("c")
    base = wid * b_per_w

    cu = pltpu.async_copy(user_ref.at[pl.ds(base, b_per_w)], uidx_v, sem_i)
    ci = pltpu.async_copy(item_ref.at[pl.ds(base, b_per_w)], iidx_v, sem_i)
    cu.wait()
    ci.wait()

    def idx_body(j, _):
        qoff = j // (SLEN // LANES)
        coff = (j % (SLEN // LANES)) * LANES
        uvec = uidx_v[pl.ds(j * LANES, LANES)]
        ivec = iidx_v[pl.ds(j * LANES, LANES)]
        for c in range(D):
            uwidx[c * qpg + qoff, pl.ds(coff, LANES)] = uvec + c * n_rows_tab
            iwidx[c * qpg + qoff, pl.ds(coff, LANES)] = ivec + c * n_rows_tab
        return 0

    lax.fori_loop(0, n_chunks, idx_body, 0)

    def issue(w):
        for k in range(SPW):
            q = w * SPW + k
            pltpu.async_copy(ut_ref.at[uwidx.at[q]], ubuf.at[q], sem_u)
            pltpu.async_copy(it_ref.at[iwidx.at[q]], vbuf.at[q], sem_v)

    def drain():
        for _ in range(SPW):
            pltpu.make_async_copy(ut_ref.at[pl.ds(0, SLEN)],
                                  ubuf.at[0], sem_u).wait()
            pltpu.make_async_copy(it_ref.at[pl.ds(0, SLEN)],
                                  vbuf.at[0], sem_v).wait()

    n_batches = n_streams // SPW
    issue(0)

    def stream_body(w, _):
        issue(w)
        drain()
        return 0

    lax.fori_loop(1, n_batches, stream_body, 0)
    drain()

    def grp_body(g, _):
        qoff = g // (SLEN // LANES)
        coff = (g % (SLEN // LANES)) * LANES
        acc = (ubuf[qoff, pl.ds(coff, LANES)] *
               vbuf[qoff, pl.ds(coff, LANES)])
        for c in range(1, D):
            acc = acc + (ubuf[c * qpg + qoff, pl.ds(coff, LANES)] *
                         vbuf[c * qpg + qoff, pl.ds(coff, LANES)])
        outv[pl.ds(g * LANES, LANES)] = acc
        return 0

    lax.fori_loop(0, n_groups, grp_body, 0)

    pltpu.sync_copy(outv, out_ref.at[pl.ds(base, b_per_w)])


def _build(batch, n_rows):
    b_per_w = batch // NW
    n_streams = (b_per_w * D) // SLEN
    mesh = plsc.VectorSubcoreMesh(core_axis_name="c", subcore_axis_name="s")
    return pl.kernel(
        _mf_body,
        out_type=jax.ShapeDtypeStruct((batch,), jnp.float32),
        mesh=mesh,
        compiler_params=pltpu.CompilerParams(
            needs_layout_passes=False, use_tc_tiling_on_sc=False),
        scratch_types=[
            pltpu.VMEM((b_per_w,), jnp.int32),
            pltpu.VMEM((b_per_w,), jnp.int32),
            pltpu.VMEM((n_streams, SLEN), jnp.int32),
            pltpu.VMEM((n_streams, SLEN), jnp.int32),
            pltpu.VMEM((n_streams, SLEN), jnp.float32),
            pltpu.VMEM((n_streams, SLEN), jnp.float32),
            pltpu.VMEM((b_per_w,), jnp.float32),
            pltpu.SemaphoreType.DMA,
            pltpu.SemaphoreType.DMA,
            pltpu.SemaphoreType.DMA,
        ],
    )


@jax.jit
def kernel(user, item, user_table, item_table):
    batch = user.shape[0]
    n_rows = user_table.shape[0]
    ut_flat = user_table.T.reshape(-1)
    it_flat = item_table.T.reshape(-1)
    return _build(batch, n_rows)(user, item, ut_flat, it_flat)

# --- scband reference (transcript-rebuilt; emitter-appended) ---
"""Pipeline reference for scband-matrix-factorization-13932873909072 (READ-ONLY COPY).

The authoritative reference and input builder live on the scoring server;
editing this copy changes nothing except your own understanding.
"""

import jax, jax.numpy as jnp
import numpy as np

N_USERS = 1000000
N_ITEMS = 1000000
EMBED_DIM = 32
BATCH = 16384


def setup_inputs(seed: int = 0) -> dict:
    key = jax.random.key(seed)
    k1, k2, k3, k4 = jax.random.split(key, 4)
    user = jax.random.randint(k1, (BATCH,), 0, N_USERS, dtype=jnp.int64 if jax.config.jax_enable_x64 else jnp.int32)
    item = jax.random.randint(k2, (BATCH,), 0, N_ITEMS, dtype=jnp.int64 if jax.config.jax_enable_x64 else jnp.int32)
    user_table = jax.random.normal(k3, (N_USERS, EMBED_DIM), dtype=jnp.float32)
    item_table = jax.random.normal(k4, (N_ITEMS, EMBED_DIM), dtype=jnp.float32)
    return {"user": user, "item": item, "user_table": user_table, "item_table": item_table}


def reference(user, item, user_table, item_table):
    # Matrix factorization: dot product of user and item embeddings
    u = jnp.take(user_table, user, axis=0)  # [B, D] gather
    v = jnp.take(item_table, item, axis=0)  # [B, D] gather
    return (u * v).sum(axis=1)  # [B]

if __name__ == "__main__":
    import jax
    _d = setup_inputs()
    print(jax.jit(kernel)(*tuple(_d.values())))

</pallas_src>

<mosaic_0001>
#map = affine_map<(d0, d1) -> (0)>
module attributes {stable_mosaic.version = 14 : i64} {
  func.func @_mf_body(%arg0: i32, %arg1: i32, %arg2: memref<16384xi32, #tpu.memory_space<hbm>>, %arg3: memref<16384xi32, #tpu.memory_space<hbm>>, %arg4: memref<32000000xf32, #tpu.memory_space<hbm>>, %arg5: memref<32000000xf32, #tpu.memory_space<hbm>>, %arg6: memref<16384xf32, #tpu.memory_space<hbm>>, %arg7: memref<512xi32, #tpu.memory_space<vmem>>, %arg8: memref<512xi32, #tpu.memory_space<vmem>>, %arg9: memref<128x128xi32, #tpu.memory_space<vmem>>, %arg10: memref<128x128xi32, #tpu.memory_space<vmem>>, %arg11: memref<128x128xf32, #tpu.memory_space<vmem>>, %arg12: memref<128x128xf32, #tpu.memory_space<vmem>>, %arg13: memref<512xf32, #tpu.memory_space<vmem>>, %arg14: memref<!tpu.dma_semaphore, #tpu.memory_space<semaphore_mem>>, %arg15: memref<!tpu.dma_semaphore, #tpu.memory_space<semaphore_mem>>, %arg16: memref<!tpu.dma_semaphore, #tpu.memory_space<semaphore_mem>>) attributes {dimension_semantics = [#tpu.dimension_semantics<core_parallel>, #tpu.dimension_semantics<subcore_parallel>], iteration_bounds = array<i64: 2, 16>, scalar_prefetch = 0 : i64, scratch_operands = 10 : i64, tpu.core_type = #tpu.core_type<sc_vector_subcore>, window_params = [{transform_indices = #map}, {transform_indices = #map}, {transform_indices = #map}, {transform_indices = #map}, {transform_indices = #map}]} {
    %mul3A = arith.constant 2 : i32
    %mul3A_0 = arith.muli %arg1, %mul3A : i32
    %add3A = arith.addi %mul3A_0, %arg0 : i32
    %mul3A_1 = arith.constant 512 : i32
    %mul3A_2 = arith.muli %add3A, %mul3A_1 : i32
    %dma_start3A = tpu.memref_slice %arg2[%mul3A_2] : memref<16384xi32, #tpu.memory_space<hbm>> -> memref<512xi32, #tpu.memory_space<hbm>>
    %dma_start3A_3 = tpu.memref_slice %arg2[%mul3A_2] : memref<16384xi32, #tpu.memory_space<hbm>> -> memref<512xi32, #tpu.memory_space<hbm>>
    tpu.enqueue_dma source(%dma_start3A_3 : memref<512xi32, #tpu.memory_space<hbm>>) target(%arg7 : memref<512xi32, #tpu.memory_space<vmem>>) target_semaphore(%arg14 : memref<!tpu.dma_semaphore, #tpu.memory_space<semaphore_mem>>)
    %dma_start3A_4 = tpu.memref_slice %arg3[%mul3A_2] : memref<16384xi32, #tpu.memory_space<hbm>> -> memref<512xi32, #tpu.memory_space<hbm>>
    %dma_start3A_5 = tpu.memref_slice %arg3[%mul3A_2] : memref<16384xi32, #tpu.memory_space<hbm>> -> memref<512xi32, #tpu.memory_space<hbm>>
    tpu.enqueue_dma source(%dma_start3A_5 : memref<512xi32, #tpu.memory_space<hbm>>) target(%arg8 : memref<512xi32, #tpu.memory_space<vmem>>) target_semaphore(%arg14 : memref<!tpu.dma_semaphore, #tpu.memory_space<semaphore_mem>>)
    %dma_wait3A = tpu.memref_slice %arg2[%mul3A_2] : memref<16384xi32, #tpu.memory_space<hbm>> -> memref<512xi32, #tpu.memory_space<hbm>>
    %dma_wait3A_6 = tpu.memref_slice %arg2[%mul3A_2] : memref<16384xi32, #tpu.memory_space<hbm>> -> memref<512xi32, #tpu.memory_space<hbm>>
    tpu.wait_dma2 semaphore(%arg14 : memref<!tpu.dma_semaphore, #tpu.memory_space<semaphore_mem>>) src(%dma_wait3A_6 : memref<512xi32, #tpu.memory_space<hbm>>) dst(%arg7 : memref<512xi32, #tpu.memory_space<vmem>>)
    %dma_wait3A_7 = tpu.memref_slice %arg3[%mul3A_2] : memref<16384xi32, #tpu.memory_space<hbm>> -> memref<512xi32, #tpu.memory_space<hbm>>
    %dma_wait3A_8 = tpu.memref_slice %arg3[%mul3A_2] : memref<16384xi32, #tpu.memory_space<hbm>> -> memref<512xi32, #tpu.memory_space<hbm>>
    tpu.wait_dma2 semaphore(%arg14 : memref<!tpu.dma_semaphore, #tpu.memory_space<semaphore_mem>>) src(%dma_wait3A_8 : memref<512xi32, #tpu.memory_space<hbm>>) dst(%arg8 : memref<512xi32, #tpu.memory_space<vmem>>)
    %scan3A = arith.constant 0 : i32
    %scan3A_9 = arith.constant 0 : i32
    %scan3A_10 = arith.constant 32 : i32
    %scan3A_11 = arith.addi %scan3A_9, %scan3A_10 : i32
    %scan3A_12 = arith.constant 1 : i32
    %scan3A_13 = scf.for %scan3A_365 = %scan3A_9 to %scan3A_11 step %scan3A_12 iter_args(%scan3A_366 = %scan3A) -> (i32)  : i32 {
      %jit3A = arith.constant 8 : i32
      %div3A = arith.divsi %scan3A_365, %jit3A : i32
      %sign3A = arith.constant 0 : i32
      %sign3A_367 = arith.cmpi sgt, %scan3A_365, %sign3A : i32
      %sign3A_368 = arith.extui %sign3A_367 : i1 to i32
      %sign3A_369 = arith.constant 0 : i32
      %sign3A_370 = arith.cmpi slt, %scan3A_365, %sign3A_369 : i32
      %sign3A_371 = arith.extui %sign3A_370 : i1 to i32
      %sign3A_372 = arith.subi %sign3A_368, %sign3A_371 : i32
      %sign3A_373 = arith.constant 0 : i32
      %sign3A_374 = arith.cmpi sgt, %jit3A, %sign3A_373 : i32
      %sign3A_375 = arith.extui %sign3A_374 : i1 to i32
      %sign3A_376 = arith.constant 0 : i32
      %sign3A_377 = arith.cmpi slt, %jit3A, %sign3A_376 : i32
      %sign3A_378 = arith.extui %sign3A_377 : i1 to i32
      %sign3A_379 = arith.subi %sign3A_375, %sign3A_378 : i32
      %ne3A = arith.cmpi ne, %sign3A_372, %sign3A_379 : i32
      %rem3A = arith.remsi %scan3A_365, %jit3A : i32
      %ne3A_380 = arith.constant 0 : i32
      %ne3A_381 = arith.cmpi ne, %rem3A, %ne3A_380 : i32
      %and3A = arith.andi %ne3A, %ne3A_381 : i1
      %sub3A = arith.constant 1 : i32
      %sub3A_382 = arith.subi %div3A, %sub3A : i32
      %select_n3A = arith.select %and3A, %sub3A_382, %div3A : i32
      %jit3A_383 = arith.constant 8 : i32
      %eq3A = arith.constant 0 : i32
      %eq3A_384 = arith.cmpi eq, %jit3A_383, %eq3A : i32
      %jit3A_385 = arith.constant 1 : i32
      %select_n3A_386 = arith.select %eq3A_384, %jit3A_385, %jit3A_383 : i32
      %rem3A_387 = arith.remsi %scan3A_365, %select_n3A_386 : i32
      %ne3A_388 = arith.constant 0 : i32
      %ne3A_389 = arith.cmpi ne, %rem3A_387, %ne3A_388 : i32
      %lt3A = arith.constant 0 : i32
      %lt3A_390 = arith.cmpi slt, %rem3A_387, %lt3A : i32
      %lt3A_391 = arith.constant 0 : i32
      %lt3A_392 = arith.cmpi slt, %select_n3A_386, %lt3A_391 : i32
      %ne3A_393 = arith.xori %lt3A_390, %lt3A_392 : i1
      %and3A_394 = arith.andi %ne3A_393, %ne3A_389 : i1
      %add3A_395 = arith.addi %rem3A_387, %select_n3A_386 : i32
      %select_n3A_396 = arith.select %and3A_394, %add3A_395, %rem3A_387 : i32
      %mul3A_397 = arith.constant 16 : i32
      %mul3A_398 = arith.muli %select_n3A_396, %mul3A_397 : i32
      %mul3A_399 = arith.constant 16 : i32
      %mul3A_400 = arith.muli %scan3A_365, %mul3A_399 : i32
      %get3A = arith.index_cast %mul3A_400 : i32 to index
      %get3A_401 = tpu.vector_load %arg7[%get3A] {strides = array<i32>} : memref<512xi32, #tpu.memory_space<vmem>>, vector<16xi32>,
      %mul3A_402 = arith.constant 16 : i32
      %mul3A_403 = arith.muli %scan3A_365, %mul3A_402 : i32
      %get3A_404 = arith.index_cast %mul3A_403 : i32 to index
      %get3A_405 = tpu.vector_load %arg8[%get3A_404] {strides = array<i32>} : memref<512xi32, #tpu.memory_space<vmem>>, vector<16xi32>,
      %add3A_406 = arith.constant 0 : i32
      %add3A_407 = vector.broadcast %add3A_406 : i32 to vector<16xi32>
      %add3A_408 = arith.addi %get3A_401, %add3A_407 : vector<16xi32>
      %add3A_409 = arith.constant 0 : i32
      %add3A_410 = arith.addi %add3A_409, %select_n3A : i32
      %swap3A = arith.index_cast %add3A_410 : i32 to index
      %swap3A_411 = arith.index_cast %mul3A_398 : i32 to index
      %swap3A_412 = tpu.vector_load %arg9[%swap3A, %swap3A_411] {strides = array<i32>} : memref<128x128xi32, #tpu.memory_space<vmem>>, vector<16xi32>,
      tpu.vector_store %arg9[%swap3A, %swap3A_411], %add3A_408 {strides = array<i32>} : memref<128x128xi32, #tpu.memory_space<vmem>>, vector<16xi32>,
      %add3A_413 = arith.constant 0 : i32
      %add3A_414 = vector.broadcast %add3A_413 : i32 to vector<16xi32>
      %add3A_415 = arith.addi %get3A_405, %add3A_414 : vector<16xi32>
      %add3A_416 = arith.constant 0 : i32
      %add3A_417 = arith.addi %add3A_416, %select_n3A : i32
      %swap3A_418 = arith.index_cast %add3A_417 : i32 to index
      %swap3A_419 = arith.index_cast %mul3A_398 : i32 to index
      %swap3A_420 = tpu.vector_load %arg10[%swap3A_418, %swap3A_419] {strides = array<i32>} : memref<128x128xi32, #tpu.memory_space<vmem>>, vector<16xi32>,
      tpu.vector_store %arg10[%swap3A_418, %swap3A_419], %add3A_415 {strides = array<i32>} : memref<128x128xi32, #tpu.memory_space<vmem>>, vector<16xi32>,
      %add3A_421 = arith.constant 1000000 : i32
      %add3A_422 = vector.broadcast %add3A_421 : i32 to vector<16xi32>
      %add3A_423 = arith.addi %get3A_401, %add3A_422 : vector<16xi32>
      %add3A_424 = arith.constant 4 : i32
      %add3A_425 = arith.addi %add3A_424, %select_n3A : i32
      %swap3A_426 = arith.index_cast %add3A_425 : i32 to index
      %swap3A_427 = arith.index_cast %mul3A_398 : i32 to index
      %swap3A_428 = tpu.vector_load %arg9[%swap3A_426, %swap3A_427] {strides = array<i32>} : memref<128x128xi32, #tpu.memory_space<vmem>>, vector<16xi32>,
      tpu.vector_store %arg9[%swap3A_426, %swap3A_427], %add3A_423 {strides = array<i32>} : memref<128x128xi32, #tpu.memory_space<vmem>>, vector<16xi32>,
      %add3A_429 = arith.constant 1000000 : i32
      %add3A_430 = vector.broadcast %add3A_429 : i32 to vector<16xi32>
      %add3A_431 = arith.addi %get3A_405, %add3A_430 : vector<16xi32>
      %add3A_432 = arith.constant 4 : i32
      %add3A_433 = arith.addi %add3A_432, %select_n3A : i32
      %swap3A_434 = arith.index_cast %add3A_433 : i32 to index
      %swap3A_435 = arith.index_cast %mul3A_398 : i32 to index
      %swap3A_436 = tpu.vector_load %arg10[%swap3A_434, %swap3A_435] {strides = array<i32>} : memref<128x128xi32, #tpu.memory_space<vmem>>, vector<16xi32>,
      tpu.vector_store %arg10[%swap3A_434, %swap3A_435], %add3A_431 {strides = array<i32>} : memref<128x128xi32, #tpu.memory_space<vmem>>, vector<16xi32>,
      %add3A_437 = arith.constant 2000000 : i32
      %add3A_438 = vector.broadcast %add3A_437 : i32 to vector<16xi32>
      %add3A_439 = arith.addi %get3A_401, %add3A_438 : vector<16xi32>
      %add3A_440 = arith.constant 8 : i32
      %add3A_441 = arith.addi %add3A_440, %select_n3A : i32
      %swap3A_442 = arith.index_cast %add3A_441 : i32 to index
      %swap3A_443 = arith.index_cast %mul3A_398 : i32 to index
      %swap3A_444 = tpu.vector_load %arg9[%swap3A_442, %swap3A_443] {strides = array<i32>} : memref<128x128xi32, #tpu.memory_space<vmem>>, vector<16xi32>,
      tpu.vector_store %arg9[%swap3A_442, %swap3A_443], %add3A_439 {strides = array<i32>} : memref<128x128xi32, #tpu.memory_space<vmem>>, vector<16xi32>,
      %add3A_445 = arith.constant 2000000 : i32
      %add3A_446 = vector.broadcast %add3A_445 : i32 to vector<16xi32>
      %add3A_447 = arith.addi %get3A_405, %add3A_446 : vector<16xi32>
      %add3A_448 = arith.constant 8 : i32
      %add3A_449 = arith.addi %add3A_448, %select_n3A : i32
      %swap3A_450 = arith.index_cast %add3A_449 : i32 to index
      %swap3A_451 = arith.index_cast %mul3A_398 : i32 to index
      %swap3A_452 = tpu.vector_load %arg10[%swap3A_450, %swap3A_451] {strides = array<i32>} : memref<128x128xi32, #tpu.memory_space<vmem>>, vector<16xi32>,
      tpu.vector_store %arg10[%swap3A_450, %swap3A_451], %add3A_447 {strides = array<i32>} : memref<128x128xi32, #tpu.memory_space<vmem>>, vector<16xi32>,
      %add3A_453 = arith.constant 3000000 : i32
      %add3A_454 = vector.broadcast %add3A_453 : i32 to vector<16xi32>
      %add3A_455 = arith.addi %get3A_401, %add3A_454 : vector<16xi32>
      %add3A_456 = arith.constant 12 : i32
      %add3A_457 = arith.addi %add3A_456, %select_n3A : i32
      %swap3A_458 = arith.index_cast %add3A_457 : i32 to index
      %swap3A_459 = arith.index_cast %mul3A_398 : i32 to index
      %swap3A_460 = tpu.vector_load %arg9[%swap3A_458, %swap3A_459] {strides = array<i32>} : memref<128x128xi32, #tpu.memory_space<vmem>>, vector<16xi32>,
      tpu.vector_store %arg9[%swap3A_458, %swap3A_459], %add3A_455 {strides = array<i32>} : memref<128x128xi32, #tpu.memory_space<vmem>>, vector<16xi32>,
      %add3A_461 = arith.constant 3000000 : i32
      %add3A_462 = vector.broadcast %add3A_461 : i32 to vector<16xi32>
      %add3A_463 = arith.addi %get3A_405, %add3A_462 : vector<16xi32>
      %add3A_464 = arith.constant 12 : i32
      %add3A_465 = arith.addi %add3A_464, %select_n3A : i32
      %swap3A_466 = arith.index_cast %add3A_465 : i32 to index
      %swap3A_467 = arith.index_cast %mul3A_398 : i32 to index
      %swap3A_468 = tpu.vector_load %arg10[%swap3A_466, %swap3A_467] {strides = array<i32>} : memref<128x128xi32, #tpu.memory_space<vmem>>, vector<16xi32>,
      tpu.vector_store %arg10[%swap3A_466, %swap3A_467], %add3A_463 {strides = array<i32>} : memref<128x128xi32, #tpu.memory_space<vmem>>, vector<16xi32>,
      %add3A_469 = arith.constant 4000000 : i32
      %add3A_470 = vector.broadcast %add3A_469 : i32 to vector<16xi32>
      %add3A_471 = arith.addi %get3A_401, %add3A_470 : vector<16xi32>
      %add3A_472 = arith.constant 16 : i32
      %add3A_473 = arith.addi %add3A_472, %select_n3A : i32
      %swap3A_474 = arith.index_cast %add3A_473 : i32 to index
      %swap3A_475 = arith.index_cast %mul3A_398 : i32 to index
      %swap3A_476 = tpu.vector_load %arg9[%swap3A_474, %swap3A_475] {strides = array<i32>} : memref<128x128xi32, #tpu.memory_space<vmem>>, vector<16xi32>,
      tpu.vector_store %arg9[%swap3A_474, %swap3A_475], %add3A_471 {strides = array<i32>} : memref<128x128xi32, #tpu.memory_space<vmem>>, vector<16xi32>,
      %add3A_477 = arith.constant 4000000 : i32
      %add3A_478 = vector.broadcast %add3A_477 : i32 to vector<16xi32>
      %add3A_479 = arith.addi %get3A_405, %add3A_478 : vector<16xi32>
      %add3A_480 = arith.constant 16 : i32
      %add3A_481 = arith.addi %add3A_480, %select_n3A : i32
      %swap3A_482 = arith.index_cast %add3A_481 : i32 to index
      %swap3A_483 = arith.index_cast %mul3A_398 : i32 to index
      %swap3A_484 = tpu.vector_load %arg10[%swap3A_482, %swap3A_483] {strides = array<i32>} : memref<128x128xi32, #tpu.memory_space<vmem>>, vector<16xi32>,
      tpu.vector_store %arg10[%swap3A_482, %swap3A_483], %add3A_479 {strides = array<i32>} : memref<128x128xi32, #tpu.memory_space<vmem>>, vector<16xi32>,
      %add3A_485 = arith.constant 5000000 : i32
      %add3A_486 = vector.broadcast %add3A_485 : i32 to vector<16xi32>
      %add3A_487 = arith.addi %get3A_401, %add3A_486 : vector<16xi32>
      %add3A_488 = arith.constant 20 : i32
      %add3A_489 = arith.addi %add3A_488, %select_n3A : i32
      %swap3A_490 = arith.index_cast %add3A_489 : i32 to index
      %swap3A_491 = arith.index_cast %mul3A_398 : i32 to index
      %swap3A_492 = tpu.vector_load %arg9[%swap3A_490, %swap3A_491] {strides = array<i32>} : memref<128x128xi32, #tpu.memory_space<vmem>>, vector<16xi32>,
      tpu.vector_store %arg9[%swap3A_490, %swap3A_491], %add3A_487 {strides = array<i32>} : memref<128x128xi32, #tpu.memory_space<vmem>>, vector<16xi32>,
      %add3A_493 = arith.constant 5000000 : i32
      %add3A_494 = vector.broadcast %add3A_493 : i32 to vector<16xi32>
      %add3A_495 = arith.addi %get3A_405, %add3A_494 : vector<16xi32>
      %add3A_496 = arith.constant 20 : i32
      %add3A_497 = arith.addi %add3A_496, %select_n3A : i32
      %swap3A_498 = arith.index_cast %add3A_497 : i32 to index
      %swap3A_499 = arith.index_cast %mul3A_398 : i32 to index
      %swap3A_500 = tpu.vector_load %arg10[%swap3A_498, %swap3A_499] {strides = array<i32>} : memref<128x128xi32, #tpu.memory_space<vmem>>, vector<16xi32>,
      tpu.vector_store %arg10[%swap3A_498, %swap3A_499], %add3A_495 {strides = array<i32>} : memref<128x128xi32, #tpu.memory_space<vmem>>, vector<16xi32>,
      %add3A_501 = arith.constant 6000000 : i32
      %add3A_502 = vector.broadcast %add3A_501 : i32 to vector<16xi32>
      %add3A_503 = arith.addi %get3A_401, %add3A_502 : vector<16xi32>
      %add3A_504 = arith.constant 24 : i32
      %add3A_505 = arith.addi %add3A_504, %select_n3A : i32
      %swap3A_506 = arith.index_cast %add3A_505 : i32 to index
      %swap3A_507 = arith.index_cast %mul3A_398 : i32 to index
      %swap3A_508 = tpu.vector_load %arg9[%swap3A_506, %swap3A_507] {strides = array<i32>} : memref<128x128xi32, #tpu.memory_space<vmem>>, vector<16xi32>,
      tpu.vector_store %arg9[%swap3A_506, %swap3A_507], %add3A_503 {strides = array<i32>} : memref<128x128xi32, #tpu.memory_space<vmem>>, vector<16xi32>,
      %add3A_509 = arith.constant 6000000 : i32
      %add3A_510 = vector.broadcast %add3A_509 : i32 to vector<16xi32>
      %add3A_511 = arith.addi %get3A_405, %add3A_510 : vector<16xi32>
      %add3A_512 = arith.constant 24 : i32
      %add3A_513 = arith.addi %add3A_512, %select_n3A : i32
      %swap3A_514 = arith.index_cast %add3A_513 : i32 to index
      %swap3A_515 = arith.index_cast %mul3A_398 : i32 to index
      %swap3A_516 = tpu.vector_load %arg10[%swap3A_514, %swap3A_515] {strides = array<i32>} : memref<128x128xi32, #tpu.memory_space<vmem>>, vector<16xi32>,
      tpu.vector_store %arg10[%swap3A_514, %swap3A_515], %add3A_511 {strides = array<i32>} : memref<128x128xi32, #tpu.memory_space<vmem>>, vector<16xi32>,
      %add3A_517 = arith.constant 7000000 : i32
      %add3A_518 = vector.broadcast %add3A_517 : i32 to vector<16xi32>
      %add3A_519 = arith.addi %get3A_401, %add3A_518 : vector<16xi32>
      %add3A_520 = arith.constant 28 : i32
      %add3A_521 = arith.addi %add3A_520, %select_n3A : i32
      %swap3A_522 = arith.index_cast %add3A_521 : i32 to index
      %swap3A_523 = arith.index_cast %mul3A_398 : i32 to index
      %swap3A_524 = tpu.vector_load %arg9[%swap3A_522, %swap3A_523] {strides = array<i32>} : memref<128x128xi32, #tpu.memory_space<vmem>>, vector<16xi32>,
      tpu.vector_store %arg9[%swap3A_522, %swap3A_523], %add3A_519 {strides = array<i32>} : memref<128x128xi32, #tpu.memory_space<vmem>>, vector<16xi32>,
      %add3A_525 = arith.constant 7000000 : i32
      %add3A_526 = vector.broadcast %add3A_525 : i32 to vector<16xi32>
      %add3A_527 = arith.addi %get3A_405, %add3A_526 : vector<16xi32>
      %add3A_528 = arith.constant 28 : i32
      %add3A_529 = arith.addi %add3A_528, %select_n3A : i32
      %swap3A_530 = arith.index_cast %add3A_529 : i32 to index
      %swap3A_531 = arith.index_cast %mul3A_398 : i32 to index
      %swap3A_532 = tpu.vector_load %arg10[%swap3A_530, %swap3A_531] {strides = array<i32>} : memref<128x128xi32, #tpu.memory_space<vmem>>, vector<16xi32>,
      tpu.vector_store %arg10[%swap3A_530, %swap3A_531], %add3A_527 {strides = array<i32>} : memref<128x128xi32, #tpu.memory_space<vmem>>, vector<16xi32>,
      %add3A_533 = arith.constant 8000000 : i32
      %add3A_534 = vector.broadcast %add3A_533 : i32 to vector<16xi32>
      %add3A_535 = arith.addi %get3A_401, %add3A_534 : vector<16xi32>
      %add3A_536 = arith.constant 32 : i32
      %add3A_537 = arith.addi %add3A_536, %select_n3A : i32
      %swap3A_538 = arith.index_cast %add3A_537 : i32 to index
      %swap3A_539 = arith.index_cast %mul3A_398 : i32 to index
      %swap3A_540 = tpu.vector_load %arg9[%swap3A_538, %swap3A_539] {strides = array<i32>} : memref<128x128xi32, #tpu.memory_space<vmem>>, vector<16xi32>,
      tpu.vector_store %arg9[%swap3A_538, %swap3A_539], %add3A_535 {strides = array<i32>} : memref<128x128xi32, #tpu.memory_space<vmem>>, vector<16xi32>,
      %add3A_541 = arith.constant 8000000 : i32
      %add3A_542 = vector.broadcast %add3A_541 : i32 to vector<16xi32>
      %add3A_543 = arith.addi %get3A_405, %add3A_542 : vector<16xi32>
      %add3A_544 = arith.constant 32 : i32
      %add3A_545 = arith.addi %add3A_544, %select_n3A : i32
      %swap3A_546 = arith.index_cast %add3A_545 : i32 to index
      %swap3A_547 = arith.index_cast %mul3A_398 : i32 to index
      %swap3A_548 = tpu.vector_load %arg10[%swap3A_546, %swap3A_547] {strides = array<i32>} : memref<128x128xi32, #tpu.memory_space<vmem>>, vector<16xi32>,
      tpu.vector_store %arg10[%swap3A_546, %swap3A_547], %add3A_543 {strides = array<i32>} : memref<128x128xi32, #tpu.memory_space<vmem>>, vector<16xi32>,
      %add3A_549 = arith.constant 9000000 : i32
      %add3A_550 = vector.broadcast %add3A_549 : i32 to vector<16xi32>
      %add3A_551 = arith.addi %get3A_401, %add3A_550 : vector<16xi32>
      %add3A_552 = arith.constant 36 : i32
      %add3A_553 = arith.addi %add3A_552, %select_n3A : i32
      %swap3A_554 = arith.index_cast %add3A_553 : i32 to index
      %swap3A_555 = arith.index_cast %mul3A_398 : i32 to index
      %swap3A_556 = tpu.vector_load %arg9[%swap3A_554, %swap3A_555] {strides = array<i32>} : memref<128x128xi32, #tpu.memory_space<vmem>>, vector<16xi32>,
      tpu.vector_store %arg9[%swap3A_554, %swap3A_555], %add3A_551 {strides = array<i32>} : memref<128x128xi32, #tpu.memory_space<vmem>>, vector<16xi32>,
      %add3A_557 = arith.constant 9000000 : i32
      %add3A_558 = vector.broadcast %add3A_557 : i32 to vector<16xi32>
      %add3A_559 = arith.addi %get3A_405, %add3A_558 : vector<16xi32>
      %add3A_560 = arith.constant 36 : i32
      %add3A_561 = arith.addi %add3A_560, %select_n3A : i32
      %swap3A_562 = arith.index_cast %add3A_561 : i32 to index
      %swap3A_563 = arith.index_cast %mul3A_398 : i32 to index
      %swap3A_564 = tpu.vector_load %arg10[%swap3A_562, %swap3A_563] {strides = array<i32>} : memref<128x128xi32, #tpu.memory_space<vmem>>, vector<16xi32>,
      tpu.vector_store %arg10[%swap3A_562, %swap3A_563], %add3A_559 {strides = array<i32>} : memref<128x128xi32, #tpu.memory_space<vmem>>, vector<16xi32>,
      %add3A_565 = arith.constant 10000000 : i32
      %add3A_566 = vector.broadcast %add3A_565 : i32 to vector<16xi32>
      %add3A_567 = arith.addi %get3A_401, %add3A_566 : vector<16xi32>
      %add3A_568 = arith.constant 40 : i32
      %add3A_569 = arith.addi %add3A_568, %select_n3A : i32
      %swap3A_570 = arith.index_cast %add3A_569 : i32 to index
      %swap3A_571 = arith.index_cast %mul3A_398 : i32 to index
      %swap3A_572 = tpu.vector_load %arg9[%swap3A_570, %swap3A_571] {strides = array<i32>} : memref<128x128xi32, #tpu.memory_space<vmem>>, vector<16xi32>,
      tpu.vector_store %arg9[%swap3A_570, %swap3A_571], %add3A_567 {strides = array<i32>} : memref<128x128xi32, #tpu.memory_space<vmem>>, vector<16xi32>,
      %add3A_573 = arith.constant 10000000 : i32
      %add3A_574 = vector.broadcast %add3A_573 : i32 to vector<16xi32>
      %add3A_575 = arith.addi %get3A_405, %add3A_574 : vector<16xi32>
      %add3A_576 = arith.constant 40 : i32
      %add3A_577 = arith.addi %add3A_576, %select_n3A : i32
      %swap3A_578 = arith.index_cast %add3A_577 : i32 to index
      %swap3A_579 = arith.index_cast %mul3A_398 : i32 to index
      %swap3A_580 = tpu.vector_load %arg10[%swap3A_578, %swap3A_579] {strides = array<i32>} : memref<128x128xi32, #tpu.memory_space<vmem>>, vector<16xi32>,
      tpu.vector_store %arg10[%swap3A_578, %swap3A_579], %add3A_575 {strides = array<i32>} : memref<128x128xi32, #tpu.memory_space<vmem>>, vector<16xi32>,
      %add3A_581 = arith.constant 11000000 : i32
      %add3A_582 = vector.broadcast %add3A_581 : i32 to vector<16xi32>
      %add3A_583 = arith.addi %get3A_401, %add3A_582 : vector<16xi32>
      %add3A_584 = arith.constant 44 : i32
      %add3A_585 = arith.addi %add3A_584, %select_n3A : i32
      %swap3A_586 = arith.index_cast %add3A_585 : i32 to index
      %swap3A_587 = arith.index_cast %mul3A_398 : i32 to index
      %swap3A_588 = tpu.vector_load %arg9[%swap3A_586, %swap3A_587] {strides = array<i32>} : memref<128x128xi32, #tpu.memory_space<vmem>>, vector<16xi32>,
      tpu.vector_store %arg9[%swap3A_586, %swap3A_587], %add3A_583 {strides = array<i32>} : memref<128x128xi32, #tpu.memory_space<vmem>>, vector<16xi32>,
      %add3A_589 = arith.constant 11000000 : i32
      %add3A_590 = vector.broadcast %add3A_589 : i32 to vector<16xi32>
      %add3A_591 = arith.addi %get3A_405, %add3A_590 : vector<16xi32>
      %add3A_592 = arith.constant 44 : i32
      %add3A_593 = arith.addi %add3A_592, %select_n3A : i32
      %swap3A_594 = arith.index_cast %add3A_593 : i32 to index
      %swap3A_595 = arith.index_cast %mul3A_398 : i32 to index
      %swap3A_596 = tpu.vector_load %arg10[%swap3A_594, %swap3A_595] {strides = array<i32>} : memref<128x128xi32, #tpu.memory_space<vmem>>, vector<16xi32>,
      tpu.vector_store %arg10[%swap3A_594, %swap3A_595], %add3A_591 {strides = array<i32>} : memref<128x128xi32, #tpu.memory_space<vmem>>, vector<16xi32>,
      %add3A_597 = arith.constant 12000000 : i32
      %add3A_598 = vector.broadcast %add3A_597 : i32 to vector<16xi32>
      %add3A_599 = arith.addi %get3A_401, %add3A_598 : vector<16xi32>
      %add3A_600 = arith.constant 48 : i32
      %add3A_601 = arith.addi %add3A_600, %select_n3A : i32
      %swap3A_602 = arith.index_cast %add3A_601 : i32 to index
      %swap3A_603 = arith.index_cast %mul3A_398 : i32 to index
      %swap3A_604 = tpu.vector_load %arg9[%swap3A_602, %swap3A_603] {strides = array<i32>} : memref<128x128xi32, #tpu.memory_space<vmem>>, vector<16xi32>,
      tpu.vector_store %arg9[%swap3A_602, %swap3A_603], %add3A_599 {strides = array<i32>} : memref<128x128xi32, #tpu.memory_space<vmem>>, vector<16xi32>,
      %add3A_605 = arith.constant 12000000 : i32
      %add3A_606 = vector.broadcast %add3A_605 : i32 to vector<16xi32>
      %add3A_607 = arith.addi %get3A_405, %add3A_606 : vector<16xi32>
      %add3A_608 = arith.constant 48 : i32
      %add3A_609 = arith.addi %add3A_608, %select_n3A : i32
      %swap3A_610 = arith.index_cast %add3A_609 : i32 to index
      %swap3A_611 = arith.index_cast %mul3A_398 : i32 to index
      %swap3A_612 = tpu.vector_load %arg10[%swap3A_610, %swap3A_611] {strides = array<i32>} : memref<128x128xi32, #tpu.memory_space<vmem>>, vector<16xi32>,
      tpu.vector_store %arg10[%swap3A_610, %swap3A_611], %add3A_607 {strides = array<i32>} : memref<128x128xi32, #tpu.memory_space<vmem>>, vector<16xi32>,
      %add3A_613 = arith.constant 13000000 : i32
      %add3A_614 = vector.broadcast %add3A_613 : i32 to vector<16xi32>
      %add3A_615 = arith.addi %get3A_401, %add3A_614 : vector<16xi32>
      %add3A_616 = arith.constant 52 : i32
      %add3A_617 = arith.addi %add3A_616, %select_n3A : i32
      %swap3A_618 = arith.index_cast %add3A_617 : i32 to index
      %swap3A_619 = arith.index_cast %mul3A_398 : i32 to index
      %swap3A_620 = tpu.vector_load %arg9[%swap3A_618, %swap3A_619] {strides = array<i32>} : memref<128x128xi32, #tpu.memory_space<vmem>>, vector<16xi32>,
      tpu.vector_store %arg9[%swap3A_618, %swap3A_619], %add3A_615 {strides = array<i32>} : memref<128x128xi32, #tpu.memory_space<vmem>>, vector<16xi32>,
      %add3A_621 = arith.constant 13000000 : i32
      %add3A_622 = vector.broadcast %add3A_621 : i32 to vector<16xi32>
      %add3A_623 = arith.addi %get3A_405, %add3A_622 : vector<16xi32>
      %add3A_624 = arith.constant 52 : i32
      %add3A_625 = arith.addi %add3A_624, %select_n3A : i32
      %swap3A_626 = arith.index_cast %add3A_625 : i32 to index
      %swap3A_627 = arith.index_cast %mul3A_398 : i32 to index
      %swap3A_628 = tpu.vector_load %arg10[%swap3A_626, %swap3A_627] {strides = array<i32>} : memref<128x128xi32, #tpu.memory_space<vmem>>, vector<16xi32>,
      tpu.vector_store %arg10[%swap3A_626, %swap3A_627], %add3A_623 {strides = array<i32>} : memref<128x128xi32, #tpu.memory_space<vmem>>, vector<16xi32>,
      %add3A_629 = arith.constant 14000000 : i32
      %add3A_630 = vector.broadcast %add3A_629 : i32 to vector<16xi32>
      %add3A_631 = arith.addi %get3A_401, %add3A_630 : vector<16xi32>
      %add3A_632 = arith.constant 56 : i32
      %add3A_633 = arith.addi %add3A_632, %select_n3A : i32
      %swap3A_634 = arith.index_cast %add3A_633 : i32 to index
      %swap3A_635 = arith.index_cast %mul3A_398 : i32 to index
      %swap3A_636 = tpu.vector_load %arg9[%swap3A_634, %swap3A_635] {strides = array<i32>} : memref<128x128xi32, #tpu.memory_space<vmem>>, vector<16xi32>,
      tpu.vector_store %arg9[%swap3A_634, %swap3A_635], %add3A_631 {strides = array<i32>} : memref<128x128xi32, #tpu.memory_space<vmem>>, vector<16xi32>,
      %add3A_637 = arith.constant 14000000 : i32
      %add3A_638 = vector.broadcast %add3A_637 : i32 to vector<16xi32>
      %add3A_639 = arith.addi %get3A_405, %add3A_638 : vector<16xi32>
      %add3A_640 = arith.constant 56 : i32
      %add3A_641 = arith.addi %add3A_640, %select_n3A : i32
      %swap3A_642 = arith.index_cast %add3A_641 : i32 to index
      %swap3A_643 = arith.index_cast %mul3A_398 : i32 to index
      %swap3A_644 = tpu.vector_load %arg10[%swap3A_642, %swap3A_643] {strides = array<i32>} : memref<128x128xi32, #tpu.memory_space<vmem>>, vector<16xi32>,
      tpu.vector_store %arg10[%swap3A_642, %swap3A_643], %add3A_639 {strides = array<i32>} : memref<128x128xi32, #tpu.memory_space<vmem>>, vector<16xi32>,
      %add3A_645 = arith.constant 15000000 : i32
      %add3A_646 = vector.broadcast %add3A_645 : i32 to vector<16xi32>
      %add3A_647 = arith.addi %get3A_401, %add3A_646 : vector<16xi32>
      %add3A_648 = arith.constant 60 : i32
      %add3A_649 = arith.addi %add3A_648, %select_n3A : i32
      %swap3A_650 = arith.index_cast %add3A_649 : i32 to index
      %swap3A_651 = arith.index_cast %mul3A_398 : i32 to index
      %swap3A_652 = tpu.vector_load %arg9[%swap3A_650, %swap3A_651] {strides = array<i32>} : memref<128x128xi32, #tpu.memory_space<vmem>>, vector<16xi32>,
      tpu.vector_store %arg9[%swap3A_650, %swap3A_651], %add3A_647 {strides = array<i32>} : memref<128x128xi32, #tpu.memory_space<vmem>>, vector<16xi32>,
      %add3A_653 = arith.constant 15000000 : i32
      %add3A_654 = vector.broadcast %add3A_653 : i32 to vector<16xi32>
      %add3A_655 = arith.addi %get3A_405, %add3A_654 : vector<16xi32>
      %add3A_656 = arith.constant 60 : i32
      %add3A_657 = arith.addi %add3A_656, %select_n3A : i32
      %swap3A_658 = arith.index_cast %add3A_657 : i32 to index
      %swap3A_659 = arith.index_cast %mul3A_398 : i32 to index
      %swap3A_660 = tpu.vector_load %arg10[%swap3A_658, %swap3A_659] {strides = array<i32>} : memref<128x128xi32, #tpu.memory_space<vmem>>, vector<16xi32>,
      tpu.vector_store %arg10[%swap3A_658, %swap3A_659], %add3A_655 {strides = array<i32>} : memref<128x128xi32, #tpu.memory_space<vmem>>, vector<16xi32>,
      %add3A_661 = arith.constant 16000000 : i32
      %add3A_662 = vector.broadcast %add3A_661 : i32 to vector<16xi32>
      %add3A_663 = arith.addi %get3A_401, %add3A_662 : vector<16xi32>
      %add3A_664 = arith.constant 64 : i32
      %add3A_665 = arith.addi %add3A_664, %select_n3A : i32
      %swap3A_666 = arith.index_cast %add3A_665 : i32 to index
      %swap3A_667 = arith.index_cast %mul3A_398 : i32 to index
      %swap3A_668 = tpu.vector_load %arg9[%swap3A_666, %swap3A_667] {strides = array<i32>} : memref<128x128xi32, #tpu.memory_space<vmem>>, vector<16xi32>,
      tpu.vector_store %arg9[%swap3A_666, %swap3A_667], %add3A_663 {strides = array<i32>} : memref<128x128xi32, #tpu.memory_space<vmem>>, vector<16xi32>,
      %add3A_669 = arith.constant 16000000 : i32
      %add3A_670 = vector.broadcast %add3A_669 : i32 to vector<16xi32>
      %add3A_671 = arith.addi %get3A_405, %add3A_670 : vector<16xi32>
      %add3A_672 = arith.constant 64 : i32
      %add3A_673 = arith.addi %add3A_672, %select_n3A : i32
      %swap3A_674 = arith.index_cast %add3A_673 : i32 to index
      %swap3A_675 = arith.index_cast %mul3A_398 : i32 to index
      %swap3A_676 = tpu.vector_load %arg10[%swap3A_674, %swap3A_675] {strides = array<i32>} : memref<128x128xi32, #tpu.memory_space<vmem>>, vector<16xi32>,
      tpu.vector_store %arg10[%swap3A_674, %swap3A_675], %add3A_671 {strides = array<i32>} : memref<128x128xi32, #tpu.memory_space<vmem>>, vector<16xi32>,
      %add3A_677 = arith.constant 17000000 : i32
      %add3A_678 = vector.broadcast %add3A_677 : i32 to vector<16xi32>
      %add3A_679 = arith.addi %get3A_401, %add3A_678 : vector<16xi32>
      %add3A_680 = arith.constant 68 : i32
      %add3A_681 = arith.addi %add3A_680, %select_n3A : i32
      %swap3A_682 = arith.index_cast %add3A_681 : i32 to index
      %swap3A_683 = arith.index_cast %mul3A_398 : i32 to index
      %swap3A_684 = tpu.vector_load %arg9[%swap3A_682, %swap3A_683] {strides = array<i32>} : memref<128x128xi32, #tpu.memory_space<vmem>>, vector<16xi32>,
      tpu.vector_store %arg9[%swap3A_682, %swap3A_683], %add3A_679 {strides = array<i32>} : memref<128x128xi32, #tpu.memory_space<vmem>>, vector<16xi32>,
      %add3A_685 = arith.constant 17000000 : i32
      %add3A_686 = vector.broadcast %add3A_685 : i32 to vector<16xi32>
      %add3A_687 = arith.addi %get3A_405, %add3A_686 : vector<16xi32>
      %add3A_688 = arith.constant 68 : i32
      %add3A_689 = arith.addi %add3A_688, %select_n3A : i32
      %swap3A_690 = arith.index_cast %add3A_689 : i32 to index
      %swap3A_691 = arith.index_cast %mul3A_398 : i32 to index
      %swap3A_692 = tpu.vector_load %arg10[%swap3A_690, %swap3A_691] {strides = array<i32>} : memref<128x128xi32, #tpu.memory_space<vmem>>, vector<16xi32>,
      tpu.vector_store %arg10[%swap3A_690, %swap3A_691], %add3A_687 {strides = array<i32>} : memref<128x128xi32, #tpu.memory_space<vmem>>, vector<16xi32>,
      %add3A_693 = arith.constant 18000000 : i32
      %add3A_694 = vector.broadcast %add3A_693 : i32 to vector<16xi32>
      %add3A_695 = arith.addi %get3A_401, %add3A_694 : vector<16xi32>
      %add3A_696 = arith.constant 72 : i32
      %add3A_697 = arith.addi %add3A_696, %select_n3A : i32
      %swap3A_698 = arith.index_cast %add3A_697 : i32 to index
      %swap3A_699 = arith.index_cast %mul3A_398 : i32 to index
      %swap3A_700 = tpu.vector_load %arg9[%swap3A_698, %swap3A_699] {strides = array<i32>} : memref<128x128xi32, #tpu.memory_space<vmem>>, vector<16xi32>,
      tpu.vector_store %arg9[%swap3A_698, %swap3A_699], %add3A_695 {strides = array<i32>} : memref<128x128xi32, #tpu.memory_space<vmem>>, vector<16xi32>,
      %add3A_701 = arith.constant 18000000 : i32
      %add3A_702 = vector.broadcast %add3A_701 : i32 to vector<16xi32>
      %add3A_703 = arith.addi %get3A_405, %add3A_702 : vector<16xi32>
      %add3A_704 = arith.constant 72 : i32
      %add3A_705 = arith.addi %add3A_704, %select_n3A : i32
      %swap3A_706 = arith.index_cast %add3A_705 : i32 to index
      %swap3A_707 = arith.index_cast %mul3A_398 : i32 to index
      %swap3A_708 = tpu.vector_load %arg10[%swap3A_706, %swap3A_707] {strides = array<i32>} : memref<128x128xi32, #tpu.memory_space<vmem>>, vector<16xi32>,
      tpu.vector_store %arg10[%swap3A_706, %swap3A_707], %add3A_703 {strides = array<i32>} : memref<128x128xi32, #tpu.memory_space<vmem>>, vector<16xi32>,
      %add3A_709 = arith.constant 19000000 : i32
      %add3A_710 = vector.broadcast %add3A_709 : i32 to vector<16xi32>
      %add3A_711 = arith.addi %get3A_401, %add3A_710 : vector<16xi32>
      %add3A_712 = arith.constant 76 : i32
      %add3A_713 = arith.addi %add3A_712, %select_n3A : i32
      %swap3A_714 = arith.index_cast %add3A_713 : i32 to index
      %swap3A_715 = arith.index_cast %mul3A_398 : i32 to index
      %swap3A_716 = tpu.vector_load %arg9[%swap3A_714, %swap3A_715] {strides = array<i32>} : memref<128x128xi32, #tpu.memory_space<vmem>>, vector<16xi32>,
      tpu.vector_store %arg9[%swap3A_714, %swap3A_715], %add3A_711 {strides = array<i32>} : memref<128x128xi32, #tpu.memory_space<vmem>>, vector<16xi32>,
      %add3A_717 = arith.constant 19000000 : i32
      %add3A_718 = vector.broadcast %add3A_717 : i32 to vector<16xi32>
      %add3A_719 = arith.addi %get3A_405, %add3A_718 : vector<16xi32>
      %add3A_720 = arith.constant 76 : i32
      %add3A_721 = arith.addi %add3A_720, %select_n3A : i32
      %swap3A_722 = arith.index_cast %add3A_721 : i32 to index
      %swap3A_723 = arith.index_cast %mul3A_398 : i32 to index
      %swap3A_724 = tpu.vector_load %arg10[%swap3A_722, %swap3A_723] {strides = array<i32>} : memref<128x128xi32, #tpu.memory_space<vmem>>, vector<16xi32>,
      tpu.vector_store %arg10[%swap3A_722, %swap3A_723], %add3A_719 {strides = array<i32>} : memref<128x128xi32, #tpu.memory_space<vmem>>, vector<16xi32>,
      %add3A_725 = arith.constant 20000000 : i32
      %add3A_726 = vector.broadcast %add3A_725 : i32 to vector<16xi32>
      %add3A_727 = arith.addi %get3A_401, %add3A_726 : vector<16xi32>
      %add3A_728 = arith.constant 80 : i32
      %add3A_729 = arith.addi %add3A_728, %select_n3A : i32
      %swap3A_730 = arith.index_cast %add3A_729 : i32 to index
      %swap3A_731 = arith.index_cast %mul3A_398 : i32 to index
      %swap3A_732 = tpu.vector_load %arg9[%swap3A_730, %swap3A_731] {strides = array<i32>} : memref<128x128xi32, #tpu.memory_space<vmem>>, vector<16xi32>,
      tpu.vector_store %arg9[%swap3A_730, %swap3A_731], %add3A_727 {strides = array<i32>} : memref<128x128xi32, #tpu.memory_space<vmem>>, vector<16xi32>,
      %add3A_733 = arith.constant 20000000 : i32
      %add3A_734 = vector.broadcast %add3A_733 : i32 to vector<16xi32>
      %add3A_735 = arith.addi %get3A_405, %add3A_734 : vector<16xi32>
      %add3A_736 = arith.constant 80 : i32
      %add3A_737 = arith.addi %add3A_736, %select_n3A : i32
      %swap3A_738 = arith.index_cast %add3A_737 : i32 to index
      %swap3A_739 = arith.index_cast %mul3A_398 : i32 to index
      %swap3A_740 = tpu.vector_load %arg10[%swap3A_738, %swap3A_739] {strides = array<i32>} : memref<128x128xi32, #tpu.memory_space<vmem>>, vector<16xi32>,
      tpu.vector_store %arg10[%swap3A_738, %swap3A_739], %add3A_735 {strides = array<i32>} : memref<128x128xi32, #tpu.memory_space<vmem>>, vector<16xi32>,
      %add3A_741 = arith.constant 21000000 : i32
      %add3A_742 = vector.broadcast %add3A_741 : i32 to vector<16xi32>
      %add3A_743 = arith.addi %get3A_401, %add3A_742 : vector<16xi32>
      %add3A_744 = arith.constant 84 : i32
      %add3A_745 = arith.addi %add3A_744, %select_n3A : i32
      %swap3A_746 = arith.index_cast %add3A_745 : i32 to index
      %swap3A_747 = arith.index_cast %mul3A_398 : i32 to index
      %swap3A_748 = tpu.vector_load %arg9[%swap3A_746, %swap3A_747] {strides = array<i32>} : memref<128x128xi32, #tpu.memory_space<vmem>>, vector<16xi32>,
      tpu.vector_store %arg9[%swap3A_746, %swap3A_747], %add3A_743 {strides = array<i32>} : memref<128x128xi32, #tpu.memory_space<vmem>>, vector<16xi32>,
      %add3A_749 = arith.constant 21000000 : i32
      %add3A_750 = vector.broadcast %add3A_749 : i32 to vector<16xi32>
      %add3A_751 = arith.addi %get3A_405, %add3A_750 : vector<16xi32>
      %add3A_752 = arith.constant 84 : i32
      %add3A_753 = arith.addi %add3A_752, %select_n3A : i32
      %swap3A_754 = arith.index_cast %add3A_753 : i32 to index
      %swap3A_755 = arith.index_cast %mul3A_398 : i32 to index
      %swap3A_756 = tpu.vector_load %arg10[%swap3A_754, %swap3A_755] {strides = array<i32>} : memref<128x128xi32, #tpu.memory_space<vmem>>, vector<16xi32>,
      tpu.vector_store %arg10[%swap3A_754, %swap3A_755], %add3A_751 {strides = array<i32>} : memref<128x128xi32, #tpu.memory_space<vmem>>, vector<16xi32>,
      %add3A_757 = arith.constant 22000000 : i32
      %add3A_758 = vector.broadcast %add3A_757 : i32 to vector<16xi32>
      %add3A_759 = arith.addi %get3A_401, %add3A_758 : vector<16xi32>
      %add3A_760 = arith.constant 88 : i32
      %add3A_761 = arith.addi %add3A_760, %select_n3A : i32
      %swap3A_762 = arith.index_cast %add3A_761 : i32 to index
      %swap3A_763 = arith.index_cast %mul3A_398 : i32 to index
      %swap3A_764 = tpu.vector_load %arg9[%swap3A_762, %swap3A_763] {strides = array<i32>} : memref<128x128xi32, #tpu.memory_space<vmem>>, vector<16xi32>,
      tpu.vector_store %arg9[%swap3A_762, %swap3A_763], %add3A_759 {strides = array<i32>} : memref<128x128xi32, #tpu.memory_space<vmem>>, vector<16xi32>,
      %add3A_765 = arith.constant 22000000 : i32
      %add3A_766 = vector.broadcast %add3A_765 : i32 to vector<16xi32>
      %add3A_767 = arith.addi %get3A_405, %add3A_766 : vector<16xi32>
      %add3A_768 = arith.constant 88 : i32
      %add3A_769 = arith.addi %add3A_768, %select_n3A : i32
      %swap3A_770 = arith.index_cast %add3A_769 : i32 to index
      %swap3A_771 = arith.index_cast %mul3A_398 : i32 to index
      %swap3A_772 = tpu.vector_load %arg10[%swap3A_770, %swap3A_771] {strides = array<i32>} : memref<128x128xi32, #tpu.memory_space<vmem>>, vector<16xi32>,
      tpu.vector_store %arg10[%swap3A_770, %swap3A_771], %add3A_767 {strides = array<i32>} : memref<128x128xi32, #tpu.memory_space<vmem>>, vector<16xi32>,
      %add3A_773 = arith.constant 23000000 : i32
      %add3A_774 = vector.broadcast %add3A_773 : i32 to vector<16xi32>
      %add3A_775 = arith.addi %get3A_401, %add3A_774 : vector<16xi32>
      %add3A_776 = arith.constant 92 : i32
      %add3A_777 = arith.addi %add3A_776, %select_n3A : i32
      %swap3A_778 = arith.index_cast %add3A_777 : i32 to index
      %swap3A_779 = arith.index_cast %mul3A_398 : i32 to index
      %swap3A_780 = tpu.vector_load %arg9[%swap3A_778, %swap3A_779] {strides = array<i32>} : memref<128x128xi32, #tpu.memory_space<vmem>>, vector<16xi32>,
      tpu.vector_store %arg9[%swap3A_778, %swap3A_779], %add3A_775 {strides = array<i32>} : memref<128x128xi32, #tpu.memory_space<vmem>>, vector<16xi32>,
      %add3A_781 = arith.constant 23000000 : i32
      %add3A_782 = vector.broadcast %add3A_781 : i32 to vector<16xi32>
      %add3A_783 = arith.addi %get3A_405, %add3A_782 : vector<16xi32>
      %add3A_784 = arith.constant 92 : i32
      %add3A_785 = arith.addi %add3A_784, %select_n3A : i32
      %swap3A_786 = arith.index_cast %add3A_785 : i32 to index
      %swap3A_787 = arith.index_cast %mul3A_398 : i32 to index
      %swap3A_788 = tpu.vector_load %arg10[%swap3A_786, %swap3A_787] {strides = array<i32>} : memref<128x128xi32, #tpu.memory_space<vmem>>, vector<16xi32>,
      tpu.vector_store %arg10[%swap3A_786, %swap3A_787], %add3A_783 {strides = array<i32>} : memref<128x128xi32, #tpu.memory_space<vmem>>, vector<16xi32>,
      %add3A_789 = arith.constant 24000000 : i32
      %add3A_790 = vector.broadcast %add3A_789 : i32 to vector<16xi32>
      %add3A_791 = arith.addi %get3A_401, %add3A_790 : vector<16xi32>
      %add3A_792 = arith.constant 96 : i32
      %add3A_793 = arith.addi %add3A_792, %select_n3A : i32
      %swap3A_794 = arith.index_cast %add3A_793 : i32 to index
      %swap3A_795 = arith.index_cast %mul3A_398 : i32 to index
      %swap3A_796 = tpu.vector_load %arg9[%swap3A_794, %swap3A_795] {strides = array<i32>} : memref<128x128xi32, #tpu.memory_space<vmem>>, vector<16xi32>,
      tpu.vector_store %arg9[%swap3A_794, %swap3A_795], %add3A_791 {strides = array<i32>} : memref<128x128xi32, #tpu.memory_space<vmem>>, vector<16xi32>,
      %add3A_797 = arith.constant 24000000 : i32
      %add3A_798 = vector.broadcast %add3A_797 : i32 to vector<16xi32>
      %add3A_799 = arith.addi %get3A_405, %add3A_798 : vector<16xi32>
      %add3A_800 = arith.constant 96 : i32
      %add3A_801 = arith.addi %add3A_800, %select_n3A : i32
      %swap3A_802 = arith.index_cast %add3A_801 : i32 to index
      %swap3A_803 = arith.index_cast %mul3A_398 : i32 to index
      %swap3A_804 = tpu.vector_load %arg10[%swap3A_802, %swap3A_803] {strides = array<i32>} : memref<128x128xi32, #tpu.memory_space<vmem>>, vector<16xi32>,
      tpu.vector_store %arg10[%swap3A_802, %swap3A_803], %add3A_799 {strides = array<i32>} : memref<128x128xi32, #tpu.memory_space<vmem>>, vector<16xi32>,
      %add3A_805 = arith.constant 25000000 : i32
      %add3A_806 = vector.broadcast %add3A_805 : i32 to vector<16xi32>
      %add3A_807 = arith.addi %get3A_401, %add3A_806 : vector<16xi32>
      %add3A_808 = arith.constant 100 : i32
      %add3A_809 = arith.addi %add3A_808, %select_n3A : i32
      %swap3A_810 = arith.index_cast %add3A_809 : i32 to index
      %swap3A_811 = arith.index_cast %mul3A_398 : i32 to index
      %swap3A_812 = tpu.vector_load %arg9[%swap3A_810, %swap3A_811] {strides = array<i32>} : memref<128x128xi32, #tpu.memory_space<vmem>>, vector<16xi32>,
      tpu.vector_store %arg9[%swap3A_810, %swap3A_811], %add3A_807 {strides = array<i32>} : memref<128x128xi32, #tpu.memory_space<vmem>>, vector<16xi32>,
      %add3A_813 = arith.constant 25000000 : i32
      %add3A_814 = vector.broadcast %add3A_813 : i32 to vector<16xi32>
      %add3A_815 = arith.addi %get3A_405, %add3A_814 : vector<16xi32>
      %add3A_816 = arith.constant 100 : i32
      %add3A_817 = arith.addi %add3A_816, %select_n3A : i32
      %swap3A_818 = arith.index_cast %add3A_817 : i32 to index
      %swap3A_819 = arith.index_cast %mul3A_398 : i32 to index
      %swap3A_820 = tpu.vector_load %arg10[%swap3A_818, %swap3A_819] {strides = array<i32>} : memref<128x128xi32, #tpu.memory_space<vmem>>, vector<16xi32>,
      tpu.vector_store %arg10[%swap3A_818, %swap3A_819], %add3A_815 {strides = array<i32>} : memref<128x128xi32, #tpu.memory_space<vmem>>, vector<16xi32>,
      %add3A_821 = arith.constant 26000000 : i32
      %add3A_822 = vector.broadcast %add3A_821 : i32 to vector<16xi32>
      %add3A_823 = arith.addi %get3A_401, %add3A_822 : vector<16xi32>
      %add3A_824 = arith.constant 104 : i32
      %add3A_825 = arith.addi %add3A_824, %select_n3A : i32
      %swap3A_826 = arith.index_cast %add3A_825 : i32 to index
      %swap3A_827 = arith.index_cast %mul3A_398 : i32 to index
      %swap3A_828 = tpu.vector_load %arg9[%swap3A_826, %swap3A_827] {strides = array<i32>} : memref<128x128xi32, #tpu.memory_space<vmem>>, vector<16xi32>,
      tpu.vector_store %arg9[%swap3A_826, %swap3A_827], %add3A_823 {strides = array<i32>} : memref<128x128xi32, #tpu.memory_space<vmem>>, vector<16xi32>,
      %add3A_829 = arith.constant 26000000 : i32
      %add3A_830 = vector.broadcast %add3A_829 : i32 to vector<16xi32>
      %add3A_831 = arith.addi %get3A_405, %add3A_830 : vector<16xi32>
      %add3A_832 = arith.constant 104 : i32
      %add3A_833 = arith.addi %add3A_832, %select_n3A : i32
      %swap3A_834 = arith.index_cast %add3A_833 : i32 to index
      %swap3A_835 = arith.index_cast %mul3A_398 : i32 to index
      %swap3A_836 = tpu.vector_load %arg10[%swap3A_834, %swap3A_835] {strides = array<i32>} : memref<128x128xi32, #tpu.memory_space<vmem>>, vector<16xi32>,
      tpu.vector_store %arg10[%swap3A_834, %swap3A_835], %add3A_831 {strides = array<i32>} : memref<128x128xi32, #tpu.memory_space<vmem>>, vector<16xi32>,
      %add3A_837 = arith.constant 27000000 : i32
      %add3A_838 = vector.broadcast %add3A_837 : i32 to vector<16xi32>
      %add3A_839 = arith.addi %get3A_401, %add3A_838 : vector<16xi32>
      %add3A_840 = arith.constant 108 : i32
      %add3A_841 = arith.addi %add3A_840, %select_n3A : i32
      %swap3A_842 = arith.index_cast %add3A_841 : i32 to index
      %swap3A_843 = arith.index_cast %mul3A_398 : i32 to index
      %swap3A_844 = tpu.vector_load %arg9[%swap3A_842, %swap3A_843] {strides = array<i32>} : memref<128x128xi32, #tpu.memory_space<vmem>>, vector<16xi32>,
      tpu.vector_store %arg9[%swap3A_842, %swap3A_843], %add3A_839 {strides = array<i32>} : memref<128x128xi32, #tpu.memory_space<vmem>>, vector<16xi32>,
      %add3A_845 = arith.constant 27000000 : i32
      %add3A_846 = vector.broadcast %add3A_845 : i32 to vector<16xi32>
      %add3A_847 = arith.addi %get3A_405, %add3A_846 : vector<16xi32>
      %add3A_848 = arith.constant 108 : i32
      %add3A_849 = arith.addi %add3A_848, %select_n3A : i32
      %swap3A_850 = arith.index_cast %add3A_849 : i32 to index
      %swap3A_851 = arith.index_cast %mul3A_398 : i32 to index
      %swap3A_852 = tpu.vector_load %arg10[%swap3A_850, %swap3A_851] {strides = array<i32>} : memref<128x128xi32, #tpu.memory_space<vmem>>, vector<16xi32>,
      tpu.vector_store %arg10[%swap3A_850, %swap3A_851], %add3A_847 {strides = array<i32>} : memref<128x128xi32, #tpu.memory_space<vmem>>, vector<16xi32>,
      %add3A_853 = arith.constant 28000000 : i32
      %add3A_854 = vector.broadcast %add3A_853 : i32 to vector<16xi32>
      %add3A_855 = arith.addi %get3A_401, %add3A_854 : vector<16xi32>
      %add3A_856 = arith.constant 112 : i32
      %add3A_857 = arith.addi %add3A_856, %select_n3A : i32
      %swap3A_858 = arith.index_cast %add3A_857 : i32 to index
      %swap3A_859 = arith.index_cast %mul3A_398 : i32 to index
      %swap3A_860 = tpu.vector_load %arg9[%swap3A_858, %swap3A_859] {strides = array<i32>} : memref<128x128xi32, #tpu.memory_space<vmem>>, vector<16xi32>,
      tpu.vector_store %arg9[%swap3A_858, %swap3A_859], %add3A_855 {strides = array<i32>} : memref<128x128xi32, #tpu.memory_space<vmem>>, vector<16xi32>,
      %add3A_861 = arith.constant 28000000 : i32
      %add3A_862 = vector.broadcast %add3A_861 : i32 to vector<16xi32>
      %add3A_863 = arith.addi %get3A_405, %add3A_862 : vector<16xi32>
      %add3A_864 = arith.constant 112 : i32
      %add3A_865 = arith.addi %add3A_864, %select_n3A : i32
      %swap3A_866 = arith.index_cast %add3A_865 : i32 to index
      %swap3A_867 = arith.index_cast %mul3A_398 : i32 to index
      %swap3A_868 = tpu.vector_load %arg10[%swap3A_866, %swap3A_867] {strides = array<i32>} : memref<128x128xi32, #tpu.memory_space<vmem>>, vector<16xi32>,
      tpu.vector_store %arg10[%swap3A_866, %swap3A_867], %add3A_863 {strides = array<i32>} : memref<128x128xi32, #tpu.memory_space<vmem>>, vector<16xi32>,
      %add3A_869 = arith.constant 29000000 : i32
      %add3A_870 = vector.broadcast %add3A_869 : i32 to vector<16xi32>
      %add3A_871 = arith.addi %get3A_401, %add3A_870 : vector<16xi32>
      %add3A_872 = arith.constant 116 : i32
      %add3A_873 = arith.addi %add3A_872, %select_n3A : i32
      %swap3A_874 = arith.index_cast %add3A_873 : i32 to index
      %swap3A_875 = arith.index_cast %mul3A_398 : i32 to index
      %swap3A_876 = tpu.vector_load %arg9[%swap3A_874, %swap3A_875] {strides = array<i32>} : memref<128x128xi32, #tpu.memory_space<vmem>>, vector<16xi32>,
      tpu.vector_store %arg9[%swap3A_874, %swap3A_875], %add3A_871 {strides = array<i32>} : memref<128x128xi32, #tpu.memory_space<vmem>>, vector<16xi32>,
      %add3A_877 = arith.constant 29000000 : i32
      %add3A_878 = vector.broadcast %add3A_877 : i32 to vector<16xi32>
      %add3A_879 = arith.addi %get3A_405, %add3A_878 : vector<16xi32>
      %add3A_880 = arith.constant 116 : i32
      %add3A_881 = arith.addi %add3A_880, %select_n3A : i32
      %swap3A_882 = arith.index_cast %add3A_881 : i32 to index
      %swap3A_883 = arith.index_cast %mul3A_398 : i32 to index
      %swap3A_884 = tpu.vector_load %arg10[%swap3A_882, %swap3A_883] {strides = array<i32>} : memref<128x128xi32, #tpu.memory_space<vmem>>, vector<16xi32>,
      tpu.vector_store %arg10[%swap3A_882, %swap3A_883], %add3A_879 {strides = array<i32>} : memref<128x128xi32, #tpu.memory_space<vmem>>, vector<16xi32>,
      %add3A_885 = arith.constant 30000000 : i32
      %add3A_886 = vector.broadcast %add3A_885 : i32 to vector<16xi32>
      %add3A_887 = arith.addi %get3A_401, %add3A_886 : vector<16xi32>
      %add3A_888 = arith.constant 120 : i32
      %add3A_889 = arith.addi %add3A_888, %select_n3A : i32
      %swap3A_890 = arith.index_cast %add3A_889 : i32 to index
      %swap3A_891 = arith.index_cast %mul3A_398 : i32 to index
      %swap3A_892 = tpu.vector_load %arg9[%swap3A_890, %swap3A_891] {strides = array<i32>} : memref<128x128xi32, #tpu.memory_space<vmem>>, vector<16xi32>,
      tpu.vector_store %arg9[%swap3A_890, %swap3A_891], %add3A_887 {strides = array<i32>} : memref<128x128xi32, #tpu.memory_space<vmem>>, vector<16xi32>,
      %add3A_893 = arith.constant 30000000 : i32
      %add3A_894 = vector.broadcast %add3A_893 : i32 to vector<16xi32>
      %add3A_895 = arith.addi %get3A_405, %add3A_894 : vector<16xi32>
      %add3A_896 = arith.constant 120 : i32
      %add3A_897 = arith.addi %add3A_896, %select_n3A : i32
      %swap3A_898 = arith.index_cast %add3A_897 : i32 to index
      %swap3A_899 = arith.index_cast %mul3A_398 : i32 to index
      %swap3A_900 = tpu.vector_load %arg10[%swap3A_898, %swap3A_899] {strides = array<i32>} : memref<128x128xi32, #tpu.memory_space<vmem>>, vector<16xi32>,
      tpu.vector_store %arg10[%swap3A_898, %swap3A_899], %add3A_895 {strides = array<i32>} : memref<128x128xi32, #tpu.memory_space<vmem>>, vector<16xi32>,
      %add3A_901 = arith.constant 31000000 : i32
      %add3A_902 = vector.broadcast %add3A_901 : i32 to vector<16xi32>
      %add3A_903 = arith.addi %get3A_401, %add3A_902 : vector<16xi32>
      %add3A_904 = arith.constant 124 : i32
      %add3A_905 = arith.addi %add3A_904, %select_n3A : i32
      %swap3A_906 = arith.index_cast %add3A_905 : i32 to index
      %swap3A_907 = arith.index_cast %mul3A_398 : i32 to index
      %swap3A_908 = tpu.vector_load %arg9[%swap3A_906, %swap3A_907] {strides = array<i32>} : memref<128x128xi32, #tpu.memory_space<vmem>>, vector<16xi32>,
      tpu.vector_store %arg9[%swap3A_906, %swap3A_907], %add3A_903 {strides = array<i32>} : memref<128x128xi32, #tpu.memory_space<vmem>>, vector<16xi32>,
      %add3A_909 = arith.constant 31000000 : i32
      %add3A_910 = vector.broadcast %add3A_909 : i32 to vector<16xi32>
      %add3A_911 = arith.addi %get3A_405, %add3A_910 : vector<16xi32>
      %add3A_912 = arith.constant 124 : i32
      %add3A_913 = arith.addi %add3A_912, %select_n3A : i32
      %swap3A_914 = arith.index_cast %add3A_913 : i32 to index
      %swap3A_915 = arith.index_cast %mul3A_398 : i32 to index
      %swap3A_916 = tpu.vector_load %arg10[%swap3A_914, %swap3A_915] {strides = array<i32>} : memref<128x128xi32, #tpu.memory_space<vmem>>, vector<16xi32>,
      tpu.vector_store %arg10[%swap3A_914, %swap3A_915], %add3A_911 {strides = array<i32>} : memref<128x128xi32, #tpu.memory_space<vmem>>, vector<16xi32>,
      %scan3A_917 = arith.constant 0 : i32
      scf.yield %scan3A_917 : i32
    }
    %scan3A_14 = arith.constant 32 : i32
    %dma_start3A_15 = arith.constant 0 : i32
    %dma_start3A_16 = arith.constant 0 : i32
    %dma_start3A_17 = arith.constant 0 : i32
    %dma_start3A_18 = tpu.memref_slice %arg11[%dma_start3A_16, %dma_start3A_17] : memref<128x128xf32, #tpu.memory_space<vmem>> -> memref<1x128xf32, #tpu.memory_space<vmem>>
    %dma_start3A_19 = tpu.memref_squeeze %dma_start3A_18 : memref<1x128xf32, #tpu.memory_space<vmem>> -> memref<128xf32, #tpu.memory_space<vmem>>
    %dma_start3A_20 = arith.constant 0 : i32
    %dma_start3A_21 = tpu.memref_slice %arg9[%dma_start3A_15, %dma_start3A_20] : memref<128x128xi32, #tpu.memory_space<vmem>> -> memref<1x128xi32, #tpu.memory_space<vmem>>
    %dma_start3A_22 = tpu.memref_squeeze %dma_start3A_21 : memref<1x128xi32, #tpu.memory_space<vmem>> -> memref<128xi32, #tpu.memory_space<vmem>>
    %dma_start3A_23 = arith.constant 0 : i32
    %dma_start3A_24 = tpu.memref_slice %arg4[%dma_start3A_23] : memref<32000000xf32, #tpu.memory_space<hbm>> -> memref<32000000xf32, #tpu.memory_space<hbm>>
    tpu.enqueue_indirect_dma source(%dma_start3A_24 : memref<32000000xf32, #tpu.memory_space<hbm>>) target(%dma_start3A_19 : memref<128xf32, #tpu.memory_space<vmem>>) offsets(%dma_start3A_22 : memref<128xi32, #tpu.memory_space<vmem>>) semaphore(%arg15 : memref<!tpu.dma_semaphore, #tpu.memory_space<semaphore_mem>>)
    %dma_start3A_25 = arith.constant 0 : i32
    %dma_start3A_26 = arith.constant 0 : i32
    %dma_start3A_27 = arith.constant 0 : i32
    %dma_start3A_28 = tpu.memref_slice %arg12[%dma_start3A_26, %dma_start3A_27] : memref<128x128xf32, #tpu.memory_space<vmem>> -> memref<1x128xf32, #tpu.memory_space<vmem>>
    %dma_start3A_29 = tpu.memref_squeeze %dma_start3A_28 : memref<1x128xf32, #tpu.memory_space<vmem>> -> memref<128xf32, #tpu.memory_space<vmem>>
    %dma_start3A_30 = arith.constant 0 : i32
    %dma_start3A_31 = tpu.memref_slice %arg10[%dma_start3A_25, %dma_start3A_30] : memref<128x128xi32, #tpu.memory_space<vmem>> -> memref<1x128xi32, #tpu.memory_space<vmem>>
    %dma_start3A_32 = tpu.memref_squeeze %dma_start3A_31 : memref<1x128xi32, #tpu.memory_space<vmem>> -> memref<128xi32, #tpu.memory_space<vmem>>
    %dma_start3A_33 = arith.constant 0 : i32
    %dma_start3A_34 = tpu.memref_slice %arg5[%dma_start3A_33] : memref<32000000xf32, #tpu.memory_space<hbm>> -> memref<32000000xf32, #tpu.memory_space<hbm>>
    tpu.enqueue_indirect_dma source(%dma_start3A_34 : memref<32000000xf32, #tpu.memory_space<hbm>>) target(%dma_start3A_29 : memref<128xf32, #tpu.memory_space<vmem>>) offsets(%dma_start3A_32 : memref<128xi32, #tpu.memory_space<vmem>>) semaphore(%arg16 : memref<!tpu.dma_semaphore, #tpu.memory_space<semaphore_mem>>)
    %dma_start3A_35 = arith.constant 1 : i32
    %dma_start3A_36 = arith.constant 1 : i32
    %dma_start3A_37 = arith.constant 0 : i32
    %dma_start3A_38 = tpu.memref_slice %arg11[%dma_start3A_36, %dma_start3A_37] : memref<128x128xf32, #tpu.memory_space<vmem>> -> memref<1x128xf32, #tpu.memory_space<vmem>>
    %dma_start3A_39 = tpu.memref_squeeze %dma_start3A_38 : memref<1x128xf32, #tpu.memory_space<vmem>> -> memref<128xf32, #tpu.memory_space<vmem>>
    %dma_start3A_40 = arith.constant 0 : i32
    %dma_start3A_41 = tpu.memref_slice %arg9[%dma_start3A_35, %dma_start3A_40] : memref<128x128xi32, #tpu.memory_space<vmem>> -> memref<1x128xi32, #tpu.memory_space<vmem>>
    %dma_start3A_42 = tpu.memref_squeeze %dma_start3A_41 : memref<1x128xi32, #tpu.memory_space<vmem>> -> memref<128xi32, #tpu.memory_space<vmem>>
    %dma_start3A_43 = arith.constant 0 : i32
    %dma_start3A_44 = tpu.memref_slice %arg4[%dma_start3A_43] : memref<32000000xf32, #tpu.memory_space<hbm>> -> memref<32000000xf32, #tpu.memory_space<hbm>>
    tpu.enqueue_indirect_dma source(%dma_start3A_44 : memref<32000000xf32, #tpu.memory_space<hbm>>) target(%dma_start3A_39 : memref<128xf32, #tpu.memory_space<vmem>>) offsets(%dma_start3A_42 : memref<128xi32, #tpu.memory_space<vmem>>) semaphore(%arg15 : memref<!tpu.dma_semaphore, #tpu.memory_space<semaphore_mem>>)
    %dma_start3A_45 = arith.constant 1 : i32
    %dma_start3A_46 = arith.constant 1 : i32
    %dma_start3A_47 = arith.constant 0 : i32
    %dma_start3A_48 = tpu.memref_slice %arg12[%dma_start3A_46, %dma_start3A_47] : memref<128x128xf32, #tpu.memory_space<vmem>> -> memref<1x128xf32, #tpu.memory_space<vmem>>
    %dma_start3A_49 = tpu.memref_squeeze %dma_start3A_48 : memref<1x128xf32, #tpu.memory_space<vmem>> -> memref<128xf32, #tpu.memory_space<vmem>>
    %dma_start3A_50 = arith.constant 0 : i32
    %dma_start3A_51 = tpu.memref_slice %arg10[%dma_start3A_45, %dma_start3A_50] : memref<128x128xi32, #tpu.memory_space<vmem>> -> memref<1x128xi32, #tpu.memory_space<vmem>>
    %dma_start3A_52 = tpu.memref_squeeze %dma_start3A_51 : memref<1x128xi32, #tpu.memory_space<vmem>> -> memref<128xi32, #tpu.memory_space<vmem>>
    %dma_start3A_53 = arith.constant 0 : i32
    %dma_start3A_54 = tpu.memref_slice %arg5[%dma_start3A_53] : memref<32000000xf32, #tpu.memory_space<hbm>> -> memref<32000000xf32, #tpu.memory_space<hbm>>
    tpu.enqueue_indirect_dma source(%dma_start3A_54 : memref<32000000xf32, #tpu.memory_space<hbm>>) target(%dma_start3A_49 : memref<128xf32, #tpu.memory_space<vmem>>) offsets(%dma_start3A_52 : memref<128xi32, #tpu.memory_space<vmem>>) semaphore(%arg16 : memref<!tpu.dma_semaphore, #tpu.memory_space<semaphore_mem>>)
    %dma_start3A_55 = arith.constant 2 : i32
    %dma_start3A_56 = arith.constant 2 : i32
    %dma_start3A_57 = arith.constant 0 : i32
    %dma_start3A_58 = tpu.memref_slice %arg11[%dma_start3A_56, %dma_start3A_57] : memref<128x128xf32, #tpu.memory_space<vmem>> -> memref<1x128xf32, #tpu.memory_space<vmem>>
    %dma_start3A_59 = tpu.memref_squeeze %dma_start3A_58 : memref<1x128xf32, #tpu.memory_space<vmem>> -> memref<128xf32, #tpu.memory_space<vmem>>
    %dma_start3A_60 = arith.constant 0 : i32
    %dma_start3A_61 = tpu.memref_slice %arg9[%dma_start3A_55, %dma_start3A_60] : memref<128x128xi32, #tpu.memory_space<vmem>> -> memref<1x128xi32, #tpu.memory_space<vmem>>
    %dma_start3A_62 = tpu.memref_squeeze %dma_start3A_61 : memref<1x128xi32, #tpu.memory_space<vmem>> -> memref<128xi32, #tpu.memory_space<vmem>>
    %dma_start3A_63 = arith.constant 0 : i32
    %dma_start3A_64 = tpu.memref_slice %arg4[%dma_start3A_63] : memref<32000000xf32, #tpu.memory_space<hbm>> -> memref<32000000xf32, #tpu.memory_space<hbm>>
    tpu.enqueue_indirect_dma source(%dma_start3A_64 : memref<32000000xf32, #tpu.memory_space<hbm>>) target(%dma_start3A_59 : memref<128xf32, #tpu.memory_space<vmem>>) offsets(%dma_start3A_62 : memref<128xi32, #tpu.memory_space<vmem>>) semaphore(%arg15 : memref<!tpu.dma_semaphore, #tpu.memory_space<semaphore_mem>>)
    %dma_start3A_65 = arith.constant 2 : i32
    %dma_start3A_66 = arith.constant 2 : i32
    %dma_start3A_67 = arith.constant 0 : i32
    %dma_start3A_68 = tpu.memref_slice %arg12[%dma_start3A_66, %dma_start3A_67] : memref<128x128xf32, #tpu.memory_space<vmem>> -> memref<1x128xf32, #tpu.memory_space<vmem>>
    %dma_start3A_69 = tpu.memref_squeeze %dma_start3A_68 : memref<1x128xf32, #tpu.memory_space<vmem>> -> memref<128xf32, #tpu.memory_space<vmem>>
    %dma_start3A_70 = arith.constant 0 : i32
    %dma_start3A_71 = tpu.memref_slice %arg10[%dma_start3A_65, %dma_start3A_70] : memref<128x128xi32, #tpu.memory_space<vmem>> -> memref<1x128xi32, #tpu.memory_space<vmem>>
    %dma_start3A_72 = tpu.memref_squeeze %dma_start3A_71 : memref<1x128xi32, #tpu.memory_space<vmem>> -> memref<128xi32, #tpu.memory_space<vmem>>
    %dma_start3A_73 = arith.constant 0 : i32
    %dma_start3A_74 = tpu.memref_slice %arg5[%dma_start3A_73] : memref<32000000xf32, #tpu.memory_space<hbm>> -> memref<32000000xf32, #tpu.memory_space<hbm>>
    tpu.enqueue_indirect_dma source(%dma_start3A_74 : memref<32000000xf32, #tpu.memory_space<hbm>>) target(%dma_start3A_69 : memref<128xf32, #tpu.memory_space<vmem>>) offsets(%dma_start3A_72 : memref<128xi32, #tpu.memory_space<vmem>>) semaphore(%arg16 : memref<!tpu.dma_semaphore, #tpu.memory_space<semaphore_mem>>)
    %dma_start3A_75 = arith.constant 3 : i32
    %dma_start3A_76 = arith.constant 3 : i32
    %dma_start3A_77 = arith.constant 0 : i32
    %dma_start3A_78 = tpu.memref_slice %arg11[%dma_start3A_76, %dma_start3A_77] : memref<128x128xf32, #tpu.memory_space<vmem>> -> memref<1x128xf32, #tpu.memory_space<vmem>>
    %dma_start3A_79 = tpu.memref_squeeze %dma_start3A_78 : memref<1x128xf32, #tpu.memory_space<vmem>> -> memref<128xf32, #tpu.memory_space<vmem>>
    %dma_start3A_80 = arith.constant 0 : i32
    %dma_start3A_81 = tpu.memref_slice %arg9[%dma_start3A_75, %dma_start3A_80] : memref<128x128xi32, #tpu.memory_space<vmem>> -> memref<1x128xi32, #tpu.memory_space<vmem>>
    %dma_start3A_82 = tpu.memref_squeeze %dma_start3A_81 : memref<1x128xi32, #tpu.memory_space<vmem>> -> memref<128xi32, #tpu.memory_space<vmem>>
    %dma_start3A_83 = arith.constant 0 : i32
    %dma_start3A_84 = tpu.memref_slice %arg4[%dma_start3A_83] : memref<32000000xf32, #tpu.memory_space<hbm>> -> memref<32000000xf32, #tpu.memory_space<hbm>>
    tpu.enqueue_indirect_dma source(%dma_start3A_84 : memref<32000000xf32, #tpu.memory_space<hbm>>) target(%dma_start3A_79 : memref<128xf32, #tpu.memory_space<vmem>>) offsets(%dma_start3A_82 : memref<128xi32, #tpu.memory_space<vmem>>) semaphore(%arg15 : memref<!tpu.dma_semaphore, #tpu.memory_space<semaphore_mem>>)
    %dma_start3A_85 = arith.constant 3 : i32
    %dma_start3A_86 = arith.constant 3 : i32
    %dma_start3A_87 = arith.constant 0 : i32
    %dma_start3A_88 = tpu.memref_slice %arg12[%dma_start3A_86, %dma_start3A_87] : memref<128x128xf32, #tpu.memory_space<vmem>> -> memref<1x128xf32, #tpu.memory_space<vmem>>
    %dma_start3A_89 = tpu.memref_squeeze %dma_start3A_88 : memref<1x128xf32, #tpu.memory_space<vmem>> -> memref<128xf32, #tpu.memory_space<vmem>>
    %dma_start3A_90 = arith.constant 0 : i32
    %dma_start3A_91 = tpu.memref_slice %arg10[%dma_start3A_85, %dma_start3A_90] : memref<128x128xi32, #tpu.memory_space<vmem>> -> memref<1x128xi32, #tpu.memory_space<vmem>>
    %dma_start3A_92 = tpu.memref_squeeze %dma_start3A_91 : memref<1x128xi32, #tpu.memory_space<vmem>> -> memref<128xi32, #tpu.memory_space<vmem>>
    %dma_start3A_93 = arith.constant 0 : i32
    %dma_start3A_94 = tpu.memref_slice %arg5[%dma_start3A_93] : memref<32000000xf32, #tpu.memory_space<hbm>> -> memref<32000000xf32, #tpu.memory_space<hbm>>
    tpu.enqueue_indirect_dma source(%dma_start3A_94 : memref<32000000xf32, #tpu.memory_space<hbm>>) target(%dma_start3A_89 : memref<128xf32, #tpu.memory_space<vmem>>) offsets(%dma_start3A_92 : memref<128xi32, #tpu.memory_space<vmem>>) semaphore(%arg16 : memref<!tpu.dma_semaphore, #tpu.memory_space<semaphore_mem>>)
    %dma_start3A_95 = arith.constant 4 : i32
    %dma_start3A_96 = arith.constant 4 : i32
    %dma_start3A_97 = arith.constant 0 : i32
    %dma_start3A_98 = tpu.memref_slice %arg11[%dma_start3A_96, %dma_start3A_97] : memref<128x128xf32, #tpu.memory_space<vmem>> -> memref<1x128xf32, #tpu.memory_space<vmem>>
    %dma_start3A_99 = tpu.memref_squeeze %dma_start3A_98 : memref<1x128xf32, #tpu.memory_space<vmem>> -> memref<128xf32, #tpu.memory_space<vmem>>
    %dma_start3A_100 = arith.constant 0 : i32
    %dma_start3A_101 = tpu.memref_slice %arg9[%dma_start3A_95, %dma_start3A_100] : memref<128x128xi32, #tpu.memory_space<vmem>> -> memref<1x128xi32, #tpu.memory_space<vmem>>
    %dma_start3A_102 = tpu.memref_squeeze %dma_start3A_101 : memref<1x128xi32, #tpu.memory_space<vmem>> -> memref<128xi32, #tpu.memory_space<vmem>>
    %dma_start3A_103 = arith.constant 0 : i32
    %dma_start3A_104 = tpu.memref_slice %arg4[%dma_start3A_103] : memref<32000000xf32, #tpu.memory_space<hbm>> -> memref<32000000xf32, #tpu.memory_space<hbm>>
    tpu.enqueue_indirect_dma source(%dma_start3A_104 : memref<32000000xf32, #tpu.memory_space<hbm>>) target(%dma_start3A_99 : memref<128xf32, #tpu.memory_space<vmem>>) offsets(%dma_start3A_102 : memref<128xi32, #tpu.memory_space<vmem>>) semaphore(%arg15 : memref<!tpu.dma_semaphore, #tpu.memory_space<semaphore_mem>>)
    %dma_start3A_105 = arith.constant 4 : i32
    %dma_start3A_106 = arith.constant 4 : i32
    %dma_start3A_107 = arith.constant 0 : i32
    %dma_start3A_108 = tpu.memref_slice %arg12[%dma_start3A_106, %dma_start3A_107] : memref<128x128xf32, #tpu.memory_space<vmem>> -> memref<1x128xf32, #tpu.memory_space<vmem>>
    %dma_start3A_109 = tpu.memref_squeeze %dma_start3A_108 : memref<1x128xf32, #tpu.memory_space<vmem>> -> memref<128xf32, #tpu.memory_space<vmem>>
    %dma_start3A_110 = arith.constant 0 : i32
    %dma_start3A_111 = tpu.memref_slice %arg10[%dma_start3A_105, %dma_start3A_110] : memref<128x128xi32, #tpu.memory_space<vmem>> -> memref<1x128xi32, #tpu.memory_space<vmem>>
    %dma_start3A_112 = tpu.memref_squeeze %dma_start3A_111 : memref<1x128xi32, #tpu.memory_space<vmem>> -> memref<128xi32, #tpu.memory_space<vmem>>
    %dma_start3A_113 = arith.constant 0 : i32
    %dma_start3A_114 = tpu.memref_slice %arg5[%dma_start3A_113] : memref<32000000xf32, #tpu.memory_space<hbm>> -> memref<32000000xf32, #tpu.memory_space<hbm>>
    tpu.enqueue_indirect_dma source(%dma_start3A_114 : memref<32000000xf32, #tpu.memory_space<hbm>>) target(%dma_start3A_109 : memref<128xf32, #tpu.memory_space<vmem>>) offsets(%dma_start3A_112 : memref<128xi32, #tpu.memory_space<vmem>>) semaphore(%arg16 : memref<!tpu.dma_semaphore, #tpu.memory_space<semaphore_mem>>)
    %dma_start3A_115 = arith.constant 5 : i32
    %dma_start3A_116 = arith.constant 5 : i32
    %dma_start3A_117 = arith.constant 0 : i32
    %dma_start3A_118 = tpu.memref_slice %arg11[%dma_start3A_116, %dma_start3A_117] : memref<128x128xf32, #tpu.memory_space<vmem>> -> memref<1x128xf32, #tpu.memory_space<vmem>>
    %dma_start3A_119 = tpu.memref_squeeze %dma_start3A_118 : memref<1x128xf32, #tpu.memory_space<vmem>> -> memref<128xf32, #tpu.memory_space<vmem>>
    %dma_start3A_120 = arith.constant 0 : i32
    %dma_start3A_121 = tpu.memref_slice %arg9[%dma_start3A_115, %dma_start3A_120] : memref<128x128xi32, #tpu.memory_space<vmem>> -> memref<1x128xi32, #tpu.memory_space<vmem>>
    %dma_start3A_122 = tpu.memref_squeeze %dma_start3A_121 : memref<1x128xi32, #tpu.memory_space<vmem>> -> memref<128xi32, #tpu.memory_space<vmem>>
    %dma_start3A_123 = arith.constant 0 : i32
    %dma_start3A_124 = tpu.memref_slice %arg4[%dma_start3A_123] : memref<32000000xf32, #tpu.memory_space<hbm>> -> memref<32000000xf32, #tpu.memory_space<hbm>>
    tpu.enqueue_indirect_dma source(%dma_start3A_124 : memref<32000000xf32, #tpu.memory_space<hbm>>) target(%dma_start3A_119 : memref<128xf32, #tpu.memory_space<vmem>>) offsets(%dma_start3A_122 : memref<128xi32, #tpu.memory_space<vmem>>) semaphore(%arg15 : memref<!tpu.dma_semaphore, #tpu.memory_space<semaphore_mem>>)
    %dma_start3A_125 = arith.constant 5 : i32
    %dma_start3A_126 = arith.constant 5 : i32
    %dma_start3A_127 = arith.constant 0 : i32
    %dma_start3A_128 = tpu.memref_slice %arg12[%dma_start3A_126, %dma_start3A_127] : memref<128x128xf32, #tpu.memory_space<vmem>> -> memref<1x128xf32, #tpu.memory_space<vmem>>
    %dma_start3A_129 = tpu.memref_squeeze %dma_start3A_128 : memref<1x128xf32, #tpu.memory_space<vmem>> -> memref<128xf32, #tpu.memory_space<vmem>>
    %dma_start3A_130 = arith.constant 0 : i32
    %dma_start3A_131 = tpu.memref_slice %arg10[%dma_start3A_125, %dma_start3A_130] : memref<128x128xi32, #tpu.memory_space<vmem>> -> memref<1x128xi32, #tpu.memory_space<vmem>>
    %dma_start3A_132 = tpu.memref_squeeze %dma_start3A_131 : memref<1x128xi32, #tpu.memory_space<vmem>> -> memref<128xi32, #tpu.memory_space<vmem>>
    %dma_start3A_133 = arith.constant 0 : i32
    %dma_start3A_134 = tpu.memref_slice %arg5[%dma_start3A_133] : memref<32000000xf32, #tpu.memory_space<hbm>> -> memref<32000000xf32, #tpu.memory_space<hbm>>
    tpu.enqueue_indirect_dma source(%dma_start3A_134 : memref<32000000xf32, #tpu.memory_space<hbm>>) target(%dma_start3A_129 : memref<128xf32, #tpu.memory_space<vmem>>) offsets(%dma_start3A_132 : memref<128xi32, #tpu.memory_space<vmem>>) semaphore(%arg16 : memref<!tpu.dma_semaphore, #tpu.memory_space<semaphore_mem>>)
    %dma_start3A_135 = arith.constant 6 : i32
    %dma_start3A_136 = arith.constant 6 : i32
    %dma_start3A_137 = arith.constant 0 : i32
    %dma_start3A_138 = tpu.memref_slice %arg11[%dma_start3A_136, %dma_start3A_137] : memref<128x128xf32, #tpu.memory_space<vmem>> -> memref<1x128xf32, #tpu.memory_space<vmem>>
    %dma_start3A_139 = tpu.memref_squeeze %dma_start3A_138 : memref<1x128xf32, #tpu.memory_space<vmem>> -> memref<128xf32, #tpu.memory_space<vmem>>
    %dma_start3A_140 = arith.constant 0 : i32
    %dma_start3A_141 = tpu.memref_slice %arg9[%dma_start3A_135, %dma_start3A_140] : memref<128x128xi32, #tpu.memory_space<vmem>> -> memref<1x128xi32, #tpu.memory_space<vmem>>
    %dma_start3A_142 = tpu.memref_squeeze %dma_start3A_141 : memref<1x128xi32, #tpu.memory_space<vmem>> -> memref<128xi32, #tpu.memory_space<vmem>>
    %dma_start3A_143 = arith.constant 0 : i32
    %dma_start3A_144 = tpu.memref_slice %arg4[%dma_start3A_143] : memref<32000000xf32, #tpu.memory_space<hbm>> -> memref<32000000xf32, #tpu.memory_space<hbm>>
    tpu.enqueue_indirect_dma source(%dma_start3A_144 : memref<32000000xf32, #tpu.memory_space<hbm>>) target(%dma_start3A_139 : memref<128xf32, #tpu.memory_space<vmem>>) offsets(%dma_start3A_142 : memref<128xi32, #tpu.memory_space<vmem>>) semaphore(%arg15 : memref<!tpu.dma_semaphore, #tpu.memory_space<semaphore_mem>>)
    %dma_start3A_145 = arith.constant 6 : i32
    %dma_start3A_146 = arith.constant 6 : i32
    %dma_start3A_147 = arith.constant 0 : i32
    %dma_start3A_148 = tpu.memref_slice %arg12[%dma_start3A_146, %dma_start3A_147] : memref<128x128xf32, #tpu.memory_space<vmem>> -> memref<1x128xf32, #tpu.memory_space<vmem>>
    %dma_start3A_149 = tpu.memref_squeeze %dma_start3A_148 : memref<1x128xf32, #tpu.memory_space<vmem>> -> memref<128xf32, #tpu.memory_space<vmem>>
    %dma_start3A_150 = arith.constant 0 : i32
    %dma_start3A_151 = tpu.memref_slice %arg10[%dma_start3A_145, %dma_start3A_150] : memref<128x128xi32, #tpu.memory_space<vmem>> -> memref<1x128xi32, #tpu.memory_space<vmem>>
    %dma_start3A_152 = tpu.memref_squeeze %dma_start3A_151 : memref<1x128xi32, #tpu.memory_space<vmem>> -> memref<128xi32, #tpu.memory_space<vmem>>
    %dma_start3A_153 = arith.constant 0 : i32
    %dma_start3A_154 = tpu.memref_slice %arg5[%dma_start3A_153] : memref<32000000xf32, #tpu.memory_space<hbm>> -> memref<32000000xf32, #tpu.memory_space<hbm>>
    tpu.enqueue_indirect_dma source(%dma_start3A_154 : memref<32000000xf32, #tpu.memory_space<hbm>>) target(%dma_start3A_149 : memref<128xf32, #tpu.memory_space<vmem>>) offsets(%dma_start3A_152 : memref<128xi32, #tpu.memory_space<vmem>>) semaphore(%arg16 : memref<!tpu.dma_semaphore, #tpu.memory_space<semaphore_mem>>)
    %dma_start3A_155 = arith.constant 7 : i32
    %dma_start3A_156 = arith.constant 7 : i32
    %dma_start3A_157 = arith.constant 0 : i32
    %dma_start3A_158 = tpu.memref_slice %arg11[%dma_start3A_156, %dma_start3A_157] : memref<128x128xf32, #tpu.memory_space<vmem>> -> memref<1x128xf32, #tpu.memory_space<vmem>>
    %dma_start3A_159 = tpu.memref_squeeze %dma_start3A_158 : memref<1x128xf32, #tpu.memory_space<vmem>> -> memref<128xf32, #tpu.memory_space<vmem>>
    %dma_start3A_160 = arith.constant 0 : i32
    %dma_start3A_161 = tpu.memref_slice %arg9[%dma_start3A_155, %dma_start3A_160] : memref<128x128xi32, #tpu.memory_space<vmem>> -> memref<1x128xi32, #tpu.memory_space<vmem>>
    %dma_start3A_162 = tpu.memref_squeeze %dma_start3A_161 : memref<1x128xi32, #tpu.memory_space<vmem>> -> memref<128xi32, #tpu.memory_space<vmem>>
    %dma_start3A_163 = arith.constant 0 : i32
    %dma_start3A_164 = tpu.memref_slice %arg4[%dma_start3A_163] : memref<32000000xf32, #tpu.memory_space<hbm>> -> memref<32000000xf32, #tpu.memory_space<hbm>>
    tpu.enqueue_indirect_dma source(%dma_start3A_164 : memref<32000000xf32, #tpu.memory_space<hbm>>) target(%dma_start3A_159 : memref<128xf32, #tpu.memory_space<vmem>>) offsets(%dma_start3A_162 : memref<128xi32, #tpu.memory_space<vmem>>) semaphore(%arg15 : memref<!tpu.dma_semaphore, #tpu.memory_space<semaphore_mem>>)
    %dma_start3A_165 = arith.constant 7 : i32
    %dma_start3A_166 = arith.constant 7 : i32
    %dma_start3A_167 = arith.constant 0 : i32
    %dma_start3A_168 = tpu.memref_slice %arg12[%dma_start3A_166, %dma_start3A_167] : memref<128x128xf32, #tpu.memory_space<vmem>> -> memref<1x128xf32, #tpu.memory_space<vmem>>
    %dma_start3A_169 = tpu.memref_squeeze %dma_start3A_168 : memref<1x128xf32, #tpu.memory_space<vmem>> -> memref<128xf32, #tpu.memory_space<vmem>>
    %dma_start3A_170 = arith.constant 0 : i32
    %dma_start3A_171 = tpu.memref_slice %arg10[%dma_start3A_165, %dma_start3A_170] : memref<128x128xi32, #tpu.memory_space<vmem>> -> memref<1x128xi32, #tpu.memory_space<vmem>>
    %dma_start3A_172 = tpu.memref_squeeze %dma_start3A_171 : memref<1x128xi32, #tpu.memory_space<vmem>> -> memref<128xi32, #tpu.memory_space<vmem>>
    %dma_start3A_173 = arith.constant 0 : i32
    %dma_start3A_174 = tpu.memref_slice %arg5[%dma_start3A_173] : memref<32000000xf32, #tpu.memory_space<hbm>> -> memref<32000000xf32, #tpu.memory_space<hbm>>
    tpu.enqueue_indirect_dma source(%dma_start3A_174 : memref<32000000xf32, #tpu.memory_space<hbm>>) target(%dma_start3A_169 : memref<128xf32, #tpu.memory_space<vmem>>) offsets(%dma_start3A_172 : memref<128xi32, #tpu.memory_space<vmem>>) semaphore(%arg16 : memref<!tpu.dma_semaphore, #tpu.memory_space<semaphore_mem>>)
    %scan3A_175 = arith.constant 0 : i32
    %scan3A_176 = arith.constant 1 : i32
    %scan3A_177 = arith.constant 15 : i32
    %scan3A_178 = arith.addi %scan3A_176, %scan3A_177 : i32
    %scan3A_179 = arith.constant 1 : i32
    %scan3A_180 = scf.for %scan3A_365 = %scan3A_176 to %scan3A_178 step %scan3A_179 iter_args(%scan3A_366 = %scan3A_175) -> (i32)  : i32 {
      %mul3A_367 = arith.constant 8 : i32
      %mul3A_368 = arith.muli %scan3A_365, %mul3A_367 : i32
      %add3A_369 = arith.constant 0 : i32
      %add3A_370 = arith.addi %mul3A_368, %add3A_369 : i32
      %dma_start3A_371 = arith.constant 0 : i32
      %dma_start3A_372 = tpu.memref_slice %arg11[%add3A_370, %dma_start3A_371] : memref<128x128xf32, #tpu.memory_space<vmem>> -> memref<1x128xf32, #tpu.memory_space<vmem>>
      %dma_start3A_373 = tpu.memref_squeeze %dma_start3A_372 : memref<1x128xf32, #tpu.memory_space<vmem>> -> memref<128xf32, #tpu.memory_space<vmem>>
      %dma_start3A_374 = arith.constant 0 : i32
      %dma_start3A_375 = tpu.memref_slice %arg9[%add3A_370, %dma_start3A_374] : memref<128x128xi32, #tpu.memory_space<vmem>> -> memref<1x128xi32, #tpu.memory_space<vmem>>
      %dma_start3A_376 = tpu.memref_squeeze %dma_start3A_375 : memref<1x128xi32, #tpu.memory_space<vmem>> -> memref<128xi32, #tpu.memory_space<vmem>>
      %dma_start3A_377 = arith.constant 0 : i32
      %dma_start3A_378 = tpu.memref_slice %arg4[%dma_start3A_377] : memref<32000000xf32, #tpu.memory_space<hbm>> -> memref<32000000xf32, #tpu.memory_space<hbm>>
      tpu.enqueue_indirect_dma source(%dma_start3A_378 : memref<32000000xf32, #tpu.memory_space<hbm>>) target(%dma_start3A_373 : memref<128xf32, #tpu.memory_space<vmem>>) offsets(%dma_start3A_376 : memref<128xi32, #tpu.memory_space<vmem>>) semaphore(%arg15 : memref<!tpu.dma_semaphore, #tpu.memory_space<semaphore_mem>>)
      %dma_start3A_379 = arith.constant 0 : i32
      %dma_start3A_380 = tpu.memref_slice %arg12[%add3A_370, %dma_start3A_379] : memref<128x128xf32, #tpu.memory_space<vmem>> -> memref<1x128xf32, #tpu.memory_space<vmem>>
      %dma_start3A_381 = tpu.memref_squeeze %dma_start3A_380 : memref<1x128xf32, #tpu.memory_space<vmem>> -> memref<128xf32, #tpu.memory_space<vmem>>
      %dma_start3A_382 = arith.constant 0 : i32
      %dma_start3A_383 = tpu.memref_slice %arg10[%add3A_370, %dma_start3A_382] : memref<128x128xi32, #tpu.memory_space<vmem>> -> memref<1x128xi32, #tpu.memory_space<vmem>>
      %dma_start3A_384 = tpu.memref_squeeze %dma_start3A_383 : memref<1x128xi32, #tpu.memory_space<vmem>> -> memref<128xi32, #tpu.memory_space<vmem>>
      %dma_start3A_385 = arith.constant 0 : i32
      %dma_start3A_386 = tpu.memref_slice %arg5[%dma_start3A_385] : memref<32000000xf32, #tpu.memory_space<hbm>> -> memref<32000000xf32, #tpu.memory_space<hbm>>
      tpu.enqueue_indirect_dma source(%dma_start3A_386 : memref<32000000xf32, #tpu.memory_space<hbm>>) target(%dma_start3A_381 : memref<128xf32, #tpu.memory_space<vmem>>) offsets(%dma_start3A_384 : memref<128xi32, #tpu.memory_space<vmem>>) semaphore(%arg16 : memref<!tpu.dma_semaphore, #tpu.memory_space<semaphore_mem>>)
      %mul3A_387 = arith.constant 8 : i32
      %mul3A_388 = arith.muli %scan3A_365, %mul3A_387 : i32
      %add3A_389 = arith.constant 1 : i32
      %add3A_390 = arith.addi %mul3A_388, %add3A_389 : i32
      %dma_start3A_391 = arith.constant 0 : i32
      %dma_start3A_392 = tpu.memref_slice %arg11[%add3A_390, %dma_start3A_391] : memref<128x128xf32, #tpu.memory_space<vmem>> -> memref<1x128xf32, #tpu.memory_space<vmem>>
      %dma_start3A_393 = tpu.memref_squeeze %dma_start3A_392 : memref<1x128xf32, #tpu.memory_space<vmem>> -> memref<128xf32, #tpu.memory_space<vmem>>
      %dma_start3A_394 = arith.constant 0 : i32
      %dma_start3A_395 = tpu.memref_slice %arg9[%add3A_390, %dma_start3A_394] : memref<128x128xi32, #tpu.memory_space<vmem>> -> memref<1x128xi32, #tpu.memory_space<vmem>>
      %dma_start3A_396 = tpu.memref_squeeze %dma_start3A_395 : memref<1x128xi32, #tpu.memory_space<vmem>> -> memref<128xi32, #tpu.memory_space<vmem>>
      %dma_start3A_397 = arith.constant 0 : i32
      %dma_start3A_398 = tpu.memref_slice %arg4[%dma_start3A_397] : memref<32000000xf32, #tpu.memory_space<hbm>> -> memref<32000000xf32, #tpu.memory_space<hbm>>
      tpu.enqueue_indirect_dma source(%dma_start3A_398 : memref<32000000xf32, #tpu.memory_space<hbm>>) target(%dma_start3A_393 : memref<128xf32, #tpu.memory_space<vmem>>) offsets(%dma_start3A_396 : memref<128xi32, #tpu.memory_space<vmem>>) semaphore(%arg15 : memref<!tpu.dma_semaphore, #tpu.memory_space<semaphore_mem>>)
      %dma_start3A_399 = arith.constant 0 : i32
      %dma_start3A_400 = tpu.memref_slice %arg12[%add3A_390, %dma_start3A_399] : memref<128x128xf32, #tpu.memory_space<vmem>> -> memref<1x128xf32, #tpu.memory_space<vmem>>
      %dma_start3A_401 = tpu.memref_squeeze %dma_start3A_400 : memref<1x128xf32, #tpu.memory_space<vmem>> -> memref<128xf32, #tpu.memory_space<vmem>>
      %dma_start3A_402 = arith.constant 0 : i32
      %dma_start3A_403 = tpu.memref_slice %arg10[%add3A_390, %dma_start3A_402] : memref<128x128xi32, #tpu.memory_space<vmem>> -> memref<1x128xi32, #tpu.memory_space<vmem>>
      %dma_start3A_404 = tpu.memref_squeeze %dma_start3A_403 : memref<1x128xi32, #tpu.memory_space<vmem>> -> memref<128xi32, #tpu.memory_space<vmem>>
      %dma_start3A_405 = arith.constant 0 : i32
      %dma_start3A_406 = tpu.memref_slice %arg5[%dma_start3A_405] : memref<32000000xf32, #tpu.memory_space<hbm>> -> memref<32000000xf32, #tpu.memory_space<hbm>>
      tpu.enqueue_indirect_dma source(%dma_start3A_406 : memref<32000000xf32, #tpu.memory_space<hbm>>) target(%dma_start3A_401 : memref<128xf32, #tpu.memory_space<vmem>>) offsets(%dma_start3A_404 : memref<128xi32, #tpu.memory_space<vmem>>) semaphore(%arg16 : memref<!tpu.dma_semaphore, #tpu.memory_space<semaphore_mem>>)
      %mul3A_407 = arith.constant 8 : i32
      %mul3A_408 = arith.muli %scan3A_365, %mul3A_407 : i32
      %add3A_409 = arith.constant 2 : i32
      %add3A_410 = arith.addi %mul3A_408, %add3A_409 : i32
      %dma_start3A_411 = arith.constant 0 : i32
      %dma_start3A_412 = tpu.memref_slice %arg11[%add3A_410, %dma_start3A_411] : memref<128x128xf32, #tpu.memory_space<vmem>> -> memref<1x128xf32, #tpu.memory_space<vmem>>
      %dma_start3A_413 = tpu.memref_squeeze %dma_start3A_412 : memref<1x128xf32, #tpu.memory_space<vmem>> -> memref<128xf32, #tpu.memory_space<vmem>>
      %dma_start3A_414 = arith.constant 0 : i32
      %dma_start3A_415 = tpu.memref_slice %arg9[%add3A_410, %dma_start3A_414] : memref<128x128xi32, #tpu.memory_space<vmem>> -> memref<1x128xi32, #tpu.memory_space<vmem>>
      %dma_start3A_416 = tpu.memref_squeeze %dma_start3A_415 : memref<1x128xi32, #tpu.memory_space<vmem>> -> memref<128xi32, #tpu.memory_space<vmem>>
      %dma_start3A_417 = arith.constant 0 : i32
      %dma_start3A_418 = tpu.memref_slice %arg4[%dma_start3A_417] : memref<32000000xf32, #tpu.memory_space<hbm>> -> memref<32000000xf32, #tpu.memory_space<hbm>>
      tpu.enqueue_indirect_dma source(%dma_start3A_418 : memref<32000000xf32, #tpu.memory_space<hbm>>) target(%dma_start3A_413 : memref<128xf32, #tpu.memory_space<vmem>>) offsets(%dma_start3A_416 : memref<128xi32, #tpu.memory_space<vmem>>) semaphore(%arg15 : memref<!tpu.dma_semaphore, #tpu.memory_space<semaphore_mem>>)
      %dma_start3A_419 = arith.constant 0 : i32
      %dma_start3A_420 = tpu.memref_slice %arg12[%add3A_410, %dma_start3A_419] : memref<128x128xf32, #tpu.memory_space<vmem>> -> memref<1x128xf32, #tpu.memory_space<vmem>>
      %dma_start3A_421 = tpu.memref_squeeze %dma_start3A_420 : memref<1x128xf32, #tpu.memory_space<vmem>> -> memref<128xf32, #tpu.memory_space<vmem>>
      %dma_start3A_422 = arith.constant 0 : i32
      %dma_start3A_423 = tpu.memref_slice %arg10[%add3A_410, %dma_start3A_422] : memref<128x128xi32, #tpu.memory_space<vmem>> -> memref<1x128xi32, #tpu.memory_space<vmem>>
      %dma_start3A_424 = tpu.memref_squeeze %dma_start3A_423 : memref<1x128xi32, #tpu.memory_space<vmem>> -> memref<128xi32, #tpu.memory_space<vmem>>
      %dma_start3A_425 = arith.constant 0 : i32
      %dma_start3A_426 = tpu.memref_slice %arg5[%dma_start3A_425] : memref<32000000xf32, #tpu.memory_space<hbm>> -> memref<32000000xf32, #tpu.memory_space<hbm>>
      tpu.enqueue_indirect_dma source(%dma_start3A_426 : memref<32000000xf32, #tpu.memory_space<hbm>>) target(%dma_start3A_421 : memref<128xf32, #tpu.memory_space<vmem>>) offsets(%dma_start3A_424 : memref<128xi32, #tpu.memory_space<vmem>>) semaphore(%arg16 : memref<!tpu.dma_semaphore, #tpu.memory_space<semaphore_mem>>)
      %mul3A_427 = arith.constant 8 : i32
      %mul3A_428 = arith.muli %scan3A_365, %mul3A_427 : i32
      %add3A_429 = arith.constant 3 : i32
      %add3A_430 = arith.addi %mul3A_428, %add3A_429 : i32
      %dma_start3A_431 = arith.constant 0 : i32
      %dma_start3A_432 = tpu.memref_slice %arg11[%add3A_430, %dma_start3A_431] : memref<128x128xf32, #tpu.memory_space<vmem>> -> memref<1x128xf32, #tpu.memory_space<vmem>>
      %dma_start3A_433 = tpu.memref_squeeze %dma_start3A_432 : memref<1x128xf32, #tpu.memory_space<vmem>> -> memref<128xf32, #tpu.memory_space<vmem>>
      %dma_start3A_434 = arith.constant 0 : i32
      %dma_start3A_435 = tpu.memref_slice %arg9[%add3A_430, %dma_start3A_434] : memref<128x128xi32, #tpu.memory_space<vmem>> -> memref<1x128xi32, #tpu.memory_space<vmem>>
      %dma_start3A_436 = tpu.memref_squeeze %dma_start3A_435 : memref<1x128xi32, #tpu.memory_space<vmem>> -> memref<128xi32, #tpu.memory_space<vmem>>
      %dma_start3A_437 = arith.constant 0 : i32
      %dma_start3A_438 = tpu.memref_slice %arg4[%dma_start3A_437] : memref<32000000xf32, #tpu.memory_space<hbm>> -> memref<32000000xf32, #tpu.memory_space<hbm>>
      tpu.enqueue_indirect_dma source(%dma_start3A_438 : memref<32000000xf32, #tpu.memory_space<hbm>>) target(%dma_start3A_433 : memref<128xf32, #tpu.memory_space<vmem>>) offsets(%dma_start3A_436 : memref<128xi32, #tpu.memory_space<vmem>>) semaphore(%arg15 : memref<!tpu.dma_semaphore, #tpu.memory_space<semaphore_mem>>)
      %dma_start3A_439 = arith.constant 0 : i32
      %dma_start3A_440 = tpu.memref_slice %arg12[%add3A_430, %dma_start3A_439] : memref<128x128xf32, #tpu.memory_space<vmem>> -> memref<1x128xf32, #tpu.memory_space<vmem>>
      %dma_start3A_441 = tpu.memref_squeeze %dma_start3A_440 : memref<1x128xf32, #tpu.memory_space<vmem>> -> memref<128xf32, #tpu.memory_space<vmem>>
      %dma_start3A_442 = arith.constant 0 : i32
      %dma_start3A_443 = tpu.memref_slice %arg10[%add3A_430, %dma_start3A_442] : memref<128x128xi32, #tpu.memory_space<vmem>> -> memref<1x128xi32, #tpu.memory_space<vmem>>
      %dma_start3A_444 = tpu.memref_squeeze %dma_start3A_443 : memref<1x128xi32, #tpu.memory_space<vmem>> -> memref<128xi32, #tpu.memory_space<vmem>>
      %dma_start3A_445 = arith.constant 0 : i32
      %dma_start3A_446 = tpu.memref_slice %arg5[%dma_start3A_445] : memref<32000000xf32, #tpu.memory_space<hbm>> -> memref<32000000xf32, #tpu.memory_space<hbm>>
      tpu.enqueue_indirect_dma source(%dma_start3A_446 : memref<32000000xf32, #tpu.memory_space<hbm>>) target(%dma_start3A_441 : memref<128xf32, #tpu.memory_space<vmem>>) offsets(%dma_start3A_444 : memref<128xi32, #tpu.memory_space<vmem>>) semaphore(%arg16 : memref<!tpu.dma_semaphore, #tpu.memory_space<semaphore_mem>>)
      %mul3A_447 = arith.constant 8 : i32
      %mul3A_448 = arith.muli %scan3A_365, %mul3A_447 : i32
      %add3A_449 = arith.constant 4 : i32
      %add3A_450 = arith.addi %mul3A_448, %add3A_449 : i32
      %dma_start3A_451 = arith.constant 0 : i32
      %dma_start3A_452 = tpu.memref_slice %arg11[%add3A_450, %dma_start3A_451] : memref<128x128xf32, #tpu.memory_space<vmem>> -> memref<1x128xf32, #tpu.memory_space<vmem>>
      %dma_start3A_453 = tpu.memref_squeeze %dma_start3A_452 : memref<1x128xf32, #tpu.memory_space<vmem>> -> memref<128xf32, #tpu.memory_space<vmem>>
      %dma_start3A_454 = arith.constant 0 : i32
      %dma_start3A_455 = tpu.memref_slice %arg9[%add3A_450, %dma_start3A_454] : memref<128x128xi32, #tpu.memory_space<vmem>> -> memref<1x128xi32, #tpu.memory_space<vmem>>
      %dma_start3A_456 = tpu.memref_squeeze %dma_start3A_455 : memref<1x128xi32, #tpu.memory_space<vmem>> -> memref<128xi32, #tpu.memory_space<vmem>>
      %dma_start3A_457 = arith.constant 0 : i32
      %dma_start3A_458 = tpu.memref_slice %arg4[%dma_start3A_457] : memref<32000000xf32, #tpu.memory_space<hbm>> -> memref<32000000xf32, #tpu.memory_space<hbm>>
      tpu.enqueue_indirect_dma source(%dma_start3A_458 : memref<32000000xf32, #tpu.memory_space<hbm>>) target(%dma_start3A_453 : memref<128xf32, #tpu.memory_space<vmem>>) offsets(%dma_start3A_456 : memref<128xi32, #tpu.memory_space<vmem>>) semaphore(%arg15 : memref<!tpu.dma_semaphore, #tpu.memory_space<semaphore_mem>>)
      %dma_start3A_459 = arith.constant 0 : i32
      %dma_start3A_460 = tpu.memref_slice %arg12[%add3A_450, %dma_start3A_459] : memref<128x128xf32, #tpu.memory_space<vmem>> -> memref<1x128xf32, #tpu.memory_space<vmem>>
      %dma_start3A_461 = tpu.memref_squeeze %dma_start3A_460 : memref<1x128xf32, #tpu.memory_space<vmem>> -> memref<128xf32, #tpu.memory_space<vmem>>
      %dma_start3A_462 = arith.constant 0 : i32
      %dma_start3A_463 = tpu.memref_slice %arg10[%add3A_450, %dma_start3A_462] : memref<128x128xi32, #tpu.memory_space<vmem>> -> memref<1x128xi32, #tpu.memory_space<vmem>>
      %dma_start3A_464 = tpu.memref_squeeze %dma_start3A_463 : memref<1x128xi32, #tpu.memory_space<vmem>> -> memref<128xi32, #tpu.memory_space<vmem>>
      %dma_start3A_465 = arith.constant 0 : i32
      %dma_start3A_466 = tpu.memref_slice %arg5[%dma_start3A_465] : memref<32000000xf32, #tpu.memory_space<hbm>> -> memref<32000000xf32, #tpu.memory_space<hbm>>
      tpu.enqueue_indirect_dma source(%dma_start3A_466 : memref<32000000xf32, #tpu.memory_space<hbm>>) target(%dma_start3A_461 : memref<128xf32, #tpu.memory_space<vmem>>) offsets(%dma_start3A_464 : memref<128xi32, #tpu.memory_space<vmem>>) semaphore(%arg16 : memref<!tpu.dma_semaphore, #tpu.memory_space<semaphore_mem>>)
      %mul3A_467 = arith.constant 8 : i32
      %mul3A_468 = arith.muli %scan3A_365, %mul3A_467 : i32
      %add3A_469 = arith.constant 5 : i32
      %add3A_470 = arith.addi %mul3A_468, %add3A_469 : i32
      %dma_start3A_471 = arith.constant 0 : i32
      %dma_start3A_472 = tpu.memref_slice %arg11[%add3A_470, %dma_start3A_471] : memref<128x128xf32, #tpu.memory_space<vmem>> -> memref<1x128xf32, #tpu.memory_space<vmem>>
      %dma_start3A_473 = tpu.memref_squeeze %dma_start3A_472 : memref<1x128xf32, #tpu.memory_space<vmem>> -> memref<128xf32, #tpu.memory_space<vmem>>
      %dma_start3A_474 = arith.constant 0 : i32
      %dma_start3A_475 = tpu.memref_slice %arg9[%add3A_470, %dma_start3A_474] : memref<128x128xi32, #tpu.memory_space<vmem>> -> memref<1x128xi32, #tpu.memory_space<vmem>>
      %dma_start3A_476 = tpu.memref_squeeze %dma_start3A_475 : memref<1x128xi32, #tpu.memory_space<vmem>> -> memref<128xi32, #tpu.memory_space<vmem>>
      %dma_start3A_477 = arith.constant 0 : i32
      %dma_start3A_478 = tpu.memref_slice %arg4[%dma_start3A_477] : memref<32000000xf32, #tpu.memory_space<hbm>> -> memref<32000000xf32, #tpu.memory_space<hbm>>
      tpu.enqueue_indirect_dma source(%dma_start3A_478 : memref<32000000xf32, #tpu.memory_space<hbm>>) target(%dma_start3A_473 : memref<128xf32, #tpu.memory_space<vmem>>) offsets(%dma_start3A_476 : memref<128xi32, #tpu.memory_space<vmem>>) semaphore(%arg15 : memref<!tpu.dma_semaphore, #tpu.memory_space<semaphore_mem>>)
      %dma_start3A_479 = arith.constant 0 : i32
      %dma_start3A_480 = tpu.memref_slice %arg12[%add3A_470, %dma_start3A_479] : memref<128x128xf32, #tpu.memory_space<vmem>> -> memref<1x128xf32, #tpu.memory_space<vmem>>
      %dma_start3A_481 = tpu.memref_squeeze %dma_start3A_480 : memref<1x128xf32, #tpu.memory_space<vmem>> -> memref<128xf32, #tpu.memory_space<vmem>>
      %dma_start3A_482 = arith.constant 0 : i32
      %dma_start3A_483 = tpu.memref_slice %arg10[%add3A_470, %dma_start3A_482] : memref<128x128xi32, #tpu.memory_space<vmem>> -> memref<1x128xi32, #tpu.memory_space<vmem>>
      %dma_start3A_484 = tpu.memref_squeeze %dma_start3A_483 : memref<1x128xi32, #tpu.memory_space<vmem>> -> memref<128xi32, #tpu.memory_space<vmem>>
      %dma_start3A_485 = arith.constant 0 : i32
      %dma_start3A_486 = tpu.memref_slice %arg5[%dma_start3A_485] : memref<32000000xf32, #tpu.memory_space<hbm>> -> memref<32000000xf32, #tpu.memory_space<hbm>>
      tpu.enqueue_indirect_dma source(%dma_start3A_486 : memref<32000000xf32, #tpu.memory_space<hbm>>) target(%dma_start3A_481 : memref<128xf32, #tpu.memory_space<vmem>>) offsets(%dma_start3A_484 : memref<128xi32, #tpu.memory_space<vmem>>) semaphore(%arg16 : memref<!tpu.dma_semaphore, #tpu.memory_space<semaphore_mem>>)
      %mul3A_487 = arith.constant 8 : i32
      %mul3A_488 = arith.muli %scan3A_365, %mul3A_487 : i32
      %add3A_489 = arith.constant 6 : i32
      %add3A_490 = arith.addi %mul3A_488, %add3A_489 : i32
      %dma_start3A_491 = arith.constant 0 : i32
      %dma_start3A_492 = tpu.memref_slice %arg11[%add3A_490, %dma_start3A_491] : memref<128x128xf32, #tpu.memory_space<vmem>> -> memref<1x128xf32, #tpu.memory_space<vmem>>
      %dma_start3A_493 = tpu.memref_squeeze %dma_start3A_492 : memref<1x128xf32, #tpu.memory_space<vmem>> -> memref<128xf32, #tpu.memory_space<vmem>>
      %dma_start3A_494 = arith.constant 0 : i32
      %dma_start3A_495 = tpu.memref_slice %arg9[%add3A_490, %dma_start3A_494] : memref<128x128xi32, #tpu.memory_space<vmem>> -> memref<1x128xi32, #tpu.memory_space<vmem>>
      %dma_start3A_496 = tpu.memref_squeeze %dma_start3A_495 : memref<1x128xi32, #tpu.memory_space<vmem>> -> memref<128xi32, #tpu.memory_space<vmem>>
      %dma_start3A_497 = arith.constant 0 : i32
      %dma_start3A_498 = tpu.memref_slice %arg4[%dma_start3A_497] : memref<32000000xf32, #tpu.memory_space<hbm>> -> memref<32000000xf32, #tpu.memory_space<hbm>>
      tpu.enqueue_indirect_dma source(%dma_start3A_498 : memref<32000000xf32, #tpu.memory_space<hbm>>) target(%dma_start3A_493 : memref<128xf32, #tpu.memory_space<vmem>>) offsets(%dma_start3A_496 : memref<128xi32, #tpu.memory_space<vmem>>) semaphore(%arg15 : memref<!tpu.dma_semaphore, #tpu.memory_space<semaphore_mem>>)
      %dma_start3A_499 = arith.constant 0 : i32
      %dma_start3A_500 = tpu.memref_slice %arg12[%add3A_490, %dma_start3A_499] : memref<128x128xf32, #tpu.memory_space<vmem>> -> memref<1x128xf32, #tpu.memory_space<vmem>>
      %dma_start3A_501 = tpu.memref_squeeze %dma_start3A_500 : memref<1x128xf32, #tpu.memory_space<vmem>> -> memref<128xf32, #tpu.memory_space<vmem>>
      %dma_start3A_502 = arith.constant 0 : i32
      %dma_start3A_503 = tpu.memref_slice %arg10[%add3A_490, %dma_start3A_502] : memref<128x128xi32, #tpu.memory_space<vmem>> -> memref<1x128xi32, #tpu.memory_space<vmem>>
      %dma_start3A_504 = tpu.memref_squeeze %dma_start3A_503 : memref<1x128xi32, #tpu.memory_space<vmem>> -> memref<128xi32, #tpu.memory_space<vmem>>
      %dma_start3A_505 = arith.constant 0 : i32
      %dma_start3A_506 = tpu.memref_slice %arg5[%dma_start3A_505] : memref<32000000xf32, #tpu.memory_space<hbm>> -> memref<32000000xf32, #tpu.memory_space<hbm>>
      tpu.enqueue_indirect_dma source(%dma_start3A_506 : memref<32000000xf32, #tpu.memory_space<hbm>>) target(%dma_start3A_501 : memref<128xf32, #tpu.memory_space<vmem>>) offsets(%dma_start3A_504 : memref<128xi32, #tpu.memory_space<vmem>>) semaphore(%arg16 : memref<!tpu.dma_semaphore, #tpu.memory_space<semaphore_mem>>)
      %mul3A_507 = arith.constant 8 : i32
      %mul3A_508 = arith.muli %scan3A_365, %mul3A_507 : i32
      %add3A_509 = arith.constant 7 : i32
      %add3A_510 = arith.addi %mul3A_508, %add3A_509 : i32
      %dma_start3A_511 = arith.constant 0 : i32
      %dma_start3A_512 = tpu.memref_slice %arg11[%add3A_510, %dma_start3A_511] : memref<128x128xf32, #tpu.memory_space<vmem>> -> memref<1x128xf32, #tpu.memory_space<vmem>>
      %dma_start3A_513 = tpu.memref_squeeze %dma_start3A_512 : memref<1x128xf32, #tpu.memory_space<vmem>> -> memref<128xf32, #tpu.memory_space<vmem>>
      %dma_start3A_514 = arith.constant 0 : i32
      %dma_start3A_515 = tpu.memref_slice %arg9[%add3A_510, %dma_start3A_514] : memref<128x128xi32, #tpu.memory_space<vmem>> -> memref<1x128xi32, #tpu.memory_space<vmem>>
      %dma_start3A_516 = tpu.memref_squeeze %dma_start3A_515 : memref<1x128xi32, #tpu.memory_space<vmem>> -> memref<128xi32, #tpu.memory_space<vmem>>
      %dma_start3A_517 = arith.constant 0 : i32
      %dma_start3A_518 = tpu.memref_slice %arg4[%dma_start3A_517] : memref<32000000xf32, #tpu.memory_space<hbm>> -> memref<32000000xf32, #tpu.memory_space<hbm>>
      tpu.enqueue_indirect_dma source(%dma_start3A_518 : memref<32000000xf32, #tpu.memory_space<hbm>>) target(%dma_start3A_513 : memref<128xf32, #tpu.memory_space<vmem>>) offsets(%dma_start3A_516 : memref<128xi32, #tpu.memory_space<vmem>>) semaphore(%arg15 : memref<!tpu.dma_semaphore, #tpu.memory_space<semaphore_mem>>)
      %dma_start3A_519 = arith.constant 0 : i32
      %dma_start3A_520 = tpu.memref_slice %arg12[%add3A_510, %dma_start3A_519] : memref<128x128xf32, #tpu.memory_space<vmem>> -> memref<1x128xf32, #tpu.memory_space<vmem>>
      %dma_start3A_521 = tpu.memref_squeeze %dma_start3A_520 : memref<1x128xf32, #tpu.memory_space<vmem>> -> memref<128xf32, #tpu.memory_space<vmem>>
      %dma_start3A_522 = arith.constant 0 : i32
      %dma_start3A_523 = tpu.memref_slice %arg10[%add3A_510, %dma_start3A_522] : memref<128x128xi32, #tpu.memory_space<vmem>> -> memref<1x128xi32, #tpu.memory_space<vmem>>
      %dma_start3A_524 = tpu.memref_squeeze %dma_start3A_523 : memref<1x128xi32, #tpu.memory_space<vmem>> -> memref<128xi32, #tpu.memory_space<vmem>>
      %dma_start3A_525 = arith.constant 0 : i32
      %dma_start3A_526 = tpu.memref_slice %arg5[%dma_start3A_525] : memref<32000000xf32, #tpu.memory_space<hbm>> -> memref<32000000xf32, #tpu.memory_space<hbm>>
      tpu.enqueue_indirect_dma source(%dma_start3A_526 : memref<32000000xf32, #tpu.memory_space<hbm>>) target(%dma_start3A_521 : memref<128xf32, #tpu.memory_space<vmem>>) offsets(%dma_start3A_524 : memref<128xi32, #tpu.memory_space<vmem>>) semaphore(%arg16 : memref<!tpu.dma_semaphore, #tpu.memory_space<semaphore_mem>>)
      %dma_wait3A_527 = arith.constant 0 : i32
      %dma_wait3A_528 = arith.constant 0 : i32
      %dma_wait3A_529 = tpu.memref_slice %arg11[%dma_wait3A_527, %dma_wait3A_528] : memref<128x128xf32, #tpu.memory_space<vmem>> -> memref<1x128xf32, #tpu.memory_space<vmem>>
      %dma_wait3A_530 = tpu.memref_squeeze %dma_wait3A_529 : memref<1x128xf32, #tpu.memory_space<vmem>> -> memref<128xf32, #tpu.memory_space<vmem>>
      %dma_wait3A_531 = arith.constant 0 : i32
      %dma_wait3A_532 = tpu.memref_slice %arg4[%dma_wait3A_531] : memref<32000000xf32, #tpu.memory_space<hbm>> -> memref<128xf32, #tpu.memory_space<hbm>>
      %dma_wait3A_533 = arith.constant 0 : i32
      %dma_wait3A_534 = tpu.memref_slice %arg11[%dma_wait3A_527, %dma_wait3A_533] : memref<128x128xf32, #tpu.memory_space<vmem>> -> memref<1x128xf32, #tpu.memory_space<vmem>>
      %dma_wait3A_535 = tpu.memref_squeeze %dma_wait3A_534 : memref<1x128xf32, #tpu.memory_space<vmem>> -> memref<128xf32, #tpu.memory_space<vmem>>
      %dma_wait3A_536 = arith.constant 0 : i32
      %dma_wait3A_537 = tpu.memref_slice %arg4[%dma_wait3A_536] : memref<32000000xf32, #tpu.memory_space<hbm>> -> memref<128xf32, #tpu.memory_space<hbm>>
      tpu.wait_dma2 semaphore(%arg15 : memref<!tpu.dma_semaphore, #tpu.memory_space<semaphore_mem>>) src(%dma_wait3A_537 : memref<128xf32, #tpu.memory_space<hbm>>) dst(%dma_wait3A_535 : memref<128xf32, #tpu.memory_space<vmem>>)
      %dma_wait3A_538 = arith.constant 0 : i32
      %dma_wait3A_539 = arith.constant 0 : i32
      %dma_wait3A_540 = tpu.memref_slice %arg12[%dma_wait3A_538, %dma_wait3A_539] : memref<128x128xf32, #tpu.memory_space<vmem>> -> memref<1x128xf32, #tpu.memory_space<vmem>>
      %dma_wait3A_541 = tpu.memref_squeeze %dma_wait3A_540 : memref<1x128xf32, #tpu.memory_space<vmem>> -> memref<128xf32, #tpu.memory_space<vmem>>
      %dma_wait3A_542 = arith.constant 0 : i32
      %dma_wait3A_543 = tpu.memref_slice %arg5[%dma_wait3A_542] : memref<32000000xf32, #tpu.memory_space<hbm>> -> memref<128xf32, #tpu.memory_space<hbm>>
      %dma_wait3A_544 = arith.constant 0 : i32
      %dma_wait3A_545 = tpu.memref_slice %arg12[%dma_wait3A_538, %dma_wait3A_544] : memref<128x128xf32, #tpu.memory_space<vmem>> -> memref<1x128xf32, #tpu.memory_space<vmem>>
      %dma_wait3A_546 = tpu.memref_squeeze %dma_wait3A_545 : memref<1x128xf32, #tpu.memory_space<vmem>> -> memref<128xf32, #tpu.memory_space<vmem>>
      %dma_wait3A_547 = arith.constant 0 : i32
      %dma_wait3A_548 = tpu.memref_slice %arg5[%dma_wait3A_547] : memref<32000000xf32, #tpu.memory_space<hbm>> -> memref<128xf32, #tpu.memory_space<hbm>>
      tpu.wait_dma2 semaphore(%arg16 : memref<!tpu.dma_semaphore, #tpu.memory_space<semaphore_mem>>) src(%dma_wait3A_548 : memref<128xf32, #tpu.memory_space<hbm>>) dst(%dma_wait3A_546 : memref<128xf32, #tpu.memory_space<vmem>>)
      %dma_wait3A_549 = arith.constant 0 : i32
      %dma_wait3A_550 = arith.constant 0 : i32
      %dma_wait3A_551 = tpu.memref_slice %arg11[%dma_wait3A_549, %dma_wait3A_550] : memref<128x128xf32, #tpu.memory_space<vmem>> -> memref<1x128xf32, #tpu.memory_space<vmem>>
      %dma_wait3A_552 = tpu.memref_squeeze %dma_wait3A_551 : memref<1x128xf32, #tpu.memory_space<vmem>> -> memref<128xf32, #tpu.memory_space<vmem>>
      %dma_wait3A_553 = arith.constant 0 : i32
      %dma_wait3A_554 = tpu.memref_slice %arg4[%dma_wait3A_553] : memref<32000000xf32, #tpu.memory_space<hbm>> -> memref<128xf32, #tpu.memory_space<hbm>>
      %dma_wait3A_555 = arith.constant 0 : i32
      %dma_wait3A_556 = tpu.memref_slice %arg11[%dma_wait3A_549, %dma_wait3A_555] : memref<128x128xf32, #tpu.memory_space<vmem>> -> memref<1x128xf32, #tpu.memory_space<vmem>>
      %dma_wait3A_557 = tpu.memref_squeeze %dma_wait3A_556 : memref<1x128xf32, #tpu.memory_space<vmem>> -> memref<128xf32, #tpu.memory_space<vmem>>
      %dma_wait3A_558 = arith.constant 0 : i32
      %dma_wait3A_559 = tpu.memref_slice %arg4[%dma_wait3A_558] : memref<32000000xf32, #tpu.memory_space<hbm>> -> memref<128xf32, #tpu.memory_space<hbm>>
      tpu.wait_dma2 semaphore(%arg15 : memref<!tpu.dma_semaphore, #tpu.memory_space<semaphore_mem>>) src(%dma_wait3A_559 : memref<128xf32, #tpu.memory_space<hbm>>) dst(%dma_wait3A_557 : memref<128xf32, #tpu.memory_space<vmem>>)
      %dma_wait3A_560 = arith.constant 0 : i32
      %dma_wait3A_561 = arith.constant 0 : i32
      %dma_wait3A_562 = tpu.memref_slice %arg12[%dma_wait3A_560, %dma_wait3A_561] : memref<128x128xf32, #tpu.memory_space<vmem>> -> memref<1x128xf32, #tpu.memory_space<vmem>>
      %dma_wait3A_563 = tpu.memref_squeeze %dma_wait3A_562 : memref<1x128xf32, #tpu.memory_space<vmem>> -> memref<128xf32, #tpu.memory_space<vmem>>
      %dma_wait3A_564 = arith.constant 0 : i32
      %dma_wait3A_565 = tpu.memref_slice %arg5[%dma_wait3A_564] : memref<32000000xf32, #tpu.memory_space<hbm>> -> memref<128xf32, #tpu.memory_space<hbm>>
      %dma_wait3A_566 = arith.constant 0 : i32
      %dma_wait3A_567 = tpu.memref_slice %arg12[%dma_wait3A_560, %dma_wait3A_566] : memref<128x128xf32, #tpu.memory_space<vmem>> -> memref<1x128xf32, #tpu.memory_space<vmem>>
      %dma_wait3A_568 = tpu.memref_squeeze %dma_wait3A_567 : memref<1x128xf32, #tpu.memory_space<vmem>> -> memref<128xf32, #tpu.memory_space<vmem>>
      %dma_wait3A_569 = arith.constant 0 : i32
      %dma_wait3A_570 = tpu.memref_slice %arg5[%dma_wait3A_569] : memref<32000000xf32, #tpu.memory_space<hbm>> -> memref<128xf32, #tpu.memory_space<hbm>>
      tpu.wait_dma2 semaphore(%arg16 : memref<!tpu.dma_semaphore, #tpu.memory_space<semaphore_mem>>) src(%dma_wait3A_570 : memref<128xf32, #tpu.memory_space<hbm>>) dst(%dma_wait3A_568 : memref<128xf32, #tpu.memory_space<vmem>>)
      %dma_wait3A_571 = arith.constant 0 : i32
      %dma_wait3A_572 = arith.constant 0 : i32
      %dma_wait3A_573 = tpu.memref_slice %arg11[%dma_wait3A_571, %dma_wait3A_572] : memref<128x128xf32, #tpu.memory_space<vmem>> -> memref<1x128xf32, #tpu.memory_space<vmem>>
      %dma_wait3A_574 = tpu.memref_squeeze %dma_wait3A_573 : memref<1x128xf32, #tpu.memory_space<vmem>> -> memref<128xf32, #tpu.memory_space<vmem>>
      %dma_wait3A_575 = arith.constant 0 : i32
      %dma_wait3A_576 = tpu.memref_slice %arg4[%dma_wait3A_575] : memref<32000000xf32, #tpu.memory_space<hbm>> -> memref<128xf32, #tpu.memory_space<hbm>>
      %dma_wait3A_577 = arith.constant 0 : i32
      %dma_wait3A_578 = tpu.memref_slice %arg11[%dma_wait3A_571, %dma_wait3A_577] : memref<128x128xf32, #tpu.memory_space<vmem>> -> memref<1x128xf32, #tpu.memory_space<vmem>>
      %dma_wait3A_579 = tpu.memref_squeeze %dma_wait3A_578 : memref<1x128xf32, #tpu.memory_space<vmem>> -> memref<128xf32, #tpu.memory_space<vmem>>
      %dma_wait3A_580 = arith.constant 0 : i32
      %dma_wait3A_581 = tpu.memref_slice %arg4[%dma_wait3A_580] : memref<32000000xf32, #tpu.memory_space<hbm>> -> memref<128xf32, #tpu.memory_space<hbm>>
      tpu.wait_dma2 semaphore(%arg15 : memref<!tpu.dma_semaphore, #tpu.memory_space<semaphore_mem>>) src(%dma_wait3A_581 : memref<128xf32, #tpu.memory_space<hbm>>) dst(%dma_wait3A_579 : memref<128xf32, #tpu.memory_space<vmem>>)
      %dma_wait3A_582 = arith.constant 0 : i32
      %dma_wait3A_583 = arith.constant 0 : i32
      %dma_wait3A_584 = tpu.memref_slice %arg12[%dma_wait3A_582, %dma_wait3A_583] : memref<128x128xf32, #tpu.memory_space<vmem>> -> memref<1x128xf32, #tpu.memory_space<vmem>>
      %dma_wait3A_585 = tpu.memref_squeeze %dma_wait3A_584 : memref<1x128xf32, #tpu.memory_space<vmem>> -> memref<128xf32, #tpu.memory_space<vmem>>
      %dma_wait3A_586 = arith.constant 0 : i32
      %dma_wait3A_587 = tpu.memref_slice %arg5[%dma_wait3A_586] : memref<32000000xf32, #tpu.memory_space<hbm>> -> memref<128xf32, #tpu.memory_space<hbm>>
      %dma_wait3A_588 = arith.constant 0 : i32
      %dma_wait3A_589 = tpu.memref_slice %arg12[%dma_wait3A_582, %dma_wait3A_588] : memref<128x128xf32, #tpu.memory_space<vmem>> -> memref<1x128xf32, #tpu.memory_space<vmem>>
      %dma_wait3A_590 = tpu.memref_squeeze %dma_wait3A_589 : memref<1x128xf32, #tpu.memory_space<vmem>> -> memref<128xf32, #tpu.memory_space<vmem>>
      %dma_wait3A_591 = arith.constant 0 : i32
      %dma_wait3A_592 = tpu.memref_slice %arg5[%dma_wait3A_591] : memref<32000000xf32, #tpu.memory_space<hbm>> -> memref<128xf32, #tpu.memory_space<hbm>>
      tpu.wait_dma2 semaphore(%arg16 : memref<!tpu.dma_semaphore, #tpu.memory_space<semaphore_mem>>) src(%dma_wait3A_592 : memref<128xf32, #tpu.memory_space<hbm>>) dst(%dma_wait3A_590 : memref<128xf32, #tpu.memory_space<vmem>>)
      %dma_wait3A_593 = arith.constant 0 : i32
      %dma_wait3A_594 = arith.constant 0 : i32
      %dma_wait3A_595 = tpu.memref_slice %arg11[%dma_wait3A_593, %dma_wait3A_594] : memref<128x128xf32, #tpu.memory_space<vmem>> -> memref<1x128xf32, #tpu.memory_space<vmem>>
      %dma_wait3A_596 = tpu.memref_squeeze %dma_wait3A_595 : memref<1x128xf32, #tpu.memory_space<vmem>> -> memref<128xf32, #tpu.memory_space<vmem>>
      %dma_wait3A_597 = arith.constant 0 : i32
      %dma_wait3A_598 = tpu.memref_slice %arg4[%dma_wait3A_597] : memref<32000000xf32, #tpu.memory_space<hbm>> -> memref<128xf32, #tpu.memory_space<hbm>>
      %dma_wait3A_599 = arith.constant 0 : i32
      %dma_wait3A_600 = tpu.memref_slice %arg11[%dma_wait3A_593, %dma_wait3A_599] : memref<128x128xf32, #tpu.memory_space<vmem>> -> memref<1x128xf32, #tpu.memory_space<vmem>>
      %dma_wait3A_601 = tpu.memref_squeeze %dma_wait3A_600 : memref<1x128xf32, #tpu.memory_space<vmem>> -> memref<128xf32, #tpu.memory_space<vmem>>
      %dma_wait3A_602 = arith.constant 0 : i32
      %dma_wait3A_603 = tpu.memref_slice %arg4[%dma_wait3A_602] : memref<32000000xf32, #tpu.memory_space<hbm>> -> memref<128xf32, #tpu.memory_space<hbm>>
      tpu.wait_dma2 semaphore(%arg15 : memref<!tpu.dma_semaphore, #tpu.memory_space<semaphore_mem>>) src(%dma_wait3A_603 : memref<128xf32, #tpu.memory_space<hbm>>) dst(%dma_wait3A_601 : memref<128xf32, #tpu.memory_space<vmem>>)
      %dma_wait3A_604 = arith.constant 0 : i32
      %dma_wait3A_605 = arith.constant 0 : i32
      %dma_wait3A_606 = tpu.memref_slice %arg12[%dma_wait3A_604, %dma_wait3A_605] : memref<128x128xf32, #tpu.memory_space<vmem>> -> memref<1x128xf32, #tpu.memory_space<vmem>>
      %dma_wait3A_607 = tpu.memref_squeeze %dma_wait3A_606 : memref<1x128xf32, #tpu.memory_space<vmem>> -> memref<128xf32, #tpu.memory_space<vmem>>
      %dma_wait3A_608 = arith.constant 0 : i32
      %dma_wait3A_609 = tpu.memref_slice %arg5[%dma_wait3A_608] : memref<32000000xf32, #tpu.memory_space<hbm>> -> memref<128xf32, #tpu.memory_space<hbm>>
      %dma_wait3A_610 = arith.constant 0 : i32
      %dma_wait3A_611 = tpu.memref_slice %arg12[%dma_wait3A_604, %dma_wait3A_610] : memref<128x128xf32, #tpu.memory_space<vmem>> -> memref<1x128xf32, #tpu.memory_space<vmem>>
      %dma_wait3A_612 = tpu.memref_squeeze %dma_wait3A_611 : memref<1x128xf32, #tpu.memory_space<vmem>> -> memref<128xf32, #tpu.memory_space<vmem>>
      %dma_wait3A_613 = arith.constant 0 : i32
      %dma_wait3A_614 = tpu.memref_slice %arg5[%dma_wait3A_613] : memref<32000000xf32, #tpu.memory_space<hbm>> -> memref<128xf32, #tpu.memory_space<hbm>>
      tpu.wait_dma2 semaphore(%arg16 : memref<!tpu.dma_semaphore, #tpu.memory_space<semaphore_mem>>) src(%dma_wait3A_614 : memref<128xf32, #tpu.memory_space<hbm>>) dst(%dma_wait3A_612 : memref<128xf32, #tpu.memory_space<vmem>>)
      %dma_wait3A_615 = arith.constant 0 : i32
      %dma_wait3A_616 = arith.constant 0 : i32
      %dma_wait3A_617 = tpu.memref_slice %arg11[%dma_wait3A_615, %dma_wait3A_616] : memref<128x128xf32, #tpu.memory_space<vmem>> -> memref<1x128xf32, #tpu.memory_space<vmem>>
      %dma_wait3A_618 = tpu.memref_squeeze %dma_wait3A_617 : memref<1x128xf32, #tpu.memory_space<vmem>> -> memref<128xf32, #tpu.memory_space<vmem>>
      %dma_wait3A_619 = arith.constant 0 : i32
      %dma_wait3A_620 = tpu.memref_slice %arg4[%dma_wait3A_619] : memref<32000000xf32, #tpu.memory_space<hbm>> -> memref<128xf32, #tpu.memory_space<hbm>>
      %dma_wait3A_621 = arith.constant 0 : i32
      %dma_wait3A_622 = tpu.memref_slice %arg11[%dma_wait3A_615, %dma_wait3A_621] : memref<128x128xf32, #tpu.memory_space<vmem>> -> memref<1x128xf32, #tpu.memory_space<vmem>>
      %dma_wait3A_623 = tpu.memref_squeeze %dma_wait3A_622 : memref<1x128xf32, #tpu.memory_space<vmem>> -> memref<128xf32, #tpu.memory_space<vmem>>
      %dma_wait3A_624 = arith.constant 0 : i32
      %dma_wait3A_625 = tpu.memref_slice %arg4[%dma_wait3A_624] : memref<32000000xf32, #tpu.memory_space<hbm>> -> memref<128xf32, #tpu.memory_space<hbm>>
      tpu.wait_dma2 semaphore(%arg15 : memref<!tpu.dma_semaphore, #tpu.memory_space<semaphore_mem>>) src(%dma_wait3A_625 : memref<128xf32, #tpu.memory_space<hbm>>) dst(%dma_wait3A_623 : memref<128xf32, #tpu.memory_space<vmem>>)
      %dma_wait3A_626 = arith.constant 0 : i32
      %dma_wait3A_627 = arith.constant 0 : i32
      %dma_wait3A_628 = tpu.memref_slice %arg12[%dma_wait3A_626, %dma_wait3A_627] : memref<128x128xf32, #tpu.memory_space<vmem>> -> memref<1x128xf32, #tpu.memory_space<vmem>>
      %dma_wait3A_629 = tpu.memref_squeeze %dma_wait3A_628 : memref<1x128xf32, #tpu.memory_space<vmem>> -> memref<128xf32, #tpu.memory_space<vmem>>
      %dma_wait3A_630 = arith.constant 0 : i32
      %dma_wait3A_631 = tpu.memref_slice %arg5[%dma_wait3A_630] : memref<32000000xf32, #tpu.memory_space<hbm>> -> memref<128xf32, #tpu.memory_space<hbm>>
      %dma_wait3A_632 = arith.constant 0 : i32
      %dma_wait3A_633 = tpu.memref_slice %arg12[%dma_wait3A_626, %dma_wait3A_632] : memref<128x128xf32, #tpu.memory_space<vmem>> -> memref<1x128xf32, #tpu.memory_space<vmem>>
      %dma_wait3A_634 = tpu.memref_squeeze %dma_wait3A_633 : memref<1x128xf32, #tpu.memory_space<vmem>> -> memref<128xf32, #tpu.memory_space<vmem>>
      %dma_wait3A_635 = arith.constant 0 : i32
      %dma_wait3A_636 = tpu.memref_slice %arg5[%dma_wait3A_635] : memref<32000000xf32, #tpu.memory_space<hbm>> -> memref<128xf32, #tpu.memory_space<hbm>>
      tpu.wait_dma2 semaphore(%arg16 : memref<!tpu.dma_semaphore, #tpu.memory_space<semaphore_mem>>) src(%dma_wait3A_636 : memref<128xf32, #tpu.memory_space<hbm>>) dst(%dma_wait3A_634 : memref<128xf32, #tpu.memory_space<vmem>>)
      %dma_wait3A_637 = arith.constant 0 : i32
      %dma_wait3A_638 = arith.constant 0 : i32
      %dma_wait3A_639 = tpu.memref_slice %arg11[%dma_wait3A_637, %dma_wait3A_638] : memref<128x128xf32, #tpu.memory_space<vmem>> -> memref<1x128xf32, #tpu.memory_space<vmem>>
      %dma_wait3A_640 = tpu.memref_squeeze %dma_wait3A_639 : memref<1x128xf32, #tpu.memory_space<vmem>> -> memref<128xf32, #tpu.memory_space<vmem>>
      %dma_wait3A_641 = arith.constant 0 : i32
      %dma_wait3A_642 = tpu.memref_slice %arg4[%dma_wait3A_641] : memref<32000000xf32, #tpu.memory_space<hbm>> -> memref<128xf32, #tpu.memory_space<hbm>>
      %dma_wait3A_643 = arith.constant 0 : i32
      %dma_wait3A_644 = tpu.memref_slice %arg11[%dma_wait3A_637, %dma_wait3A_643] : memref<128x128xf32, #tpu.memory_space<vmem>> -> memref<1x128xf32, #tpu.memory_space<vmem>>
      %dma_wait3A_645 = tpu.memref_squeeze %dma_wait3A_644 : memref<1x128xf32, #tpu.memory_space<vmem>> -> memref<128xf32, #tpu.memory_space<vmem>>
      %dma_wait3A_646 = arith.constant 0 : i32
      %dma_wait3A_647 = tpu.memref_slice %arg4[%dma_wait3A_646] : memref<32000000xf32, #tpu.memory_space<hbm>> -> memref<128xf32, #tpu.memory_space<hbm>>
      tpu.wait_dma2 semaphore(%arg15 : memref<!tpu.dma_semaphore, #tpu.memory_space<semaphore_mem>>) src(%dma_wait3A_647 : memref<128xf32, #tpu.memory_space<hbm>>) dst(%dma_wait3A_645 : memref<128xf32, #tpu.memory_space<vmem>>)
      %dma_wait3A_648 = arith.constant 0 : i32
      %dma_wait3A_649 = arith.constant 0 : i32
      %dma_wait3A_650 = tpu.memref_slice %arg12[%dma_wait3A_648, %dma_wait3A_649] : memref<128x128xf32, #tpu.memory_space<vmem>> -> memref<1x128xf32, #tpu.memory_space<vmem>>
      %dma_wait3A_651 = tpu.memref_squeeze %dma_wait3A_650 : memref<1x128xf32, #tpu.memory_space<vmem>> -> memref<128xf32, #tpu.memory_space<vmem>>
      %dma_wait3A_652 = arith.constant 0 : i32
      %dma_wait3A_653 = tpu.memref_slice %arg5[%dma_wait3A_652] : memref<32000000xf32, #tpu.memory_space<hbm>> -> memref<128xf32, #tpu.memory_space<hbm>>
      %dma_wait3A_654 = arith.constant 0 : i32
      %dma_wait3A_655 = tpu.memref_slice %arg12[%dma_wait3A_648, %dma_wait3A_654] : memref<128x128xf32, #tpu.memory_space<vmem>> -> memref<1x128xf32, #tpu.memory_space<vmem>>
      %dma_wait3A_656 = tpu.memref_squeeze %dma_wait3A_655 : memref<1x128xf32, #tpu.memory_space<vmem>> -> memref<128xf32, #tpu.memory_space<vmem>>
      %dma_wait3A_657 = arith.constant 0 : i32
      %dma_wait3A_658 = tpu.memref_slice %arg5[%dma_wait3A_657] : memref<32000000xf32, #tpu.memory_space<hbm>> -> memref<128xf32, #tpu.memory_space<hbm>>
      tpu.wait_dma2 semaphore(%arg16 : memref<!tpu.dma_semaphore, #tpu.memory_space<semaphore_mem>>) src(%dma_wait3A_658 : memref<128xf32, #tpu.memory_space<hbm>>) dst(%dma_wait3A_656 : memref<128xf32, #tpu.memory_space<vmem>>)
      %dma_wait3A_659 = arith.constant 0 : i32
      %dma_wait3A_660 = arith.constant 0 : i32
      %dma_wait3A_661 = tpu.memref_slice %arg11[%dma_wait3A_659, %dma_wait3A_660] : memref<128x128xf32, #tpu.memory_space<vmem>> -> memref<1x128xf32, #tpu.memory_space<vmem>>
      %dma_wait3A_662 = tpu.memref_squeeze %dma_wait3A_661 : memref<1x128xf32, #tpu.memory_space<vmem>> -> memref<128xf32, #tpu.memory_space<vmem>>
      %dma_wait3A_663 = arith.constant 0 : i32
      %dma_wait3A_664 = tpu.memref_slice %arg4[%dma_wait3A_663] : memref<32000000xf32, #tpu.memory_space<hbm>> -> memref<128xf32, #tpu.memory_space<hbm>>
      %dma_wait3A_665 = arith.constant 0 : i32
      %dma_wait3A_666 = tpu.memref_slice %arg11[%dma_wait3A_659, %dma_wait3A_665] : memref<128x128xf32, #tpu.memory_space<vmem>> -> memref<1x128xf32, #tpu.memory_space<vmem>>
      %dma_wait3A_667 = tpu.memref_squeeze %dma_wait3A_666 : memref<1x128xf32, #tpu.memory_space<vmem>> -> memref<128xf32, #tpu.memory_space<vmem>>
      %dma_wait3A_668 = arith.constant 0 : i32
      %dma_wait3A_669 = tpu.memref_slice %arg4[%dma_wait3A_668] : memref<32000000xf32, #tpu.memory_space<hbm>> -> memref<128xf32, #tpu.memory_space<hbm>>
      tpu.wait_dma2 semaphore(%arg15 : memref<!tpu.dma_semaphore, #tpu.memory_space<semaphore_mem>>) src(%dma_wait3A_669 : memref<128xf32, #tpu.memory_space<hbm>>) dst(%dma_wait3A_667 : memref<128xf32, #tpu.memory_space<vmem>>)
      %dma_wait3A_670 = arith.constant 0 : i32
      %dma_wait3A_671 = arith.constant 0 : i32
      %dma_wait3A_672 = tpu.memref_slice %arg12[%dma_wait3A_670, %dma_wait3A_671] : memref<128x128xf32, #tpu.memory_space<vmem>> -> memref<1x128xf32, #tpu.memory_space<vmem>>
      %dma_wait3A_673 = tpu.memref_squeeze %dma_wait3A_672 : memref<1x128xf32, #tpu.memory_space<vmem>> -> memref<128xf32, #tpu.memory_space<vmem>>
      %dma_wait3A_674 = arith.constant 0 : i32
      %dma_wait3A_675 = tpu.memref_slice %arg5[%dma_wait3A_674] : memref<32000000xf32, #tpu.memory_space<hbm>> -> memref<128xf32, #tpu.memory_space<hbm>>
      %dma_wait3A_676 = arith.constant 0 : i32
      %dma_wait3A_677 = tpu.memref_slice %arg12[%dma_wait3A_670, %dma_wait3A_676] : memref<128x128xf32, #tpu.memory_space<vmem>> -> memref<1x128xf32, #tpu.memory_space<vmem>>
      %dma_wait3A_678 = tpu.memref_squeeze %dma_wait3A_677 : memref<1x128xf32, #tpu.memory_space<vmem>> -> memref<128xf32, #tpu.memory_space<vmem>>
      %dma_wait3A_679 = arith.constant 0 : i32
      %dma_wait3A_680 = tpu.memref_slice %arg5[%dma_wait3A_679] : memref<32000000xf32, #tpu.memory_space<hbm>> -> memref<128xf32, #tpu.memory_space<hbm>>
      tpu.wait_dma2 semaphore(%arg16 : memref<!tpu.dma_semaphore, #tpu.memory_space<semaphore_mem>>) src(%dma_wait3A_680 : memref<128xf32, #tpu.memory_space<hbm>>) dst(%dma_wait3A_678 : memref<128xf32, #tpu.memory_space<vmem>>)
      %dma_wait3A_681 = arith.constant 0 : i32
      %dma_wait3A_682 = arith.constant 0 : i32
      %dma_wait3A_683 = tpu.memref_slice %arg11[%dma_wait3A_681, %dma_wait3A_682] : memref<128x128xf32, #tpu.memory_space<vmem>> -> memref<1x128xf32, #tpu.memory_space<vmem>>
      %dma_wait3A_684 = tpu.memref_squeeze %dma_wait3A_683 : memref<1x128xf32, #tpu.memory_space<vmem>> -> memref<128xf32, #tpu.memory_space<vmem>>
      %dma_wait3A_685 = arith.constant 0 : i32
      %dma_wait3A_686 = tpu.memref_slice %arg4[%dma_wait3A_685] : memref<32000000xf32, #tpu.memory_space<hbm>> -> memref<128xf32, #tpu.memory_space<hbm>>
      %dma_wait3A_687 = arith.constant 0 : i32
      %dma_wait3A_688 = tpu.memref_slice %arg11[%dma_wait3A_681, %dma_wait3A_687] : memref<128x128xf32, #tpu.memory_space<vmem>> -> memref<1x128xf32, #tpu.memory_space<vmem>>
      %dma_wait3A_689 = tpu.memref_squeeze %dma_wait3A_688 : memref<1x128xf32, #tpu.memory_space<vmem>> -> memref<128xf32, #tpu.memory_space<vmem>>
      %dma_wait3A_690 = arith.constant 0 : i32
      %dma_wait3A_691 = tpu.memref_slice %arg4[%dma_wait3A_690] : memref<32000000xf32, #tpu.memory_space<hbm>> -> memref<128xf32, #tpu.memory_space<hbm>>
      tpu.wait_dma2 semaphore(%arg15 : memref<!tpu.dma_semaphore, #tpu.memory_space<semaphore_mem>>) src(%dma_wait3A_691 : memref<128xf32, #tpu.memory_space<hbm>>) dst(%dma_wait3A_689 : memref<128xf32, #tpu.memory_space<vmem>>)
      %dma_wait3A_692 = arith.constant 0 : i32
      %dma_wait3A_693 = arith.constant 0 : i32
      %dma_wait3A_694 = tpu.memref_slice %arg12[%dma_wait3A_692, %dma_wait3A_693] : memref<128x128xf32, #tpu.memory_space<vmem>> -> memref<1x128xf32, #tpu.memory_space<vmem>>
      %dma_wait3A_695 = tpu.memref_squeeze %dma_wait3A_694 : memref<1x128xf32, #tpu.memory_space<vmem>> -> memref<128xf32, #tpu.memory_space<vmem>>
      %dma_wait3A_696 = arith.constant 0 : i32
      %dma_wait3A_697 = tpu.memref_slice %arg5[%dma_wait3A_696] : memref<32000000xf32, #tpu.memory_space<hbm>> -> memref<128xf32, #tpu.memory_space<hbm>>
      %dma_wait3A_698 = arith.constant 0 : i32
      %dma_wait3A_699 = tpu.memref_slice %arg12[%dma_wait3A_692, %dma_wait3A_698] : memref<128x128xf32, #tpu.memory_space<vmem>> -> memref<1x128xf32, #tpu.memory_space<vmem>>
      %dma_wait3A_700 = tpu.memref_squeeze %dma_wait3A_699 : memref<1x128xf32, #tpu.memory_space<vmem>> -> memref<128xf32, #tpu.memory_space<vmem>>
      %dma_wait3A_701 = arith.constant 0 : i32
      %dma_wait3A_702 = tpu.memref_slice %arg5[%dma_wait3A_701] : memref<32000000xf32, #tpu.memory_space<hbm>> -> memref<128xf32, #tpu.memory_space<hbm>>
      tpu.wait_dma2 semaphore(%arg16 : memref<!tpu.dma_semaphore, #tpu.memory_space<semaphore_mem>>) src(%dma_wait3A_702 : memref<128xf32, #tpu.memory_space<hbm>>) dst(%dma_wait3A_700 : memref<128xf32, #tpu.memory_space<vmem>>)
      %scan3A_703 = arith.constant 0 : i32
      scf.yield %scan3A_703 : i32
    }
    %scan3A_181 = arith.constant 15 : i32
    %dma_wait3A_182 = arith.constant 0 : i32
    %dma_wait3A_183 = arith.constant 0 : i32
    %dma_wait3A_184 = tpu.memref_slice %arg11[%dma_wait3A_182, %dma_wait3A_183] : memref<128x128xf32, #tpu.memory_space<vmem>> -> memref<1x128xf32, #tpu.memory_space<vmem>>
    %dma_wait3A_185 = tpu.memref_squeeze %dma_wait3A_184 : memref<1x128xf32, #tpu.memory_space<vmem>> -> memref<128xf32, #tpu.memory_space<vmem>>
    %dma_wait3A_186 = arith.constant 0 : i32
    %dma_wait3A_187 = tpu.memref_slice %arg4[%dma_wait3A_186] : memref<32000000xf32, #tpu.memory_space<hbm>> -> memref<128xf32, #tpu.memory_space<hbm>>
    %dma_wait3A_188 = arith.constant 0 : i32
    %dma_wait3A_189 = tpu.memref_slice %arg11[%dma_wait3A_182, %dma_wait3A_188] : memref<128x128xf32, #tpu.memory_space<vmem>> -> memref<1x128xf32, #tpu.memory_space<vmem>>
    %dma_wait3A_190 = tpu.memref_squeeze %dma_wait3A_189 : memref<1x128xf32, #tpu.memory_space<vmem>> -> memref<128xf32, #tpu.memory_space<vmem>>
    %dma_wait3A_191 = arith.constant 0 : i32
    %dma_wait3A_192 = tpu.memref_slice %arg4[%dma_wait3A_191] : memref<32000000xf32, #tpu.memory_space<hbm>> -> memref<128xf32, #tpu.memory_space<hbm>>
    tpu.wait_dma2 semaphore(%arg15 : memref<!tpu.dma_semaphore, #tpu.memory_space<semaphore_mem>>) src(%dma_wait3A_192 : memref<128xf32, #tpu.memory_space<hbm>>) dst(%dma_wait3A_190 : memref<128xf32, #tpu.memory_space<vmem>>)
    %dma_wait3A_193 = arith.constant 0 : i32
    %dma_wait3A_194 = arith.constant 0 : i32
    %dma_wait3A_195 = tpu.memref_slice %arg12[%dma_wait3A_193, %dma_wait3A_194] : memref<128x128xf32, #tpu.memory_space<vmem>> -> memref<1x128xf32, #tpu.memory_space<vmem>>
    %dma_wait3A_196 = tpu.memref_squeeze %dma_wait3A_195 : memref<1x128xf32, #tpu.memory_space<vmem>> -> memref<128xf32, #tpu.memory_space<vmem>>
    %dma_wait3A_197 = arith.constant 0 : i32
    %dma_wait3A_198 = tpu.memref_slice %arg5[%dma_wait3A_197] : memref<32000000xf32, #tpu.memory_space<hbm>> -> memref<128xf32, #tpu.memory_space<hbm>>
    %dma_wait3A_199 = arith.constant 0 : i32
    %dma_wait3A_200 = tpu.memref_slice %arg12[%dma_wait3A_193, %dma_wait3A_199] : memref<128x128xf32, #tpu.memory_space<vmem>> -> memref<1x128xf32, #tpu.memory_space<vmem>>
    %dma_wait3A_201 = tpu.memref_squeeze %dma_wait3A_200 : memref<1x128xf32, #tpu.memory_space<vmem>> -> memref<128xf32, #tpu.memory_space<vmem>>
    %dma_wait3A_202 = arith.constant 0 : i32
    %dma_wait3A_203 = tpu.memref_slice %arg5[%dma_wait3A_202] : memref<32000000xf32, #tpu.memory_space<hbm>> -> memref<128xf32, #tpu.memory_space<hbm>>
    tpu.wait_dma2 semaphore(%arg16 : memref<!tpu.dma_semaphore, #tpu.memory_space<semaphore_mem>>) src(%dma_wait3A_203 : memref<128xf32, #tpu.memory_space<hbm>>) dst(%dma_wait3A_201 : memref<128xf32, #tpu.memory_space<vmem>>)
    %dma_wait3A_204 = arith.constant 0 : i32
    %dma_wait3A_205 = arith.constant 0 : i32
    %dma_wait3A_206 = tpu.memref_slice %arg11[%dma_wait3A_204, %dma_wait3A_205] : memref<128x128xf32, #tpu.memory_space<vmem>> -> memref<1x128xf32, #tpu.memory_space<vmem>>
    %dma_wait3A_207 = tpu.memref_squeeze %dma_wait3A_206 : memref<1x128xf32, #tpu.memory_space<vmem>> -> memref<128xf32, #tpu.memory_space<vmem>>
    %dma_wait3A_208 = arith.constant 0 : i32
    %dma_wait3A_209 = tpu.memref_slice %arg4[%dma_wait3A_208] : memref<32000000xf32, #tpu.memory_space<hbm>> -> memref<128xf32, #tpu.memory_space<hbm>>
    %dma_wait3A_210 = arith.constant 0 : i32
    %dma_wait3A_211 = tpu.memref_slice %arg11[%dma_wait3A_204, %dma_wait3A_210] : memref<128x128xf32, #tpu.memory_space<vmem>> -> memref<1x128xf32, #tpu.memory_space<vmem>>
    %dma_wait3A_212 = tpu.memref_squeeze %dma_wait3A_211 : memref<1x128xf32, #tpu.memory_space<vmem>> -> memref<128xf32, #tpu.memory_space<vmem>>
    %dma_wait3A_213 = arith.constant 0 : i32
    %dma_wait3A_214 = tpu.memref_slice %arg4[%dma_wait3A_213] : memref<32000000xf32, #tpu.memory_space<hbm>> -> memref<128xf32, #tpu.memory_space<hbm>>
    tpu.wait_dma2 semaphore(%arg15 : memref<!tpu.dma_semaphore, #tpu.memory_space<semaphore_mem>>) src(%dma_wait3A_214 : memref<128xf32, #tpu.memory_space<hbm>>) dst(%dma_wait3A_212 : memref<128xf32, #tpu.memory_space<vmem>>)
    %dma_wait3A_215 = arith.constant 0 : i32
    %dma_wait3A_216 = arith.constant 0 : i32
    %dma_wait3A_217 = tpu.memref_slice %arg12[%dma_wait3A_215, %dma_wait3A_216] : memref<128x128xf32, #tpu.memory_space<vmem>> -> memref<1x128xf32, #tpu.memory_space<vmem>>
    %dma_wait3A_218 = tpu.memref_squeeze %dma_wait3A_217 : memref<1x128xf32, #tpu.memory_space<vmem>> -> memref<128xf32, #tpu.memory_space<vmem>>
    %dma_wait3A_219 = arith.constant 0 : i32
    %dma_wait3A_220 = tpu.memref_slice %arg5[%dma_wait3A_219] : memref<32000000xf32, #tpu.memory_space<hbm>> -> memref<128xf32, #tpu.memory_space<hbm>>
    %dma_wait3A_221 = arith.constant 0 : i32
    %dma_wait3A_222 = tpu.memref_slice %arg12[%dma_wait3A_215, %dma_wait3A_221] : memref<128x128xf32, #tpu.memory_space<vmem>> -> memref<1x128xf32, #tpu.memory_space<vmem>>
    %dma_wait3A_223 = tpu.memref_squeeze %dma_wait3A_222 : memref<1x128xf32, #tpu.memory_space<vmem>> -> memref<128xf32, #tpu.memory_space<vmem>>
    %dma_wait3A_224 = arith.constant 0 : i32
    %dma_wait3A_225 = tpu.memref_slice %arg5[%dma_wait3A_224] : memref<32000000xf32, #tpu.memory_space<hbm>> -> memref<128xf32, #tpu.memory_space<hbm>>
    tpu.wait_dma2 semaphore(%arg16 : memref<!tpu.dma_semaphore, #tpu.memory_space<semaphore_mem>>) src(%dma_wait3A_225 : memref<128xf32, #tpu.memory_space<hbm>>) dst(%dma_wait3A_223 : memref<128xf32, #tpu.memory_space<vmem>>)
    %dma_wait3A_226 = arith.constant 0 : i32
    %dma_wait3A_227 = arith.constant 0 : i32
    %dma_wait3A_228 = tpu.memref_slice %arg11[%dma_wait3A_226, %dma_wait3A_227] : memref<128x128xf32, #tpu.memory_space<vmem>> -> memref<1x128xf32, #tpu.memory_space<vmem>>
    %dma_wait3A_229 = tpu.memref_squeeze %dma_wait3A_228 : memref<1x128xf32, #tpu.memory_space<vmem>> -> memref<128xf32, #tpu.memory_space<vmem>>
    %dma_wait3A_230 = arith.constant 0 : i32
    %dma_wait3A_231 = tpu.memref_slice %arg4[%dma_wait3A_230] : memref<32000000xf32, #tpu.memory_space<hbm>> -> memref<128xf32, #tpu.memory_space<hbm>>
    %dma_wait3A_232 = arith.constant 0 : i32
    %dma_wait3A_233 = tpu.memref_slice %arg11[%dma_wait3A_226, %dma_wait3A_232] : memref<128x128xf32, #tpu.memory_space<vmem>> -> memref<1x128xf32, #tpu.memory_space<vmem>>
    %dma_wait3A_234 = tpu.memref_squeeze %dma_wait3A_233 : memref<1x128xf32, #tpu.memory_space<vmem>> -> memref<128xf32, #tpu.memory_space<vmem>>
    %dma_wait3A_235 = arith.constant 0 : i32
    %dma_wait3A_236 = tpu.memref_slice %arg4[%dma_wait3A_235] : memref<32000000xf32, #tpu.memory_space<hbm>> -> memref<128xf32, #tpu.memory_space<hbm>>
    tpu.wait_dma2 semaphore(%arg15 : memref<!tpu.dma_semaphore, #tpu.memory_space<semaphore_mem>>) src(%dma_wait3A_236 : memref<128xf32, #tpu.memory_space<hbm>>) dst(%dma_wait3A_234 : memref<128xf32, #tpu.memory_space<vmem>>)
    %dma_wait3A_237 = arith.constant 0 : i32
    %dma_wait3A_238 = arith.constant 0 : i32
    %dma_wait3A_239 = tpu.memref_slice %arg12[%dma_wait3A_237, %dma_wait3A_238] : memref<128x128xf32, #tpu.memory_space<vmem>> -> memref<1x128xf32, #tpu.memory_space<vmem>>
    %dma_wait3A_240 = tpu.memref_squeeze %dma_wait3A_239 : memref<1x128xf32, #tpu.memory_space<vmem>> -> memref<128xf32, #tpu.memory_space<vmem>>
    %dma_wait3A_241 = arith.constant 0 : i32
    %dma_wait3A_242 = tpu.memref_slice %arg5[%dma_wait3A_241] : memref<32000000xf32, #tpu.memory_space<hbm>> -> memref<128xf32, #tpu.memory_space<hbm>>
    %dma_wait3A_243 = arith.constant 0 : i32
    %dma_wait3A_244 = tpu.memref_slice %arg12[%dma_wait3A_237, %dma_wait3A_243] : memref<128x128xf32, #tpu.memory_space<vmem>> -> memref<1x128xf32, #tpu.memory_space<vmem>>
    %dma_wait3A_245 = tpu.memref_squeeze %dma_wait3A_244 : memref<1x128xf32, #tpu.memory_space<vmem>> -> memref<128xf32, #tpu.memory_space<vmem>>
    %dma_wait3A_246 = arith.constant 0 : i32
    %dma_wait3A_247 = tpu.memref_slice %arg5[%dma_wait3A_246] : memref<32000000xf32, #tpu.memory_space<hbm>> -> memref<128xf32, #tpu.memory_space<hbm>>
    tpu.wait_dma2 semaphore(%arg16 : memref<!tpu.dma_semaphore, #tpu.memory_space<semaphore_mem>>) src(%dma_wait3A_247 : memref<128xf32, #tpu.memory_space<hbm>>) dst(%dma_wait3A_245 : memref<128xf32, #tpu.memory_space<vmem>>)
    %dma_wait3A_248 = arith.constant 0 : i32
    %dma_wait3A_249 = arith.constant 0 : i32
    %dma_wait3A_250 = tpu.memref_slice %arg11[%dma_wait3A_248, %dma_wait3A_249] : memref<128x128xf32, #tpu.memory_space<vmem>> -> memref<1x128xf32, #tpu.memory_space<vmem>>
    %dma_wait3A_251 = tpu.memref_squeeze %dma_wait3A_250 : memref<1x128xf32, #tpu.memory_space<vmem>> -> memref<128xf32, #tpu.memory_space<vmem>>
    %dma_wait3A_252 = arith.constant 0 : i32
    %dma_wait3A_253 = tpu.memref_slice %arg4[%dma_wait3A_252] : memref<32000000xf32, #tpu.memory_space<hbm>> -> memref<128xf32, #tpu.memory_space<hbm>>
    %dma_wait3A_254 = arith.constant 0 : i32
    %dma_wait3A_255 = tpu.memref_slice %arg11[%dma_wait3A_248, %dma_wait3A_254] : memref<128x128xf32, #tpu.memory_space<vmem>> -> memref<1x128xf32, #tpu.memory_space<vmem>>
    %dma_wait3A_256 = tpu.memref_squeeze %dma_wait3A_255 : memref<1x128xf32, #tpu.memory_space<vmem>> -> memref<128xf32, #tpu.memory_space<vmem>>
    %dma_wait3A_257 = arith.constant 0 : i32
    %dma_wait3A_258 = tpu.memref_slice %arg4[%dma_wait3A_257] : memref<32000000xf32, #tpu.memory_space<hbm>> -> memref<128xf32, #tpu.memory_space<hbm>>
    tpu.wait_dma2 semaphore(%arg15 : memref<!tpu.dma_semaphore, #tpu.memory_space<semaphore_mem>>) src(%dma_wait3A_258 : memref<128xf32, #tpu.memory_space<hbm>>) dst(%dma_wait3A_256 : memref<128xf32, #tpu.memory_space<vmem>>)
    %dma_wait3A_259 = arith.constant 0 : i32
    %dma_wait3A_260 = arith.constant 0 : i32
    %dma_wait3A_261 = tpu.memref_slice %arg12[%dma_wait3A_259, %dma_wait3A_260] : memref<128x128xf32, #tpu.memory_space<vmem>> -> memref<1x128xf32, #tpu.memory_space<vmem>>
    %dma_wait3A_262 = tpu.memref_squeeze %dma_wait3A_261 : memref<1x128xf32, #tpu.memory_space<vmem>> -> memref<128xf32, #tpu.memory_space<vmem>>
    %dma_wait3A_263 = arith.constant 0 : i32
    %dma_wait3A_264 = tpu.memref_slice %arg5[%dma_wait3A_263] : memref<32000000xf32, #tpu.memory_space<hbm>> -> memref<128xf32, #tpu.memory_space<hbm>>
    %dma_wait3A_265 = arith.constant 0 : i32
    %dma_wait3A_266 = tpu.memref_slice %arg12[%dma_wait3A_259, %dma_wait3A_265] : memref<128x128xf32, #tpu.memory_space<vmem>> -> memref<1x128xf32, #tpu.memory_space<vmem>>
    %dma_wait3A_267 = tpu.memref_squeeze %dma_wait3A_266 : memref<1x128xf32, #tpu.memory_space<vmem>> -> memref<128xf32, #tpu.memory_space<vmem>>
    %dma_wait3A_268 = arith.constant 0 : i32
    %dma_wait3A_269 = tpu.memref_slice %arg5[%dma_wait3A_268] : memref<32000000xf32, #tpu.memory_space<hbm>> -> memref<128xf32, #tpu.memory_space<hbm>>
    tpu.wait_dma2 semaphore(%arg16 : memref<!tpu.dma_semaphore, #tpu.memory_space<semaphore_mem>>) src(%dma_wait3A_269 : memref<128xf32, #tpu.memory_space<hbm>>) dst(%dma_wait3A_267 : memref<128xf32, #tpu.memory_space<vmem>>)
    %dma_wait3A_270 = arith.constant 0 : i32
    %dma_wait3A_271 = arith.constant 0 : i32
    %dma_wait3A_272 = tpu.memref_slice %arg11[%dma_wait3A_270, %dma_wait3A_271] : memref<128x128xf32, #tpu.memory_space<vmem>> -> memref<1x128xf32, #tpu.memory_space<vmem>>
    %dma_wait3A_273 = tpu.memref_squeeze %dma_wait3A_272 : memref<1x128xf32, #tpu.memory_space<vmem>> -> memref<128xf32, #tpu.memory_space<vmem>>
    %dma_wait3A_274 = arith.constant 0 : i32
    %dma_wait3A_275 = tpu.memref_slice %arg4[%dma_wait3A_274] : memref<32000000xf32, #tpu.memory_space<hbm>> -> memref<128xf32, #tpu.memory_space<hbm>>
    %dma_wait3A_276 = arith.constant 0 : i32
    %dma_wait3A_277 = tpu.memref_slice %arg11[%dma_wait3A_270, %dma_wait3A_276] : memref<128x128xf32, #tpu.memory_space<vmem>> -> memref<1x128xf32, #tpu.memory_space<vmem>>
    %dma_wait3A_278 = tpu.memref_squeeze %dma_wait3A_277 : memref<1x128xf32, #tpu.memory_space<vmem>> -> memref<128xf32, #tpu.memory_space<vmem>>
    %dma_wait3A_279 = arith.constant 0 : i32
    %dma_wait3A_280 = tpu.memref_slice %arg4[%dma_wait3A_279] : memref<32000000xf32, #tpu.memory_space<hbm>> -> memref<128xf32, #tpu.memory_space<hbm>>
    tpu.wait_dma2 semaphore(%arg15 : memref<!tpu.dma_semaphore, #tpu.memory_space<semaphore_mem>>) src(%dma_wait3A_280 : memref<128xf32, #tpu.memory_space<hbm>>) dst(%dma_wait3A_278 : memref<128xf32, #tpu.memory_space<vmem>>)
    %dma_wait3A_281 = arith.constant 0 : i32
    %dma_wait3A_282 = arith.constant 0 : i32
    %dma_wait3A_283 = tpu.memref_slice %arg12[%dma_wait3A_281, %dma_wait3A_282] : memref<128x128xf32, #tpu.memory_space<vmem>> -> memref<1x128xf32, #tpu.memory_space<vmem>>
    %dma_wait3A_284 = tpu.memref_squeeze %dma_wait3A_283 : memref<1x128xf32, #tpu.memory_space<vmem>> -> memref<128xf32, #tpu.memory_space<vmem>>
    %dma_wait3A_285 = arith.constant 0 : i32
    %dma_wait3A_286 = tpu.memref_slice %arg5[%dma_wait3A_285] : memref<32000000xf32, #tpu.memory_space<hbm>> -> memref<128xf32, #tpu.memory_space<hbm>>
    %dma_wait3A_287 = arith.constant 0 : i32
    %dma_wait3A_288 = tpu.memref_slice %arg12[%dma_wait3A_281, %dma_wait3A_287] : memref<128x128xf32, #tpu.memory_space<vmem>> -> memref<1x128xf32, #tpu.memory_space<vmem>>
    %dma_wait3A_289 = tpu.memref_squeeze %dma_wait3A_288 : memref<1x128xf32, #tpu.memory_space<vmem>> -> memref<128xf32, #tpu.memory_space<vmem>>
    %dma_wait3A_290 = arith.constant 0 : i32
    %dma_wait3A_291 = tpu.memref_slice %arg5[%dma_wait3A_290] : memref<32000000xf32, #tpu.memory_space<hbm>> -> memref<128xf32, #tpu.memory_space<hbm>>
    tpu.wait_dma2 semaphore(%arg16 : memref<!tpu.dma_semaphore, #tpu.memory_space<semaphore_mem>>) src(%dma_wait3A_291 : memref<128xf32, #tpu.memory_space<hbm>>) dst(%dma_wait3A_289 : memref<128xf32, #tpu.memory_space<vmem>>)
    %dma_wait3A_292 = arith.constant 0 : i32
    %dma_wait3A_293 = arith.constant 0 : i32
    %dma_wait3A_294 = tpu.memref_slice %arg11[%dma_wait3A_292, %dma_wait3A_293] : memref<128x128xf32, #tpu.memory_space<vmem>> -> memref<1x128xf32, #tpu.memory_space<vmem>>
    %dma_wait3A_295 = tpu.memref_squeeze %dma_wait3A_294 : memref<1x128xf32, #tpu.memory_space<vmem>> -> memref<128xf32, #tpu.memory_space<vmem>>
    %dma_wait3A_296 = arith.constant 0 : i32
    %dma_wait3A_297 = tpu.memref_slice %arg4[%dma_wait3A_296] : memref<32000000xf32, #tpu.memory_space<hbm>> -> memref<128xf32, #tpu.memory_space<hbm>>
    %dma_wait3A_298 = arith.constant 0 : i32
    %dma_wait3A_299 = tpu.memref_slice %arg11[%dma_wait3A_292, %dma_wait3A_298] : memref<128x128xf32, #tpu.memory_space<vmem>> -> memref<1x128xf32, #tpu.memory_space<vmem>>
    %dma_wait3A_300 = tpu.memref_squeeze %dma_wait3A_299 : memref<1x128xf32, #tpu.memory_space<vmem>> -> memref<128xf32, #tpu.memory_space<vmem>>
    %dma_wait3A_301 = arith.constant 0 : i32
    %dma_wait3A_302 = tpu.memref_slice %arg4[%dma_wait3A_301] : memref<32000000xf32, #tpu.memory_space<hbm>> -> memref<128xf32, #tpu.memory_space<hbm>>
    tpu.wait_dma2 semaphore(%arg15 : memref<!tpu.dma_semaphore, #tpu.memory_space<semaphore_mem>>) src(%dma_wait3A_302 : memref<128xf32, #tpu.memory_space<hbm>>) dst(%dma_wait3A_300 : memref<128xf32, #tpu.memory_space<vmem>>)
    %dma_wait3A_303 = arith.constant 0 : i32
    %dma_wait3A_304 = arith.constant 0 : i32
    %dma_wait3A_305 = tpu.memref_slice %arg12[%dma_wait3A_303, %dma_wait3A_304] : memref<128x128xf32, #tpu.memory_space<vmem>> -> memref<1x128xf32, #tpu.memory_space<vmem>>
    %dma_wait3A_306 = tpu.memref_squeeze %dma_wait3A_305 : memref<1x128xf32, #tpu.memory_space<vmem>> -> memref<128xf32, #tpu.memory_space<vmem>>
    %dma_wait3A_307 = arith.constant 0 : i32
    %dma_wait3A_308 = tpu.memref_slice %arg5[%dma_wait3A_307] : memref<32000000xf32, #tpu.memory_space<hbm>> -> memref<128xf32, #tpu.memory_space<hbm>>
    %dma_wait3A_309 = arith.constant 0 : i32
    %dma_wait3A_310 = tpu.memref_slice %arg12[%dma_wait3A_303, %dma_wait3A_309] : memref<128x128xf32, #tpu.memory_space<vmem>> -> memref<1x128xf32, #tpu.memory_space<vmem>>
    %dma_wait3A_311 = tpu.memref_squeeze %dma_wait3A_310 : memref<1x128xf32, #tpu.memory_space<vmem>> -> memref<128xf32, #tpu.memory_space<vmem>>
    %dma_wait3A_312 = arith.constant 0 : i32
    %dma_wait3A_313 = tpu.memref_slice %arg5[%dma_wait3A_312] : memref<32000000xf32, #tpu.memory_space<hbm>> -> memref<128xf32, #tpu.memory_space<hbm>>
    tpu.wait_dma2 semaphore(%arg16 : memref<!tpu.dma_semaphore, #tpu.memory_space<semaphore_mem>>) src(%dma_wait3A_313 : memref<128xf32, #tpu.memory_space<hbm>>) dst(%dma_wait3A_311 : memref<128xf32, #tpu.memory_space<vmem>>)
    %dma_wait3A_314 = arith.constant 0 : i32
    %dma_wait3A_315 = arith.constant 0 : i32
    %dma_wait3A_316 = tpu.memref_slice %arg11[%dma_wait3A_314, %dma_wait3A_315] : memref<128x128xf32, #tpu.memory_space<vmem>> -> memref<1x128xf32, #tpu.memory_space<vmem>>
    %dma_wait3A_317 = tpu.memref_squeeze %dma_wait3A_316 : memref<1x128xf32, #tpu.memory_space<vmem>> -> memref<128xf32, #tpu.memory_space<vmem>>
    %dma_wait3A_318 = arith.constant 0 : i32
    %dma_wait3A_319 = tpu.memref_slice %arg4[%dma_wait3A_318] : memref<32000000xf32, #tpu.memory_space<hbm>> -> memref<128xf32, #tpu.memory_space<hbm>>
    %dma_wait3A_320 = arith.constant 0 : i32
    %dma_wait3A_321 = tpu.memref_slice %arg11[%dma_wait3A_314, %dma_wait3A_320] : memref<128x128xf32, #tpu.memory_space<vmem>> -> memref<1x128xf32, #tpu.memory_space<vmem>>
    %dma_wait3A_322 = tpu.memref_squeeze %dma_wait3A_321 : memref<1x128xf32, #tpu.memory_space<vmem>> -> memref<128xf32, #tpu.memory_space<vmem>>
    %dma_wait3A_323 = arith.constant 0 : i32
    %dma_wait3A_324 = tpu.memref_slice %arg4[%dma_wait3A_323] : memref<32000000xf32, #tpu.memory_space<hbm>> -> memref<128xf32, #tpu.memory_space<hbm>>
    tpu.wait_dma2 semaphore(%arg15 : memref<!tpu.dma_semaphore, #tpu.memory_space<semaphore_mem>>) src(%dma_wait3A_324 : memref<128xf32, #tpu.memory_space<hbm>>) dst(%dma_wait3A_322 : memref<128xf32, #tpu.memory_space<vmem>>)
    %dma_wait3A_325 = arith.constant 0 : i32
    %dma_wait3A_326 = arith.constant 0 : i32
    %dma_wait3A_327 = tpu.memref_slice %arg12[%dma_wait3A_325, %dma_wait3A_326] : memref<128x128xf32, #tpu.memory_space<vmem>> -> memref<1x128xf32, #tpu.memory_space<vmem>>
    %dma_wait3A_328 = tpu.memref_squeeze %dma_wait3A_327 : memref<1x128xf32, #tpu.memory_space<vmem>> -> memref<128xf32, #tpu.memory_space<vmem>>
    %dma_wait3A_329 = arith.constant 0 : i32
    %dma_wait3A_330 = tpu.memref_slice %arg5[%dma_wait3A_329] : memref<32000000xf32, #tpu.memory_space<hbm>> -> memref<128xf32, #tpu.memory_space<hbm>>
    %dma_wait3A_331 = arith.constant 0 : i32
    %dma_wait3A_332 = tpu.memref_slice %arg12[%dma_wait3A_325, %dma_wait3A_331] : memref<128x128xf32, #tpu.memory_space<vmem>> -> memref<1x128xf32, #tpu.memory_space<vmem>>
    %dma_wait3A_333 = tpu.memref_squeeze %dma_wait3A_332 : memref<1x128xf32, #tpu.memory_space<vmem>> -> memref<128xf32, #tpu.memory_space<vmem>>
    %dma_wait3A_334 = arith.constant 0 : i32
    %dma_wait3A_335 = tpu.memref_slice %arg5[%dma_wait3A_334] : memref<32000000xf32, #tpu.memory_space<hbm>> -> memref<128xf32, #tpu.memory_space<hbm>>
    tpu.wait_dma2 semaphore(%arg16 : memref<!tpu.dma_semaphore, #tpu.memory_space<semaphore_mem>>) src(%dma_wait3A_335 : memref<128xf32, #tpu.memory_space<hbm>>) dst(%dma_wait3A_333 : memref<128xf32, #tpu.memory_space<vmem>>)
    %dma_wait3A_336 = arith.constant 0 : i32
    %dma_wait3A_337 = arith.constant 0 : i32
    %dma_wait3A_338 = tpu.memref_slice %arg11[%dma_wait3A_336, %dma_wait3A_337] : memref<128x128xf32, #tpu.memory_space<vmem>> -> memref<1x128xf32, #tpu.memory_space<vmem>>
    %dma_wait3A_339 = tpu.memref_squeeze %dma_wait3A_338 : memref<1x128xf32, #tpu.memory_space<vmem>> -> memref<128xf32, #tpu.memory_space<vmem>>
    %dma_wait3A_340 = arith.constant 0 : i32
    %dma_wait3A_341 = tpu.memref_slice %arg4[%dma_wait3A_340] : memref<32000000xf32, #tpu.memory_space<hbm>> -> memref<128xf32, #tpu.memory_space<hbm>>
    %dma_wait3A_342 = arith.constant 0 : i32
    %dma_wait3A_343 = tpu.memref_slice %arg11[%dma_wait3A_336, %dma_wait3A_342] : memref<128x128xf32, #tpu.memory_space<vmem>> -> memref<1x128xf32, #tpu.memory_space<vmem>>
    %dma_wait3A_344 = tpu.memref_squeeze %dma_wait3A_343 : memref<1x128xf32, #tpu.memory_space<vmem>> -> memref<128xf32, #tpu.memory_space<vmem>>
    %dma_wait3A_345 = arith.constant 0 : i32
    %dma_wait3A_346 = tpu.memref_slice %arg4[%dma_wait3A_345] : memref<32000000xf32, #tpu.memory_space<hbm>> -> memref<128xf32, #tpu.memory_space<hbm>>
    tpu.wait_dma2 semaphore(%arg15 : memref<!tpu.dma_semaphore, #tpu.memory_space<semaphore_mem>>) src(%dma_wait3A_346 : memref<128xf32, #tpu.memory_space<hbm>>) dst(%dma_wait3A_344 : memref<128xf32, #tpu.memory_space<vmem>>)
    %dma_wait3A_347 = arith.constant 0 : i32
    %dma_wait3A_348 = arith.constant 0 : i32
    %dma_wait3A_349 = tpu.memref_slice %arg12[%dma_wait3A_347, %dma_wait3A_348] : memref<128x128xf32, #tpu.memory_space<vmem>> -> memref<1x128xf32, #tpu.memory_space<vmem>>
    %dma_wait3A_350 = tpu.memref_squeeze %dma_wait3A_349 : memref<1x128xf32, #tpu.memory_space<vmem>> -> memref<128xf32, #tpu.memory_space<vmem>>
    %dma_wait3A_351 = arith.constant 0 : i32
    %dma_wait3A_352 = tpu.memref_slice %arg5[%dma_wait3A_351] : memref<32000000xf32, #tpu.memory_space<hbm>> -> memref<128xf32, #tpu.memory_space<hbm>>
    %dma_wait3A_353 = arith.constant 0 : i32
    %dma_wait3A_354 = tpu.memref_slice %arg12[%dma_wait3A_347, %dma_wait3A_353] : memref<128x128xf32, #tpu.memory_space<vmem>> -> memref<1x128xf32, #tpu.memory_space<vmem>>
    %dma_wait3A_355 = tpu.memref_squeeze %dma_wait3A_354 : memref<1x128xf32, #tpu.memory_space<vmem>> -> memref<128xf32, #tpu.memory_space<vmem>>
    %dma_wait3A_356 = arith.constant 0 : i32
    %dma_wait3A_357 = tpu.memref_slice %arg5[%dma_wait3A_356] : memref<32000000xf32, #tpu.memory_space<hbm>> -> memref<128xf32, #tpu.memory_space<hbm>>
    tpu.wait_dma2 semaphore(%arg16 : memref<!tpu.dma_semaphore, #tpu.memory_space<semaphore_mem>>) src(%dma_wait3A_357 : memref<128xf32, #tpu.memory_space<hbm>>) dst(%dma_wait3A_355 : memref<128xf32, #tpu.memory_space<vmem>>)
    %scan3A_358 = arith.constant 0 : i32
    %scan3A_359 = arith.constant 0 : i32
    %scan3A_360 = arith.constant 32 : i32
    %scan3A_361 = arith.addi %scan3A_359, %scan3A_360 : i32
    %scan3A_362 = arith.constant 1 : i32
    %scan3A_363 = scf.for %scan3A_365 = %scan3A_359 to %scan3A_361 step %scan3A_362 iter_args(%scan3A_366 = %scan3A_358) -> (i32)  : i32 {
      %jit3A = arith.constant 8 : i32
      %div3A = arith.divsi %scan3A_365, %jit3A : i32
      %sign3A = arith.constant 0 : i32
      %sign3A_367 = arith.cmpi sgt, %scan3A_365, %sign3A : i32
      %sign3A_368 = arith.extui %sign3A_367 : i1 to i32
      %sign3A_369 = arith.constant 0 : i32
      %sign3A_370 = arith.cmpi slt, %scan3A_365, %sign3A_369 : i32
      %sign3A_371 = arith.extui %sign3A_370 : i1 to i32
      %sign3A_372 = arith.subi %sign3A_368, %sign3A_371 : i32
      %sign3A_373 = arith.constant 0 : i32
      %sign3A_374 = arith.cmpi sgt, %jit3A, %sign3A_373 : i32
      %sign3A_375 = arith.extui %sign3A_374 : i1 to i32
      %sign3A_376 = arith.constant 0 : i32
      %sign3A_377 = arith.cmpi slt, %jit3A, %sign3A_376 : i32
      %sign3A_378 = arith.extui %sign3A_377 : i1 to i32
      %sign3A_379 = arith.subi %sign3A_375, %sign3A_378 : i32
      %ne3A = arith.cmpi ne, %sign3A_372, %sign3A_379 : i32
      %rem3A = arith.remsi %scan3A_365, %jit3A : i32
      %ne3A_380 = arith.constant 0 : i32
      %ne3A_381 = arith.cmpi ne, %rem3A, %ne3A_380 : i32
      %and3A = arith.andi %ne3A, %ne3A_381 : i1
      %sub3A = arith.constant 1 : i32
      %sub3A_382 = arith.subi %div3A, %sub3A : i32
      %select_n3A = arith.select %and3A, %sub3A_382, %div3A : i32
      %jit3A_383 = arith.constant 8 : i32
      %eq3A = arith.constant 0 : i32
      %eq3A_384 = arith.cmpi eq, %jit3A_383, %eq3A : i32
      %jit3A_385 = arith.constant 1 : i32
      %select_n3A_386 = arith.select %eq3A_384, %jit3A_385, %jit3A_383 : i32
      %rem3A_387 = arith.remsi %scan3A_365, %select_n3A_386 : i32
      %ne3A_388 = arith.constant 0 : i32
      %ne3A_389 = arith.cmpi ne, %rem3A_387, %ne3A_388 : i32
      %lt3A = arith.constant 0 : i32
      %lt3A_390 = arith.cmpi slt, %rem3A_387, %lt3A : i32
      %lt3A_391 = arith.constant 0 : i32
      %lt3A_392 = arith.cmpi slt, %select_n3A_386, %lt3A_391 : i32
      %ne3A_393 = arith.xori %lt3A_390, %lt3A_392 : i1
      %and3A_394 = arith.andi %ne3A_393, %ne3A_389 : i1
      %add3A_395 = arith.addi %rem3A_387, %select_n3A_386 : i32
      %select_n3A_396 = arith.select %and3A_394, %add3A_395, %rem3A_387 : i32
      %mul3A_397 = arith.constant 16 : i32
      %mul3A_398 = arith.muli %select_n3A_396, %mul3A_397 : i32
      %get3A = arith.index_cast %select_n3A : i32 to index
      %get3A_399 = arith.index_cast %mul3A_398 : i32 to index
      %get3A_400 = tpu.vector_load %arg11[%get3A, %get3A_399] {strides = array<i32>} : memref<128x128xf32, #tpu.memory_space<vmem>>, vector<16xf32>,
      %get3A_401 = arith.index_cast %select_n3A : i32 to index
      %get3A_402 = arith.index_cast %mul3A_398 : i32 to index
      %get3A_403 = tpu.vector_load %arg12[%get3A_401, %get3A_402] {strides = array<i32>} : memref<128x128xf32, #tpu.memory_space<vmem>>, vector<16xf32>,
      %mul3A_404 = arith.mulf %get3A_400, %get3A_403 : vector<16xf32>
      %add3A_405 = arith.constant 4 : i32
      %add3A_406 = arith.addi %add3A_405, %select_n3A : i32
      %get3A_407 = arith.index_cast %add3A_406 : i32 to index
      %get3A_408 = arith.index_cast %mul3A_398 : i32 to index
      %get3A_409 = tpu.vector_load %arg11[%get3A_407, %get3A_408] {strides = array<i32>} : memref<128x128xf32, #tpu.memory_space<vmem>>, vector<16xf32>,
      %add3A_410 = arith.constant 4 : i32
      %add3A_411 = arith.addi %add3A_410, %select_n3A : i32
      %get3A_412 = arith.index_cast %add3A_411 : i32 to index
      %get3A_413 = arith.index_cast %mul3A_398 : i32 to index
      %get3A_414 = tpu.vector_load %arg12[%get3A_412, %get3A_413] {strides = array<i32>} : memref<128x128xf32, #tpu.memory_space<vmem>>, vector<16xf32>,
      %mul3A_415 = arith.mulf %get3A_409, %get3A_414 : vector<16xf32>
      %add3A_416 = arith.addf %mul3A_404, %mul3A_415 : vector<16xf32>
      %add3A_417 = arith.constant 8 : i32
      %add3A_418 = arith.addi %add3A_417, %select_n3A : i32
      %get3A_419 = arith.index_cast %add3A_418 : i32 to index
      %get3A_420 = arith.index_cast %mul3A_398 : i32 to index
      %get3A_421 = tpu.vector_load %arg11[%get3A_419, %get3A_420] {strides = array<i32>} : memref<128x128xf32, #tpu.memory_space<vmem>>, vector<16xf32>,
      %add3A_422 = arith.constant 8 : i32
      %add3A_423 = arith.addi %add3A_422, %select_n3A : i32
      %get3A_424 = arith.index_cast %add3A_423 : i32 to index
      %get3A_425 = arith.index_cast %mul3A_398 : i32 to index
      %get3A_426 = tpu.vector_load %arg12[%get3A_424, %get3A_425] {strides = array<i32>} : memref<128x128xf32, #tpu.memory_space<vmem>>, vector<16xf32>,
      %mul3A_427 = arith.mulf %get3A_421, %get3A_426 : vector<16xf32>
      %add3A_428 = arith.addf %add3A_416, %mul3A_427 : vector<16xf32>
      %add3A_429 = arith.constant 12 : i32
      %add3A_430 = arith.addi %add3A_429, %select_n3A : i32
      %get3A_431 = arith.index_cast %add3A_430 : i32 to index
      %get3A_432 = arith.index_cast %mul3A_398 : i32 to index
      %get3A_433 = tpu.vector_load %arg11[%get3A_431, %get3A_432] {strides = array<i32>} : memref<128x128xf32, #tpu.memory_space<vmem>>, vector<16xf32>,
      %add3A_434 = arith.constant 12 : i32
      %add3A_435 = arith.addi %add3A_434, %select_n3A : i32
      %get3A_436 = arith.index_cast %add3A_435 : i32 to index
      %get3A_437 = arith.index_cast %mul3A_398 : i32 to index
      %get3A_438 = tpu.vector_load %arg12[%get3A_436, %get3A_437] {strides = array<i32>} : memref<128x128xf32, #tpu.memory_space<vmem>>, vector<16xf32>,
      %mul3A_439 = arith.mulf %get3A_433, %get3A_438 : vector<16xf32>
      %add3A_440 = arith.addf %add3A_428, %mul3A_439 : vector<16xf32>
      %add3A_441 = arith.constant 16 : i32
      %add3A_442 = arith.addi %add3A_441, %select_n3A : i32
      %get3A_443 = arith.index_cast %add3A_442 : i32 to index
      %get3A_444 = arith.index_cast %mul3A_398 : i32 to index
      %get3A_445 = tpu.vector_load %arg11[%get3A_443, %get3A_444] {strides = array<i32>} : memref<128x128xf32, #tpu.memory_space<vmem>>, vector<16xf32>,
      %add3A_446 = arith.constant 16 : i32
      %add3A_447 = arith.addi %add3A_446, %select_n3A : i32
      %get3A_448 = arith.index_cast %add3A_447 : i32 to index
      %get3A_449 = arith.index_cast %mul3A_398 : i32 to index
      %get3A_450 = tpu.vector_load %arg12[%get3A_448, %get3A_449] {strides = array<i32>} : memref<128x128xf32, #tpu.memory_space<vmem>>, vector<16xf32>,
      %mul3A_451 = arith.mulf %get3A_445, %get3A_450 : vector<16xf32>
      %add3A_452 = arith.addf %add3A_440, %mul3A_451 : vector<16xf32>
      %add3A_453 = arith.constant 20 : i32
      %add3A_454 = arith.addi %add3A_453, %select_n3A : i32
      %get3A_455 = arith.index_cast %add3A_454 : i32 to index
      %get3A_456 = arith.index_cast %mul3A_398 : i32 to index
      %get3A_457 = tpu.vector_load %arg11[%get3A_455, %get3A_456] {strides = array<i32>} : memref<128x128xf32, #tpu.memory_space<vmem>>, vector<16xf32>,
      %add3A_458 = arith.constant 20 : i32
      %add3A_459 = arith.addi %add3A_458, %select_n3A : i32
      %get3A_460 = arith.index_cast %add3A_459 : i32 to index
      %get3A_461 = arith.index_cast %mul3A_398 : i32 to index
      %get3A_462 = tpu.vector_load %arg12[%get3A_460, %get3A_461] {strides = array<i32>} : memref<128x128xf32, #tpu.memory_space<vmem>>, vector<16xf32>,
      %mul3A_463 = arith.mulf %get3A_457, %get3A_462 : vector<16xf32>
      %add3A_464 = arith.addf %add3A_452, %mul3A_463 : vector<16xf32>
      %add3A_465 = arith.constant 24 : i32
      %add3A_466 = arith.addi %add3A_465, %select_n3A : i32
      %get3A_467 = arith.index_cast %add3A_466 : i32 to index
      %get3A_468 = arith.index_cast %mul3A_398 : i32 to index
      %get3A_469 = tpu.vector_load %arg11[%get3A_467, %get3A_468] {strides = array<i32>} : memref<128x128xf32, #tpu.memory_space<vmem>>, vector<16xf32>,
      %add3A_470 = arith.constant 24 : i32
      %add3A_471 = arith.addi %add3A_470, %select_n3A : i32
      %get3A_472 = arith.index_cast %add3A_471 : i32 to index
      %get3A_473 = arith.index_cast %mul3A_398 : i32 to index
      %get3A_474 = tpu.vector_load %arg12[%get3A_472, %get3A_473] {strides = array<i32>} : memref<128x128xf32, #tpu.memory_space<vmem>>, vector<16xf32>,
      %mul3A_475 = arith.mulf %get3A_469, %get3A_474 : vector<16xf32>
      %add3A_476 = arith.addf %add3A_464, %mul3A_475 : vector<16xf32>
      %add3A_477 = arith.constant 28 : i32
      %add3A_478 = arith.addi %add3A_477, %select_n3A : i32
      %get3A_479 = arith.index_cast %add3A_478 : i32 to index
      %get3A_480 = arith.index_cast %mul3A_398 : i32 to index
      %get3A_481 = tpu.vector_load %arg11[%get3A_479, %get3A_480] {strides = array<i32>} : memref<128x128xf32, #tpu.memory_space<vmem>>, vector<16xf32>,
      %add3A_482 = arith.constant 28 : i32
      %add3A_483 = arith.addi %add3A_482, %select_n3A : i32
      %get3A_484 = arith.index_cast %add3A_483 : i32 to index
      %get3A_485 = arith.index_cast %mul3A_398 : i32 to index
      %get3A_486 = tpu.vector_load %arg12[%get3A_484, %get3A_485] {strides = array<i32>} : memref<128x128xf32, #tpu.memory_space<vmem>>, vector<16xf32>,
      %mul3A_487 = arith.mulf %get3A_481, %get3A_486 : vector<16xf32>
      %add3A_488 = arith.addf %add3A_476, %mul3A_487 : vector<16xf32>
      %add3A_489 = arith.constant 32 : i32
      %add3A_490 = arith.addi %add3A_489, %select_n3A : i32
      %get3A_491 = arith.index_cast %add3A_490 : i32 to index
      %get3A_492 = arith.index_cast %mul3A_398 : i32 to index
      %get3A_493 = tpu.vector_load %arg11[%get3A_491, %get3A_492] {strides = array<i32>} : memref<128x128xf32, #tpu.memory_space<vmem>>, vector<16xf32>,
      %add3A_494 = arith.constant 32 : i32
      %add3A_495 = arith.addi %add3A_494, %select_n3A : i32
      %get3A_496 = arith.index_cast %add3A_495 : i32 to index
      %get3A_497 = arith.index_cast %mul3A_398 : i32 to index
      %get3A_498 = tpu.vector_load %arg12[%get3A_496, %get3A_497] {strides = array<i32>} : memref<128x128xf32, #tpu.memory_space<vmem>>, vector<16xf32>,
      %mul3A_499 = arith.mulf %get3A_493, %get3A_498 : vector<16xf32>
      %add3A_500 = arith.addf %add3A_488, %mul3A_499 : vector<16xf32>
      %add3A_501 = arith.constant 36 : i32
      %add3A_502 = arith.addi %add3A_501, %select_n3A : i32
      %get3A_503 = arith.index_cast %add3A_502 : i32 to index
      %get3A_504 = arith.index_cast %mul3A_398 : i32 to index
      %get3A_505 = tpu.vector_load %arg11[%get3A_503, %get3A_504] {strides = array<i32>} : memref<128x128xf32, #tpu.memory_space<vmem>>, vector<16xf32>,
      %add3A_506 = arith.constant 36 : i32
      %add3A_507 = arith.addi %add3A_506, %select_n3A : i32
      %get3A_508 = arith.index_cast %add3A_507 : i32 to index
      %get3A_509 = arith.index_cast %mul3A_398 : i32 to index
      %get3A_510 = tpu.vector_load %arg12[%get3A_508, %get3A_509] {strides = array<i32>} : memref<128x128xf32, #tpu.memory_space<vmem>>, vector<16xf32>,
      %mul3A_511 = arith.mulf %get3A_505, %get3A_510 : vector<16xf32>
      %add3A_512 = arith.addf %add3A_500, %mul3A_511 : vector<16xf32>
      %add3A_513 = arith.constant 40 : i32
      %add3A_514 = arith.addi %add3A_513, %select_n3A : i32
      %get3A_515 = arith.index_cast %add3A_514 : i32 to index
      %get3A_516 = arith.index_cast %mul3A_398 : i32 to index
      %get3A_517 = tpu.vector_load %arg11[%get3A_515, %get3A_516] {strides = array<i32>} : memref<128x128xf32, #tpu.memory_space<vmem>>, vector<16xf32>,
      %add3A_518 = arith.constant 40 : i32
      %add3A_519 = arith.addi %add3A_518, %select_n3A : i32
      %get3A_520 = arith.index_cast %add3A_519 : i32 to index
      %get3A_521 = arith.index_cast %mul3A_398 : i32 to index
      %get3A_522 = tpu.vector_load %arg12[%get3A_520, %get3A_521] {strides = array<i32>} : memref<128x128xf32, #tpu.memory_space<vmem>>, vector<16xf32>,
      %mul3A_523 = arith.mulf %get3A_517, %get3A_522 : vector<16xf32>
      %add3A_524 = arith.addf %add3A_512, %mul3A_523 : vector<16xf32>
      %add3A_525 = arith.constant 44 : i32
      %add3A_526 = arith.addi %add3A_525, %select_n3A : i32
      %get3A_527 = arith.index_cast %add3A_526 : i32 to index
      %get3A_528 = arith.index_cast %mul3A_398 : i32 to index
      %get3A_529 = tpu.vector_load %arg11[%get3A_527, %get3A_528] {strides = array<i32>} : memref<128x128xf32, #tpu.memory_space<vmem>>, vector<16xf32>,
      %add3A_530 = arith.constant 44 : i32
      %add3A_531 = arith.addi %add3A_530, %select_n3A : i32
      %get3A_532 = arith.index_cast %add3A_531 : i32 to index
      %get3A_533 = arith.index_cast %mul3A_398 : i32 to index
      %get3A_534 = tpu.vector_load %arg12[%get3A_532, %get3A_533] {strides = array<i32>} : memref<128x128xf32, #tpu.memory_space<vmem>>, vector<16xf32>,
      %mul3A_535 = arith.mulf %get3A_529, %get3A_534 : vector<16xf32>
      %add3A_536 = arith.addf %add3A_524, %mul3A_535 : vector<16xf32>
      %add3A_537 = arith.constant 48 : i32
      %add3A_538 = arith.addi %add3A_537, %select_n3A : i32
      %get3A_539 = arith.index_cast %add3A_538 : i32 to index
      %get3A_540 = arith.index_cast %mul3A_398 : i32 to index
      %get3A_541 = tpu.vector_load %arg11[%get3A_539, %get3A_540] {strides = array<i32>} : memref<128x128xf32, #tpu.memory_space<vmem>>, vector<16xf32>,
      %add3A_542 = arith.constant 48 : i32
      %add3A_543 = arith.addi %add3A_542, %select_n3A : i32
      %get3A_544 = arith.index_cast %add3A_543 : i32 to index
      %get3A_545 = arith.index_cast %mul3A_398 : i32 to index
      %get3A_546 = tpu.vector_load %arg12[%get3A_544, %get3A_545] {strides = array<i32>} : memref<128x128xf32, #tpu.memory_space<vmem>>, vector<16xf32>,
      %mul3A_547 = arith.mulf %get3A_541, %get3A_546 : vector<16xf32>
      %add3A_548 = arith.addf %add3A_536, %mul3A_547 : vector<16xf32>
      %add3A_549 = arith.constant 52 : i32
      %add3A_550 = arith.addi %add3A_549, %select_n3A : i32
      %get3A_551 = arith.index_cast %add3A_550 : i32 to index
      %get3A_552 = arith.index_cast %mul3A_398 : i32 to index
      %get3A_553 = tpu.vector_load %arg11[%get3A_551, %get3A_552] {strides = array<i32>} : memref<128x128xf32, #tpu.memory_space<vmem>>, vector<16xf32>,
      %add3A_554 = arith.constant 52 : i32
      %add3A_555 = arith.addi %add3A_554, %select_n3A : i32
      %get3A_556 = arith.index_cast %add3A_555 : i32 to index
      %get3A_557 = arith.index_cast %mul3A_398 : i32 to index
      %get3A_558 = tpu.vector_load %arg12[%get3A_556, %get3A_557] {strides = array<i32>} : memref<128x128xf32, #tpu.memory_space<vmem>>, vector<16xf32>,
      %mul3A_559 = arith.mulf %get3A_553, %get3A_558 : vector<16xf32>
      %add3A_560 = arith.addf %add3A_548, %mul3A_559 : vector<16xf32>
      %add3A_561 = arith.constant 56 : i32
      %add3A_562 = arith.addi %add3A_561, %select_n3A : i32
      %get3A_563 = arith.index_cast %add3A_562 : i32 to index
      %get3A_564 = arith.index_cast %mul3A_398 : i32 to index
      %get3A_565 = tpu.vector_load %arg11[%get3A_563, %get3A_564] {strides = array<i32>} : memref<128x128xf32, #tpu.memory_space<vmem>>, vector<16xf32>,
      %add3A_566 = arith.constant 56 : i32
      %add3A_567 = arith.addi %add3A_566, %select_n3A : i32
      %get3A_568 = arith.index_cast %add3A_567 : i32 to index
      %get3A_569 = arith.index_cast %mul3A_398 : i32 to index
      %get3A_570 = tpu.vector_load %arg12[%get3A_568, %get3A_569] {strides = array<i32>} : memref<128x128xf32, #tpu.memory_space<vmem>>, vector<16xf32>,
      %mul3A_571 = arith.mulf %get3A_565, %get3A_570 : vector<16xf32>
      %add3A_572 = arith.addf %add3A_560, %mul3A_571 : vector<16xf32>
      %add3A_573 = arith.constant 60 : i32
      %add3A_574 = arith.addi %add3A_573, %select_n3A : i32
      %get3A_575 = arith.index_cast %add3A_574 : i32 to index
      %get3A_576 = arith.index_cast %mul3A_398 : i32 to index
      %get3A_577 = tpu.vector_load %arg11[%get3A_575, %get3A_576] {strides = array<i32>} : memref<128x128xf32, #tpu.memory_space<vmem>>, vector<16xf32>,
      %add3A_578 = arith.constant 60 : i32
      %add3A_579 = arith.addi %add3A_578, %select_n3A : i32
      %get3A_580 = arith.index_cast %add3A_579 : i32 to index
      %get3A_581 = arith.index_cast %mul3A_398 : i32 to index
      %get3A_582 = tpu.vector_load %arg12[%get3A_580, %get3A_581] {strides = array<i32>} : memref<128x128xf32, #tpu.memory_space<vmem>>, vector<16xf32>,
      %mul3A_583 = arith.mulf %get3A_577, %get3A_582 : vector<16xf32>
      %add3A_584 = arith.addf %add3A_572, %mul3A_583 : vector<16xf32>
      %add3A_585 = arith.constant 64 : i32
      %add3A_586 = arith.addi %add3A_585, %select_n3A : i32
      %get3A_587 = arith.index_cast %add3A_586 : i32 to index
      %get3A_588 = arith.index_cast %mul3A_398 : i32 to index
      %get3A_589 = tpu.vector_load %arg11[%get3A_587, %get3A_588] {strides = array<i32>} : memref<128x128xf32, #tpu.memory_space<vmem>>, vector<16xf32>,
      %add3A_590 = arith.constant 64 : i32
      %add3A_591 = arith.addi %add3A_590, %select_n3A : i32
      %get3A_592 = arith.index_cast %add3A_591 : i32 to index
      %get3A_593 = arith.index_cast %mul3A_398 : i32 to index
      %get3A_594 = tpu.vector_load %arg12[%get3A_592, %get3A_593] {strides = array<i32>} : memref<128x128xf32, #tpu.memory_space<vmem>>, vector<16xf32>,
      %mul3A_595 = arith.mulf %get3A_589, %get3A_594 : vector<16xf32>
      %add3A_596 = arith.addf %add3A_584, %mul3A_595 : vector<16xf32>
      %add3A_597 = arith.constant 68 : i32
      %add3A_598 = arith.addi %add3A_597, %select_n3A : i32
      %get3A_599 = arith.index_cast %add3A_598 : i32 to index
      %get3A_600 = arith.index_cast %mul3A_398 : i32 to index
      %get3A_601 = tpu.vector_load %arg11[%get3A_599, %get3A_600] {strides = array<i32>} : memref<128x128xf32, #tpu.memory_space<vmem>>, vector<16xf32>,
      %add3A_602 = arith.constant 68 : i32
      %add3A_603 = arith.addi %add3A_602, %select_n3A : i32
      %get3A_604 = arith.index_cast %add3A_603 : i32 to index
      %get3A_605 = arith.index_cast %mul3A_398 : i32 to index
      %get3A_606 = tpu.vector_load %arg12[%get3A_604, %get3A_605] {strides = array<i32>} : memref<128x128xf32, #tpu.memory_space<vmem>>, vector<16xf32>,
      %mul3A_607 = arith.mulf %get3A_601, %get3A_606 : vector<16xf32>
      %add3A_608 = arith.addf %add3A_596, %mul3A_607 : vector<16xf32>
      %add3A_609 = arith.constant 72 : i32
      %add3A_610 = arith.addi %add3A_609, %select_n3A : i32
      %get3A_611 = arith.index_cast %add3A_610 : i32 to index
      %get3A_612 = arith.index_cast %mul3A_398 : i32 to index
      %get3A_613 = tpu.vector_load %arg11[%get3A_611, %get3A_612] {strides = array<i32>} : memref<128x128xf32, #tpu.memory_space<vmem>>, vector<16xf32>,
      %add3A_614 = arith.constant 72 : i32
      %add3A_615 = arith.addi %add3A_614, %select_n3A : i32
      %get3A_616 = arith.index_cast %add3A_615 : i32 to index
      %get3A_617 = arith.index_cast %mul3A_398 : i32 to index
      %get3A_618 = tpu.vector_load %arg12[%get3A_616, %get3A_617] {strides = array<i32>} : memref<128x128xf32, #tpu.memory_space<vmem>>, vector<16xf32>,
      %mul3A_619 = arith.mulf %get3A_613, %get3A_618 : vector<16xf32>
      %add3A_620 = arith.addf %add3A_608, %mul3A_619 : vector<16xf32>
      %add3A_621 = arith.constant 76 : i32
      %add3A_622 = arith.addi %add3A_621, %select_n3A : i32
      %get3A_623 = arith.index_cast %add3A_622 : i32 to index
      %get3A_624 = arith.index_cast %mul3A_398 : i32 to index
      %get3A_625 = tpu.vector_load %arg11[%get3A_623, %get3A_624] {strides = array<i32>} : memref<128x128xf32, #tpu.memory_space<vmem>>, vector<16xf32>,
      %add3A_626 = arith.constant 76 : i32
      %add3A_627 = arith.addi %add3A_626, %select_n3A : i32
      %get3A_628 = arith.index_cast %add3A_627 : i32 to index
      %get3A_629 = arith.index_cast %mul3A_398 : i32 to index
      %get3A_630 = tpu.vector_load %arg12[%get3A_628, %get3A_629] {strides = array<i32>} : memref<128x128xf32, #tpu.memory_space<vmem>>, vector<16xf32>,
      %mul3A_631 = arith.mulf %get3A_625, %get3A_630 : vector<16xf32>
      %add3A_632 = arith.addf %add3A_620, %mul3A_631 : vector<16xf32>
      %add3A_633 = arith.constant 80 : i32
      %add3A_634 = arith.addi %add3A_633, %select_n3A : i32
      %get3A_635 = arith.index_cast %add3A_634 : i32 to index
      %get3A_636 = arith.index_cast %mul3A_398 : i32 to index
      %get3A_637 = tpu.vector_load %arg11[%get3A_635, %get3A_636] {strides = array<i32>} : memref<128x128xf32, #tpu.memory_space<vmem>>, vector<16xf32>,
      %add3A_638 = arith.constant 80 : i32
      %add3A_639 = arith.addi %add3A_638, %select_n3A : i32
      %get3A_640 = arith.index_cast %add3A_639 : i32 to index
      %get3A_641 = arith.index_cast %mul3A_398 : i32 to index
      %get3A_642 = tpu.vector_load %arg12[%get3A_640, %get3A_641] {strides = array<i32>} : memref<128x128xf32, #tpu.memory_space<vmem>>, vector<16xf32>,
      %mul3A_643 = arith.mulf %get3A_637, %get3A_642 : vector<16xf32>
      %add3A_644 = arith.addf %add3A_632, %mul3A_643 : vector<16xf32>
      %add3A_645 = arith.constant 84 : i32
      %add3A_646 = arith.addi %add3A_645, %select_n3A : i32
      %get3A_647 = arith.index_cast %add3A_646 : i32 to index
      %get3A_648 = arith.index_cast %mul3A_398 : i32 to index
      %get3A_649 = tpu.vector_load %arg11[%get3A_647, %get3A_648] {strides = array<i32>} : memref<128x128xf32, #tpu.memory_space<vmem>>, vector<16xf32>,
      %add3A_650 = arith.constant 84 : i32
      %add3A_651 = arith.addi %add3A_650, %select_n3A : i32
      %get3A_652 = arith.index_cast %add3A_651 : i32 to index
      %get3A_653 = arith.index_cast %mul3A_398 : i32 to index
      %get3A_654 = tpu.vector_load %arg12[%get3A_652, %get3A_653] {strides = array<i32>} : memref<128x128xf32, #tpu.memory_space<vmem>>, vector<16xf32>,
      %mul3A_655 = arith.mulf %get3A_649, %get3A_654 : vector<16xf32>
      %add3A_656 = arith.addf %add3A_644, %mul3A_655 : vector<16xf32>
      %add3A_657 = arith.constant 88 : i32
      %add3A_658 = arith.addi %add3A_657, %select_n3A : i32
      %get3A_659 = arith.index_cast %add3A_658 : i32 to index
      %get3A_660 = arith.index_cast %mul3A_398 : i32 to index
      %get3A_661 = tpu.vector_load %arg11[%get3A_659, %get3A_660] {strides = array<i32>} : memref<128x128xf32, #tpu.memory_space<vmem>>, vector<16xf32>,
      %add3A_662 = arith.constant 88 : i32
      %add3A_663 = arith.addi %add3A_662, %select_n3A : i32
      %get3A_664 = arith.index_cast %add3A_663 : i32 to index
      %get3A_665 = arith.index_cast %mul3A_398 : i32 to index
      %get3A_666 = tpu.vector_load %arg12[%get3A_664, %get3A_665] {strides = array<i32>} : memref<128x128xf32, #tpu.memory_space<vmem>>, vector<16xf32>,
      %mul3A_667 = arith.mulf %get3A_661, %get3A_666 : vector<16xf32>
      %add3A_668 = arith.addf %add3A_656, %mul3A_667 : vector<16xf32>
      %add3A_669 = arith.constant 92 : i32
      %add3A_670 = arith.addi %add3A_669, %select_n3A : i32
      %get3A_671 = arith.index_cast %add3A_670 : i32 to index
      %get3A_672 = arith.index_cast %mul3A_398 : i32 to index
      %get3A_673 = tpu.vector_load %arg11[%get3A_671, %get3A_672] {strides = array<i32>} : memref<128x128xf32, #tpu.memory_space<vmem>>, vector<16xf32>,
      %add3A_674 = arith.constant 92 : i32
      %add3A_675 = arith.addi %add3A_674, %select_n3A : i32
      %get3A_676 = arith.index_cast %add3A_675 : i32 to index
      %get3A_677 = arith.index_cast %mul3A_398 : i32 to index
      %get3A_678 = tpu.vector_load %arg12[%get3A_676, %get3A_677] {strides = array<i32>} : memref<128x128xf32, #tpu.memory_space<vmem>>, vector<16xf32>,
      %mul3A_679 = arith.mulf %get3A_673, %get3A_678 : vector<16xf32>
      %add3A_680 = arith.addf %add3A_668, %mul3A_679 : vector<16xf32>
      %add3A_681 = arith.constant 96 : i32
      %add3A_682 = arith.addi %add3A_681, %select_n3A : i32
      %get3A_683 = arith.index_cast %add3A_682 : i32 to index
      %get3A_684 = arith.index_cast %mul3A_398 : i32 to index
      %get3A_685 = tpu.vector_load %arg11[%get3A_683, %get3A_684] {strides = array<i32>} : memref<128x128xf32, #tpu.memory_space<vmem>>, vector<16xf32>,
      %add3A_686 = arith.constant 96 : i32
      %add3A_687 = arith.addi %add3A_686, %select_n3A : i32
      %get3A_688 = arith.index_cast %add3A_687 : i32 to index
      %get3A_689 = arith.index_cast %mul3A_398 : i32 to index
      %get3A_690 = tpu.vector_load %arg12[%get3A_688, %get3A_689] {strides = array<i32>} : memref<128x128xf32, #tpu.memory_space<vmem>>, vector<16xf32>,
      %mul3A_691 = arith.mulf %get3A_685, %get3A_690 : vector<16xf32>
      %add3A_692 = arith.addf %add3A_680, %mul3A_691 : vector<16xf32>
      %add3A_693 = arith.constant 100 : i32
      %add3A_694 = arith.addi %add3A_693, %select_n3A : i32
      %get3A_695 = arith.index_cast %add3A_694 : i32 to index
      %get3A_696 = arith.index_cast %mul3A_398 : i32 to index
      %get3A_697 = tpu.vector_load %arg11[%get3A_695, %get3A_696] {strides = array<i32>} : memref<128x128xf32, #tpu.memory_space<vmem>>, vector<16xf32>,
      %add3A_698 = arith.constant 100 : i32
      %add3A_699 = arith.addi %add3A_698, %select_n3A : i32
      %get3A_700 = arith.index_cast %add3A_699 : i32 to index
      %get3A_701 = arith.index_cast %mul3A_398 : i32 to index
      %get3A_702 = tpu.vector_load %arg12[%get3A_700, %get3A_701] {strides = array<i32>} : memref<128x128xf32, #tpu.memory_space<vmem>>, vector<16xf32>,
      %mul3A_703 = arith.mulf %get3A_697, %get3A_702 : vector<16xf32>
      %add3A_704 = arith.addf %add3A_692, %mul3A_703 : vector<16xf32>
      %add3A_705 = arith.constant 104 : i32
      %add3A_706 = arith.addi %add3A_705, %select_n3A : i32
      %get3A_707 = arith.index_cast %add3A_706 : i32 to index
      %get3A_708 = arith.index_cast %mul3A_398 : i32 to index
      %get3A_709 = tpu.vector_load %arg11[%get3A_707, %get3A_708] {strides = array<i32>} : memref<128x128xf32, #tpu.memory_space<vmem>>, vector<16xf32>,
      %add3A_710 = arith.constant 104 : i32
      %add3A_711 = arith.addi %add3A_710, %select_n3A : i32
      %get3A_712 = arith.index_cast %add3A_711 : i32 to index
      %get3A_713 = arith.index_cast %mul3A_398 : i32 to index
      %get3A_714 = tpu.vector_load %arg12[%get3A_712, %get3A_713] {strides = array<i32>} : memref<128x128xf32, #tpu.memory_space<vmem>>, vector<16xf32>,
      %mul3A_715 = arith.mulf %get3A_709, %get3A_714 : vector<16xf32>
      %add3A_716 = arith.addf %add3A_704, %mul3A_715 : vector<16xf32>
      %add3A_717 = arith.constant 108 : i32
      %add3A_718 = arith.addi %add3A_717, %select_n3A : i32
      %get3A_719 = arith.index_cast %add3A_718 : i32 to index
      %get3A_720 = arith.index_cast %mul3A_398 : i32 to index
      %get3A_721 = tpu.vector_load %arg11[%get3A_719, %get3A_720] {strides = array<i32>} : memref<128x128xf32, #tpu.memory_space<vmem>>, vector<16xf32>,
      %add3A_722 = arith.constant 108 : i32
      %add3A_723 = arith.addi %add3A_722, %select_n3A : i32
      %get3A_724 = arith.index_cast %add3A_723 : i32 to index
      %get3A_725 = arith.index_cast %mul3A_398 : i32 to index
      %get3A_726 = tpu.vector_load %arg12[%get3A_724, %get3A_725] {strides = array<i32>} : memref<128x128xf32, #tpu.memory_space<vmem>>, vector<16xf32>,
      %mul3A_727 = arith.mulf %get3A_721, %get3A_726 : vector<16xf32>
      %add3A_728 = arith.addf %add3A_716, %mul3A_727 : vector<16xf32>
      %add3A_729 = arith.constant 112 : i32
      %add3A_730 = arith.addi %add3A_729, %select_n3A : i32
      %get3A_731 = arith.index_cast %add3A_730 : i32 to index
      %get3A_732 = arith.index_cast %mul3A_398 : i32 to index
      %get3A_733 = tpu.vector_load %arg11[%get3A_731, %get3A_732] {strides = array<i32>} : memref<128x128xf32, #tpu.memory_space<vmem>>, vector<16xf32>,
      %add3A_734 = arith.constant 112 : i32
      %add3A_735 = arith.addi %add3A_734, %select_n3A : i32
      %get3A_736 = arith.index_cast %add3A_735 : i32 to index
      %get3A_737 = arith.index_cast %mul3A_398 : i32 to index
      %get3A_738 = tpu.vector_load %arg12[%get3A_736, %get3A_737] {strides = array<i32>} : memref<128x128xf32, #tpu.memory_space<vmem>>, vector<16xf32>,
      %mul3A_739 = arith.mulf %get3A_733, %get3A_738 : vector<16xf32>
      %add3A_740 = arith.addf %add3A_728, %mul3A_739 : vector<16xf32>
      %add3A_741 = arith.constant 116 : i32
      %add3A_742 = arith.addi %add3A_741, %select_n3A : i32
      %get3A_743 = arith.index_cast %add3A_742 : i32 to index
      %get3A_744 = arith.index_cast %mul3A_398 : i32 to index
      %get3A_745 = tpu.vector_load %arg11[%get3A_743, %get3A_744] {strides = array<i32>} : memref<128x128xf32, #tpu.memory_space<vmem>>, vector<16xf32>,
      %add3A_746 = arith.constant 116 : i32
      %add3A_747 = arith.addi %add3A_746, %select_n3A : i32
      %get3A_748 = arith.index_cast %add3A_747 : i32 to index
      %get3A_749 = arith.index_cast %mul3A_398 : i32 to index
      %get3A_750 = tpu.vector_load %arg12[%get3A_748, %get3A_749] {strides = array<i32>} : memref<128x128xf32, #tpu.memory_space<vmem>>, vector<16xf32>,
      %mul3A_751 = arith.mulf %get3A_745, %get3A_750 : vector<16xf32>
      %add3A_752 = arith.addf %add3A_740, %mul3A_751 : vector<16xf32>
      %add3A_753 = arith.constant 120 : i32
      %add3A_754 = arith.addi %add3A_753, %select_n3A : i32
      %get3A_755 = arith.index_cast %add3A_754 : i32 to index
      %get3A_756 = arith.index_cast %mul3A_398 : i32 to index
      %get3A_757 = tpu.vector_load %arg11[%get3A_755, %get3A_756] {strides = array<i32>} : memref<128x128xf32, #tpu.memory_space<vmem>>, vector<16xf32>,
      %add3A_758 = arith.constant 120 : i32
      %add3A_759 = arith.addi %add3A_758, %select_n3A : i32
      %get3A_760 = arith.index_cast %add3A_759 : i32 to index
      %get3A_761 = arith.index_cast %mul3A_398 : i32 to index
      %get3A_762 = tpu.vector_load %arg12[%get3A_760, %get3A_761] {strides = array<i32>} : memref<128x128xf32, #tpu.memory_space<vmem>>, vector<16xf32>,
      %mul3A_763 = arith.mulf %get3A_757, %get3A_762 : vector<16xf32>
      %add3A_764 = arith.addf %add3A_752, %mul3A_763 : vector<16xf32>
      %add3A_765 = arith.constant 124 : i32
      %add3A_766 = arith.addi %add3A_765, %select_n3A : i32
      %get3A_767 = arith.index_cast %add3A_766 : i32 to index
      %get3A_768 = arith.index_cast %mul3A_398 : i32 to index
      %get3A_769 = tpu.vector_load %arg11[%get3A_767, %get3A_768] {strides = array<i32>} : memref<128x128xf32, #tpu.memory_space<vmem>>, vector<16xf32>,
      %add3A_770 = arith.constant 124 : i32
      %add3A_771 = arith.addi %add3A_770, %select_n3A : i32
      %get3A_772 = arith.index_cast %add3A_771 : i32 to index
      %get3A_773 = arith.index_cast %mul3A_398 : i32 to index
      %get3A_774 = tpu.vector_load %arg12[%get3A_772, %get3A_773] {strides = array<i32>} : memref<128x128xf32, #tpu.memory_space<vmem>>, vector<16xf32>,
      %mul3A_775 = arith.mulf %get3A_769, %get3A_774 : vector<16xf32>
      %add3A_776 = arith.addf %add3A_764, %mul3A_775 : vector<16xf32>
      %mul3A_777 = arith.constant 16 : i32
      %mul3A_778 = arith.muli %scan3A_365, %mul3A_777 : i32
      %swap3A = arith.index_cast %mul3A_778 : i32 to index
      %swap3A_779 = tpu.vector_load %arg13[%swap3A] {strides = array<i32>} : memref<512xf32, #tpu.memory_space<vmem>>, vector<16xf32>,
      tpu.vector_store %arg13[%swap3A], %add3A_776 {strides = array<i32>} : memref<512xf32, #tpu.memory_space<vmem>>, vector<16xf32>,
      %scan3A_780 = arith.constant 0 : i32
      scf.yield %scan3A_780 : i32
    }
    %scan3A_364 = arith.constant 32 : i32
    "tpu.region"() ({
      %run_scoped3A = tpu.sem_alloc : memref<!tpu.dma_semaphore, #tpu.memory_space<semaphore_mem>>
      %dma_start3A_365 = tpu.memref_slice %arg6[%mul3A_2] : memref<16384xf32, #tpu.memory_space<hbm>> -> memref<512xf32, #tpu.memory_space<hbm>>
      %dma_start3A_366 = tpu.memref_slice %arg6[%mul3A_2] : memref<16384xf32, #tpu.memory_space<hbm>> -> memref<512xf32, #tpu.memory_space<hbm>>
      tpu.enqueue_dma source(%arg13 : memref<512xf32, #tpu.memory_space<vmem>>) target(%dma_start3A_366 : memref<512xf32, #tpu.memory_space<hbm>>) target_semaphore(%run_scoped3A : memref<!tpu.dma_semaphore, #tpu.memory_space<semaphore_mem>>)
      %dma_wait3A_367 = tpu.memref_slice %arg6[%mul3A_2] : memref<16384xf32, #tpu.memory_space<hbm>> -> memref<512xf32, #tpu.memory_space<hbm>>
      %dma_wait3A_368 = tpu.memref_slice %arg6[%mul3A_2] : memref<16384xf32, #tpu.memory_space<hbm>> -> memref<512xf32, #tpu.memory_space<hbm>>
      tpu.wait_dma2 semaphore(%run_scoped3A : memref<!tpu.dma_semaphore, #tpu.memory_space<semaphore_mem>>) src(%arg13 : memref<512xf32, #tpu.memory_space<vmem>>) dst(%dma_wait3A_368 : memref<512xf32, #tpu.memory_space<hbm>>)
      tpu.yield
    }) : () -> ()
    return
  }
}

</mosaic_0001>

<sc_bundles>
// kernel: kernel.3.cloned.1.call-start
scs
__scs_entry_jumppad:
0x0: {  	(pc) =	sbr.rel $0x88, $3  }
0x1: {  	(tag) =	ssettag $0x0;
	lr =	simm.s32 $0x1  }
0x2: {  	[smem:$0x3F9D] =	sst lr;
	_ =	strace $0xD0000000  }
0x3: {  	_ = 	snop  }
0x4: {  	_ = 	snop  }
0x5: {  	_ = 	snop  }
0x6: {  	_ = 	snop  }
0x7: {  	_ = 	snop  }
__scs_overlays_trampoline_lowered:
0x8: {  	[smem:$0x3FAC] =	sst s0  }
0x9: {  	[smem:$0x3FAD] =	sst s1  }
0xa: {  	[smem:$0x3FAE] =	sst s2  }
0xb: {  	[smem:$0x3FAF] =	sst s3  }
0xc: {  	[smem:$0x3FB0] =	sst s4  }
0xd: {  	[smem:$0x3FB1] =	sst s5  }
0xe: {  	[smem:$0x3FB2] =	sst s6  }
0xf: {  	[smem:$0x3FB3] =	sst s7  }
0x10: {  	[smem:$0x3FB4] =	sst s8  }
0x11: {  	[smem:$0x3FB5] =	sst s9;
	s0 =	simm.s32 @!p0 $0x0  }
0x12: {  	s1 =	sld [smem:$0x3F9B];
	s0 =	simm.s32 @p0 $0x1  }
0x13: {  	[smem:$0x3FB6] =	sst s0;
	s0 =	simm.s32 @!p1 $0x0  }
0x14: {  	s2 =	sld [smem:$0x3F9A];
	s0 =	simm.s32 @p1 $0x1  }
0x15: {  	[smem:$0x3FB7] =	sst s0;
	s0 =	simm.s32 @!p2 $0x0  }
0x16: {  	s3 =	sld [smem:$0x3FDB];
	s0 =	simm.s32 @p2 $0x1  }
0x17: {  	s4 =	simm.s32 $0x1BF5;
	[smem:$0x3FB9] =	sst s0  }
0x18: {  	s0 =	sld [smem:$0x3F9C];
	_ =	swait.ge [sflag:s4], $0x0  }
0x19: {  	s7 =	sld [smem:$0x3F9D]  }
0x1a: {  	s8 =	sadd.s32 $0xFFFFE003, lr  }
0x1b: {  	s9 =	sadd.s32 $0xFFFFFEF7, lr;
	s5 =	simm.s32 $0xFFFFFFFF;
	p2 =	slt.u32 s8, $0xFFFFF086  }
0x1c: {  	p1 =	slt.u32 s9, $0xF7A;
	s5 =	simm.s32 @!p2 $0x0  }
0x1d: {  	s5 =	simm.s32 @p1 $0x1;
	p0 =	seq.s32 s7, s2  }
0x1e: {  	s7 =	smul.u32 @!p0 $0xF7A, s2;
	p2 =	seq.s32 @!p0 s5, $0x0  }
0x1f: {  	s9 =	smul.u32 $0xF7A, s1;
	s8 =	simm.s32 @!p0 $0x1BF5;
	p2 =	por !p2, p0  }
0x20: {  	[sflag:s8] =	ssyncset.s32 @!p0 $0xFFFFF086;
	s6 =	sadd.s32 @!p0 s3, s7;
	s7 =	simm.s32 @!p0 $0x108  }
0x21: {  	s3 =	sadd.s32 s3, s9;
	s6 =	sadd.s32 @!p0 $0x88, s6;
	s7 =	simm.s32 @p2 $0x1082  }
0x22: {  	[simem:s7], [sflag:s8] =	dma.local @!p0 [hbm:s6], $0xF7A  }
0x23: {  	s9 =	sor.u32 $0xD0000000, s2;
	s6 =	simm.s32 $0x108;
	_ =	swait.ge @!p0 [sflag:s8], $0x0  }
0x24: {  	s3 =	sadd.s32 $0x88, s3;
	s6 =	simm.s32 @!p1 $0x1082;
	[sflag:s4] =	ssyncset.s32 $0xFFFFF086  }
0x25: {  	[simem:s6], [sflag:s4] =	dma.local [hbm:s3], $0xF7A  }
0x26: {  	[smem:$0x3F9D] =	sst s1;
	(tag) =	ssettag s2;
	_ =	strace s9  }
0x27: {  	s1 =	sld [smem:$0x3FAD]  }
0x28: {  	s2 =	sld [smem:$0x3FAE]  }
0x29: {  	s4 =	sld [smem:$0x3FB0]  }
0x2a: {  	p0 =	seq.s32 s5, $0x0;
	s5 =	sld [smem:$0x3FB1]  }
0x2b: {  	s6 =	sld [smem:$0x3FB2]  }
0x2c: {  	s7 =	sld [smem:$0x3FB3]  }
0x2d: {  	s3 =	simm.s32 $0x108;
	s8 =	sld [smem:$0x3FB4]  }
0x2e: {  	s3 =	simm.s32 @!p0 $0x1082;
	s9 =	sld [smem:$0x3FB5]  }
0x2f: {  	lr =	sadd.s32 s0, s3;
	s0 =	sld [smem:$0x3FAC]  }
0x30: {  	s3 =	sld [smem:$0x3FAF]  }
0x31: {  	[smem:$0x3FB8] =	sst s10  }
0x32: {  	s10 =	sld [smem:$0x3FB6];
	_ =	sdelay $0x3  }
0x33: {  	p0 =	seq.s32 s10, $0x1;
	s10 =	sld [smem:$0x3FB8];
	_ =	sdelay $0x3  }
0x34: {  	[smem:$0x3FB8] =	sst s10  }
0x35: {  	s10 =	sld [smem:$0x3FB7];
	_ =	sdelay $0x3  }
0x36: {  	p1 =	seq.s32 s10, $0x1;
	s10 =	sld [smem:$0x3FB8];
	_ =	sdelay $0x3  }
0x37: {  	[smem:$0x3FB8] =	sst s10  }
0x38: {  	s10 =	sld [smem:$0x3FB9]  }
0x39: {  	_ = 	snop;
	(pc) =	sbr.ind lr, $3  }
0x3a: {  	_ = 	snop  }
0x3b: {  	_ = 	snop  }
0x3c: {  	p2 =	seq.s32 s10, $0x1;
	s10 =	sld [smem:$0x3FB8]  }
0x3d: {  	_ =	shalt  }
0x3e: {  	_ =	shalt  }
0x3f: {  	_ =	shalt  }
0x40: {  	_ =	shalt  }
0x41: {  	_ =	shalt  }
0x42: {  	_ =	shalt  }
0x43: {  	_ =	shalt  }
0x44: {  	_ =	shalt  }
0x45: {  	_ =	shalt  }
0x46: {  	_ =	shalt  }
0x47: {  	_ =	shalt  }
0x48: {  	_ =	shalt  }
0x49: {  	_ =	shalt  }
0x4a: {  	_ =	shalt  }
0x4b: {  	_ =	shalt  }
0x4c: {  	_ =	shalt  }
0x4d: {  	_ =	shalt  }
0x4e: {  	_ =	shalt  }
0x4f: {  	_ =	shalt  }
0x50: {  	_ =	shalt  }
0x51: {  	_ =	shalt  }
0x52: {  	_ =	shalt  }
0x53: {  	_ =	shalt  }
0x54: {  	_ =	shalt  }
0x55: {  	_ =	shalt  }
0x56: {  	_ =	shalt  }
0x57: {  	_ =	shalt  }
0x58: {  	_ =	shalt  }
0x59: {  	_ =	shalt  }
0x5a: {  	_ =	shalt  }
0x5b: {  	_ =	shalt  }
0x5c: {  	_ =	shalt  }
0x5d: {  	_ =	shalt  }
0x5e: {  	_ =	shalt  }
0x5f: {  	_ =	shalt  }
0x60: {  	_ =	shalt  }
0x61: {  	_ =	shalt  }
0x62: {  	_ =	shalt  }
0x63: {  	_ =	shalt  }
0x64: {  	_ =	shalt  }
0x65: {  	_ =	shalt  }
0x66: {  	_ =	shalt  }
0x67: {  	_ =	shalt  }
0x68: {  	_ =	shalt  }
0x69: {  	_ =	shalt  }
0x6a: {  	_ =	shalt  }
0x6b: {  	_ =	shalt  }
0x6c: {  	_ =	shalt  }
0x6d: {  	_ =	shalt  }
0x6e: {  	_ =	shalt  }
0x6f: {  	_ =	shalt  }
0x70: {  	_ =	shalt  }
0x71: {  	_ =	shalt  }
0x72: {  	_ =	shalt  }
0x73: {  	_ =	shalt  }
0x74: {  	_ =	shalt  }
0x75: {  	_ =	shalt  }
0x76: {  	_ =	shalt  }
0x77: {  	_ =	shalt  }
0x78: {  	_ =	shalt  }
0x79: {  	_ =	shalt  }
0x7a: {  	_ =	shalt  }
0x7b: {  	_ =	shalt  }
0x7c: {  	_ =	shalt  }
0x7d: {  	_ =	shalt  }
0x7e: {  	_ =	shalt  }
0x7f: {  	_ =	shalt  }
0x80: {  	_ =	shalt  }
0x81: {  	_ =	shalt  }
0x82: {  	_ =	shalt  }
0x83: {  	_ =	shalt  }
0x84: {  	_ =	shalt  }
0x85: {  	_ =	shalt  }
0x86: {  	_ =	shalt  }
0x87: {  	_ =	shalt  }
.Lfunc_end0:
.L_simem_size_0:
called_computation_lowered:
.L_overlay_start_0:
0x88: {  	s2 =	sld [smem:$0x3FD9]  }
0x89: {  	s3 =	sld [smem:$0x3FFE];
	_ =	sdelay $0x1  }
0x8a: {  	s1 =	srdreg.scid  }
0x8b: {  	s0 =	sand.u32 $0x1, s1  }
0x8c: {  	s17 =	sshll.u32 s0, $0xA;
	s2 =	sadd.s32 s3, s2  }
0x8d: {  	s2 =	sadd.s32 s2, s17  }
0x8e: {  	[smem:$0x3FC4] =	sst s2  }
0x8f: {  	_ = 	snop  }
0x90: {  	s2 =	sld [smem:$0x3FC9]  }
0x91: {  	s18 =	sld [smem:$0x3FC8]  }
0x92: {  	s4 =	sld [smem:$0x3FD0];
	(tm) =	ssettm $0x1  }
0x93: {  	s5 =	sld [smem:$0x3FFB];
	_ =	sdelay $0x3  }
0x94: {  	_ =	strace s5  }
0x95: {  	s5 =	sld [smem:$0x3FFC];
	_ =	sdelay $0x3  }
0x96: {  	_ =	strace s5  }
0x97: {  	s5 =	sld [smem:$0x3FFD];
	_ =	sdelay $0x3  }
0x98: {  	_ =	strace s5  }
0x99: {  	_ =	strace $0x8FFFFFFF  }
0x9a: {  	s19 =	sld [smem:$0x3FDB];
	_ =	sdelay $0x1  }
0x9b: {  	s6 =	simm.s32 $_scs_section_size  }
0x9c: {  	s7 =	simm.s32 $_size__tile_overlayer_lowered;
	s8 =	simm.s32 $_tile_overlayer_lowered  }
0x9d: {  	s22 =	simm.s32 $0x1BFF;
	s21 =	sshll.u32 s8, $0x1;
	s5 =	sadd.s32 s6, s19  }
0x9e: {  	s9 =	simm.s32 $0x0;
	s20 =	sshll.u32 s7, $0x1;
	s7 =	sadd.s32 s21, s5  }
0x9f: {  	[timem:s9], [sflag:s22] =	dma.local [hbm:s7], s20  }
0xa0: {  	_ =	swait.ge [sflag:s22], s20  }
0xa1: {  	s6 =	ssub.s32 $0x0, s20;
	[sflag:s22] =	ssyncset.done $0x0  }
0xa2: {  	[sflag:s22] =	ssyncadd.s32 s6;
	_ =	sdelay $0x1  }
0xa3: {  	s23 =	simm.s32 $0x1B8B  }
0xa4: {  	_ =	swait.ge [sflag:s23], $0x1  }
0xa5: {  	[sflag:s23] =	ssyncset.done $0x0  }
0xa6: {  	s25 =	simm.s32 $0x1B8E;
	s24 =	sld [smem:$0x3FFE];
	[sflag:s23] =	ssyncadd.s32 $0xFFFFFFFF  }
0xa7: {  	s26 =	simm.s32 $execute0_lowered;
	[smem:$0x3FD2] =	sst s25  }
0xa8: {  	s7 =	sshll.u32 s26, $0x1;
	_ =	strace $0x80000046;
	[dreg:$0x1] =	wrdreg $0xFFFFFFFF  }
0xa9: {  	s28 =	simm.s32 $_size_execute0_lowered;
	s5 =	sadd.s32 s5, s7;
	[dreg:$0x0] =	wrdreg $0x0  }
0xaa: {  	s7 =	sshll.u32 s28, $0x1;
	[dreg:$0x2] =	wrdreg s5  }
0xab: {  	[dreg:$0x3] =	wrdreg s7  }
0xac: {  	[dreg:$0x4] =	wrdreg $0xC0  }
0xad: {  	_ =	task [dreg:s9], $0x5FFFF  }
0xae: {  	[dreg:$0x1] =	wrdreg $0xFFFFFFFF  }
0xaf: {  	[dreg:$0x0] =	wrdreg $0x60  }
0xb0: {  	[dreg:$0x2] =	wrdreg s2  }
0xb1: {  	[dreg:$0x3] =	wrdreg s18  }
0xb2: {  	[dreg:$0x4] =	wrdreg s24  }
0xb3: {  	[dreg:$0x5] =	wrdreg s4  }
0xb4: {  	[dreg:$0x6] =	wrdreg $0x9  }
0xb5: {  	_ =	task.clear_ibuf [dreg:s9], $0x7FFFF;
	_ =	strace $0x90000046  }
0xb6: {  	s29 =	simm.s32 $0x9;
	_ =	strace $0x80000048  }
0xb7: {  	_ =	swait.ge [sflag:s29], $0x1  }
0xb8: {  	[sflag:s29] =	ssyncadd.s32 $0xFFFFFFFF  }
0xb9: {  	_ =	strace $0x90000048  }
0xba: {  	_ =	sfence  }
0xbb: {  	s30 =	sld [smem:$0x0];
	_ =	sdelay $0x2  }
0xbc: {  	s31 =	sshll.u32 s1, $0xD;
	s1 =	sshrl.u32 s1, $0x2  }
0xbd: {  	s3 =	sand.u32 $0x4000, s31;
	s1 =	sadd.s32 s1, s30  }
0xbe: {  	s0 =	sor.u32 s3, s0;
	s1 =	sshll.u32 s1, $0x11  }
0xbf: {  	s0 =	sor.u32 s1, s0  }
0xc0: {  	s0 =	sadd.s32 $0x8F2B, s0  }
0xc1: {  	[sflag:s0] =	ssyncadd.remote.s32 $0x1  }
0xc2: {  	_ =	sfence.sel $0xFFFF  }
0xc3: {  	[dreg:$0x0] =	wrdreg $0xFFFFFFFF;
	(pc) =	sbr.abs _section_cstart, $3  }
0xc4: {  	[dreg:$0x1] =	wrdreg $0xFFFFFFFF  }
0xc5: {  	_ =	task.clear_ibuf [dreg:s9], $0x2FFFF;
	_ =	strace $0x9FFFFFFF  }
0xc6: {  	(tm) =	ssettm $0x7FFFFFFF  }
0xc7: {  	_ =	shalt  }
tec
execute0_lowered:
.L_overlay_start_1:
0x0: {  	(tag) =	ssettag $0x1  }
0x1: {  	s0 =	rddreg [dreg:$0x0]  }
0x2: {  	s2 =	rddreg [dreg:$0x1]  }
0x3: {  	s1 =	rddreg [dreg:$0x2]  }
0x4: {  	s7 =	rddreg [dreg:$0x3];
	s3 =	simm.s32 $0x0;
	s4 =	srdreg.scid  }
0x5: {  	s6 =	stileid.u32;
	s10 =	simm.s32 $0x1;
	s11 =	simm.s32 $0x80  }
0x6: {  	s12 =	simm.s32 $0x4680;
	s13 =	simm.s32 $0xC680;
	s14 =	simm.s32 $0x700  }
0x7: {  	s15 =	simm.s32 $0x8700;
	s16 =	simm.s32 $0x4700;
	s17 =	simm.s32 $0xC700  }
0x8: {  	s18 =	simm.s32 $0x780;
	s19 =	simm.s32 $0x8780;
	s20 =	simm.s32 $0x4780  }
0x9: {  	s21 =	simm.s32 $0xC780;
	s22 =	simm.s32 $0x2;
	s23 =	simm.s32 $0x3  }
0xa: {  	s24 =	simm.s32 $0x10400;
	s25 =	simm.s32 $0x4;
	s26 =	simm.s32 $0x0  }
0xb: {  	[smem:$0x7FF] =	sst s3;
	s4 =	sand.u32 $0x1, s4;
	s6 =	sshll.u32 s6, $0x7  }
0xc: {  	_ =	strace $0x80000047;
	s5 =	ssub.s32 $0x2, s4;
	s8 =	sshll.u32 s4, $0x6  }
0xd: {  	s4 =	sadd.s32 $0x3D0A00, s1;
	s9 =	sshrl.u32 s5, $0x1;
	s8 =	sor.u32 s8, s6  }
0xe: {  	s9 =	ssub.s32 s5, s9;
	s5 =	sadd.s32 s0, s8;
	s6 =	sadd.s32 s2, s8  }
0xf: {  	s7 =	sadd.s32 s7, s8;
	s8 =	smax.u32 s9, $0x1;
	s9 =	simm.s32 $0x8680  }
.LBB2_1:
0x10: {  	[tilespmem:s3], [sflag:$0x1] =	stream.linear.gather [hbm4b:s5+s3], $0x200, $0x38;
	[tilespmem:$0x10600] =	vst v63  }
0x11: {  	s0 =	simm.s32 $0x200  }
0x12: {  	[tilespmem:s0], [sflag:$0x1] =	stream.linear.gather [hbm4b:s6+s3], $0x200, $0x38;
	[tilespmem:$0x10600] =	vst v63  }
0x13: {  	_ =	swait.ge [sflag:s10], $0x200  }
0x14: {  	[sflag:s10] =	ssyncset.done $0x0  }
0x15: {  	[sflag:s10] =	ssyncadd.s32 $0xFFFFFE00  }
0x16: {  	_ =	swait.ge [sflag:s10], $0x200  }
0x17: {  	[sflag:s10] =	ssyncset.done $0x0  }
0x18: {  	s28 =	simm.s32 $0x0;
	[sflag:s10] =	ssyncadd.s32 $0xFFFFFE00  }
0x19: {  	v3 =	vld [tilespmem:s28+$0x200]  }
0x1a: {  	v0 =	vld [tilespmem:s28+$0x0];
	_ =	sdelay $0x3  }
0x1b: {  	[tilespmem:s28+$0x4400] =	vst v3;
	v1 =	vadd.s32 $0x1D905C0, v3  }
0x1c: {  	v2 =	vadd.s32 $0xF4240, v0;
	[tilespmem:s28+$0x8200] =	vst v1  }
0x1d: {  	v4 =	vadd.s32 $0x1AB3F00, v3;
	[tilespmem:s28+$0x600] =	vst v2  }
0x1e: {  	v5 =	vadd.s32 $0x1BA8140, v0;
	[tilespmem:s28+$0x7C00] =	vst v4  }
0x1f: {  	v1 =	vadd.s32 $0xF4240, v3;
	[tilespmem:s28+$0x3E00] =	vst v5  }
0x20: {  	v2 =	vadd.s32 $0x1E8480, v0;
	[tilespmem:s28+$0x4600] =	vst v1  }
0x21: {  	v1 =	vadd.s32 $0x1E8480, v3;
	[tilespmem:s28+$0x800] =	vst v2  }
0x22: {  	v2 =	vadd.s32 $0x2DC6C0, v0;
	[tilespmem:s28+$0x4800] =	vst v1  }
0x23: {  	v1 =	vadd.s32 $0x2DC6C0, v3;
	[tilespmem:s28+$0xA00] =	vst v2  }
0x24: {  	v2 =	vadd.s32 $0x3D0900, v0;
	[tilespmem:s28+$0x4A00] =	vst v1  }
0x25: {  	v1 =	vadd.s32 $0x3D0900, v3;
	[tilespmem:s28+$0xC00] =	vst v2  }
0x26: {  	v2 =	vadd.s32 $0x4C4B40, v0;
	[tilespmem:s28+$0x4C00] =	vst v1  }
0x27: {  	v1 =	vadd.s32 $0x4C4B40, v3;
	[tilespmem:s28+$0xE00] =	vst v2  }
0x28: {  	v2 =	vadd.s32 $0x5B8D80, v0;
	[tilespmem:s28+$0x4E00] =	vst v1  }
0x29: {  	v1 =	vadd.s32 $0x5B8D80, v3;
	[tilespmem:s28+$0x1000] =	vst v2  }
0x2a: {  	v2 =	vadd.s32 $0x6ACFC0, v0;
	[tilespmem:s28+$0x5000] =	vst v1  }
0x2b: {  	v1 =	vadd.s32 $0x6ACFC0, v3;
	[tilespmem:s28+$0x1200] =	vst v2  }
0x2c: {  	v2 =	vadd.s32 $0x7A1200, v0;
	[tilespmem:s28+$0x5200] =	vst v1  }
0x2d: {  	v1 =	vadd.s32 $0x7A1200, v3;
	[tilespmem:s28+$0x1400] =	vst v2  }
0x2e: {  	v2 =	vadd.s32 $0x895440, v0;
	[tilespmem:s28+$0x5400] =	vst v1  }
0x2f: {  	v1 =	vadd.s32 $0x895440, v3;
	[tilespmem:s28+$0x1600] =	vst v2  }
0x30: {  	v2 =	vadd.s32 $0x989680, v0;
	[tilespmem:s28+$0x5600] =	vst v1  }
0x31: {  	v1 =	vadd.s32 $0x989680, v3;
	[tilespmem:s28+$0x1800] =	vst v2  }
0x32: {  	v2 =	vadd.s32 $0xA7D8C0, v0;
	[tilespmem:s28+$0x5800] =	vst v1  }
0x33: {  	v1 =	vadd.s32 $0xA7D8C0, v3;
	[tilespmem:s28+$0x1A00] =	vst v2  }
0x34: {  	v2 =	vadd.s32 $0xB71B00, v0;
	[tilespmem:s28+$0x5A00] =	vst v1  }
0x35: {  	v1 =	vadd.s32 $0xB71B00, v3;
	[tilespmem:s28+$0x1C00] =	vst v2  }
0x36: {  	v2 =	vadd.s32 $0xC65D40, v0;
	[tilespmem:s28+$0x5C00] =	vst v1  }
0x37: {  	v1 =	vadd.s32 $0xC65D40, v3;
	[tilespmem:s28+$0x1E00] =	vst v2  }
0x38: {  	v2 =	vadd.s32 $0xD59F80, v0;
	[tilespmem:s28+$0x5E00] =	vst v1  }
0x39: {  	v1 =	vadd.s32 $0xD59F80, v3;
	[tilespmem:s28+$0x2000] =	vst v2  }
0x3a: {  	v2 =	vadd.s32 $0xE4E1C0, v0;
	[tilespmem:s28+$0x6000] =	vst v1  }
0x3b: {  	v1 =	vadd.s32 $0xE4E1C0, v3;
	[tilespmem:s28+$0x2200] =	vst v2  }
0x3c: {  	v2 =	vadd.s32 $0xF42400, v0;
	[tilespmem:s28+$0x6200] =	vst v1  }
0x3d: {  	v1 =	vadd.s32 $0xF42400, v3;
	[tilespmem:s28+$0x2400] =	vst v2  }
0x3e: {  	v2 =	vadd.s32 $0x1036640, v0;
	[tilespmem:s28+$0x6400] =	vst v1  }
0x3f: {  	v1 =	vadd.s32 $0x1036640, v3;
	[tilespmem:s28+$0x2600] =	vst v2  }
0x40: {  	v2 =	vadd.s32 $0x112A880, v0;
	[tilespmem:s28+$0x6600] =	vst v1  }
0x41: {  	v1 =	vadd.s32 $0x112A880, v3;
	[tilespmem:s28+$0x2800] =	vst v2  }
0x42: {  	v2 =	vadd.s32 $0x121EAC0, v0;
	[tilespmem:s28+$0x6800] =	vst v1  }
0x43: {  	v1 =	vadd.s32 $0x121EAC0, v3;
	[tilespmem:s28+$0x2A00] =	vst v2  }
0x44: {  	v2 =	vadd.s32 $0x1312D00, v0;
	[tilespmem:s28+$0x6A00] =	vst v1  }
0x45: {  	v1 =	vadd.s32 $0x1312D00, v3;
	[tilespmem:s28+$0x2C00] =	vst v2  }
0x46: {  	v2 =	vadd.s32 $0x1406F40, v0;
	[tilespmem:s28+$0x6C00] =	vst v1  }
0x47: {  	v1 =	vadd.s32 $0x1406F40, v3;
	[tilespmem:s28+$0x2E00] =	vst v2  }
0x48: {  	v2 =	vadd.s32 $0x14FB180, v0;
	[tilespmem:s28+$0x6E00] =	vst v1  }
0x49: {  	v1 =	vadd.s32 $0x14FB180, v3;
	[tilespmem:s28+$0x3000] =	vst v2  }
0x4a: {  	v2 =	vadd.s32 $0x15EF3C0, v0;
	[tilespmem:s28+$0x7000] =	vst v1  }
0x4b: {  	v1 =	vadd.s32 $0x15EF3C0, v3;
	[tilespmem:s28+$0x3200] =	vst v2  }
0x4c: {  	v2 =	vadd.s32 $0x16E3600, v0;
	[tilespmem:s28+$0x7200] =	vst v1  }
0x4d: {  	v1 =	vadd.s32 $0x16E3600, v3;
	[tilespmem:s28+$0x3400] =	vst v2  }
0x4e: {  	v2 =	vadd.s32 $0x17D7840, v0;
	[tilespmem:s28+$0x7400] =	vst v1  }
0x4f: {  	v1 =	vadd.s32 $0x17D7840, v3;
	[tilespmem:s28+$0x3600] =	vst v2  }
0x50: {  	v2 =	vadd.s32 $0x18CBA80, v0;
	[tilespmem:s28+$0x7600] =	vst v1  }
0x51: {  	v1 =	vadd.s32 $0x18CBA80, v3;
	[tilespmem:s28+$0x3800] =	vst v2  }
0x52: {  	v2 =	vadd.s32 $0x19BFCC0, v0;
	[tilespmem:s28+$0x7800] =	vst v1  }
0x53: {  	v1 =	vadd.s32 $0x19BFCC0, v3;
	[tilespmem:s28+$0x3A00] =	vst v2  }
0x54: {  	v2 =	vadd.s32 $0x1AB3F00, v0;
	[tilespmem:s28+$0x7A00] =	vst v1  }
0x55: {  	v4 =	vadd.s32 $0x1C9C380, v3;
	[tilespmem:s28+$0x3C00] =	vst v2  }
0x56: {  	s30 =	simm.s32 $0x10;
	s29 =	simm.s32 $0x80;
	v1 =	vadd.s32 $0x1BA8140, v3;
	v2 =	vadd.s32 $0x1C9C380, v0;
	v3 =	vadd.s32 $0x1D905C0, v0  }
.LBB2_2:
0x57: {  	p0 =	sne.s32 s29, $0x7C0;
	v5 =	vld [tilespmem:s30+$0x200];
	[tilespmem:s28+$0x7E00] =	vst v1  }
0x58: {  	v1 =	vld [tilespmem:s30+$0x0];
	[tilespmem:s28+$0x4000] =	vst v2  }
0x59: {  	[tilespmem:s28+$0x8000] =	vst v4  }
0x5a: {  	[tilespmem:s28+$0x4200] =	vst v3  }
0x5b: {  	[tilespmem:s28+$0x400] =	vst v0;
	s28 =	smov.u32 s30  }
0x5c: {  	[tilespmem:s28+$0x4400] =	vst v5;
	v2 =	vadd.s32 $0xF4240, v5;
	v3 =	vadd.s32 $0x1E8480, v5;
	v8 =	vadd.s32 $0x1D905C0, v5  }
0x5d: {  	v4 =	vadd.s32 $0xF4240, v1;
	v6 =	vadd.s32 $0x1E8480, v1;
	v7 =	vadd.s32 $0x2DC6C0, v1;
	[tilespmem:s28+$0x8200] =	vst v8;
	v0 =	vmovc v1  }
0x5e: {  	v1 =	vadd.s32 $0x2DC6C0, v5;
	v8 =	vadd.s32 $0x3D0900, v5;
	[tilespmem:s28+$0x600] =	vst v4;
	v4 =	vadd.s32 $0x3D0900, v0  }
0x5f: {  	v9 =	vadd.s32 $0x4C4B40, v5;
	v10 =	vadd.s32 $0x5B8D80, v0;
	[tilespmem:s28+$0x4600] =	vst v2;
	v2 =	vadd.s32 $0x4C4B40, v0  }
0x60: {  	v12 =	vadd.s32 $0x6ACFC0, v5;
	v11 =	vadd.s32 $0x6ACFC0, v0;
	[tilespmem:s28+$0x800] =	vst v6;
	v6 =	vadd.s32 $0x5B8D80, v5  }
0x61: {  	v13 =	vadd.s32 $0x7A1200, v5;
	v14 =	vadd.s32 $0x895440, v0;
	[tilespmem:s28+$0x4800] =	vst v3;
	v3 =	vadd.s32 $0x7A1200, v0  }
0x62: {  	v16 =	vadd.s32 $0x989680, v5;
	v15 =	vadd.s32 $0x989680, v0;
	[tilespmem:s28+$0xA00] =	vst v7;
	v7 =	vadd.s32 $0x895440, v5  }
0x63: {  	v18 =	vadd.s32 $0xA7D8C0, v5;
	v17 =	vadd.s32 $0xA7D8C0, v0;
	v19 =	vadd.s32 $0xB71B00, v0;
	[tilespmem:s28+$0x4A00] =	vst v1  }
0x64: {  	v20 =	vadd.s32 $0xB71B00, v5;
	v22 =	vadd.s32 $0xC65D40, v5;
	v21 =	vadd.s32 $0xC65D40, v0;
	[tilespmem:s28+$0xC00] =	vst v4  }
0x65: {  	v23 =	vadd.s32 $0xD59F80, v5;
	v24 =	vadd.s32 $0xE4E1C0, v0;
	[tilespmem:s28+$0x4C00] =	vst v8;
	v8 =	vadd.s32 $0xD59F80, v0  }
0x66: {  	v25 =	vadd.s32 $0xE4E1C0, v5;
	v27 =	vadd.s32 $0xF42400, v5;
	v26 =	vadd.s32 $0xF42400, v0;
	[tilespmem:s28+$0xE00] =	vst v2  }
0x67: {  	v28 =	vadd.s32 $0x1036640, v5;
	v29 =	vadd.s32 $0x112A880, v0;
	[tilespmem:s28+$0x4E00] =	vst v9;
	v9 =	vadd.s32 $0x1036640, v0  }
0x68: {  	v31 =	vadd.s32 $0x121EAC0, v5;
	v30 =	vadd.s32 $0x121EAC0, v0;
	[tilespmem:s28+$0x1000] =	vst v10;
	v10 =	vadd.s32 $0x112A880, v5  }
0x69: {  	v32 =	vadd.s32 $0x1312D00, v5;
	v33 =	vadd.s32 $0x1406F40, v0;
	[tilespmem:s28+$0x5000] =	vst v6;
	v6 =	vadd.s32 $0x1312D00, v0  }
0x6a: {  	v35 =	vadd.s32 $0x14FB180, v5;
	v34 =	vadd.s32 $0x14FB180, v0;
	[tilespmem:s28+$0x1200] =	vst v11;
	v11 =	vadd.s32 $0x1406F40, v5  }
0x6b: {  	v36 =	vadd.s32 $0x15EF3C0, v5;
	v37 =	vadd.s32 $0x16E3600, v0;
	[tilespmem:s28+$0x5200] =	vst v12;
	v12 =	vadd.s32 $0x15EF3C0, v0  }
0x6c: {  	v38 =	vadd.s32 $0x16E3600, v5;
	v40 =	vadd.s32 $0x17D7840, v5;
	v39 =	vadd.s32 $0x17D7840, v0;
	[tilespmem:s28+$0x1400] =	vst v3  }
0x6d: {  	v41 =	vadd.s32 $0x18CBA80, v5;
	v42 =	vadd.s32 $0x19BFCC0, v0;
	[tilespmem:s28+$0x5400] =	vst v13;
	v13 =	vadd.s32 $0x18CBA80, v0  }
0x6e: {  	v44 =	vadd.s32 $0x1AB3F00, v5;
	v43 =	vadd.s32 $0x1AB3F00, v0;
	[tilespmem:s28+$0x1600] =	vst v14;
	v14 =	vadd.s32 $0x19BFCC0, v5  }
0x6f: {  	v1 =	vadd.s32 $0x1BA8140, v5;
	v2 =	vadd.s32 $0x1C9C380, v0;
	[tilespmem:s28+$0x5600] =	vst v7;
	v7 =	vadd.s32 $0x1BA8140, v0  }
0x70: {  	v4 =	vadd.s32 $0x1C9C380, v5;
	v3 =	vadd.s32 $0x1D905C0, v0;
	[tilespmem:s28+$0x1800] =	vst v15  }
0x71: {  	[tilespmem:s28+$0x5800] =	vst v16  }
0x72: {  	[tilespmem:s28+$0x1A00] =	vst v17  }
0x73: {  	[tilespmem:s28+$0x5A00] =	vst v18  }
0x74: {  	[tilespmem:s28+$0x1C00] =	vst v19  }
0x75: {  	[tilespmem:s28+$0x5C00] =	vst v20  }
0x76: {  	[tilespmem:s28+$0x1E00] =	vst v21  }
0x77: {  	[tilespmem:s28+$0x5E00] =	vst v22  }
0x78: {  	[tilespmem:s28+$0x2000] =	vst v8  }
0x79: {  	[tilespmem:s28+$0x6000] =	vst v23  }
0x7a: {  	[tilespmem:s28+$0x2200] =	vst v24  }
0x7b: {  	[tilespmem:s28+$0x6200] =	vst v25  }
0x7c: {  	[tilespmem:s28+$0x2400] =	vst v26  }
0x7d: {  	[tilespmem:s28+$0x6400] =	vst v27  }
0x7e: {  	[tilespmem:s28+$0x2600] =	vst v9  }
0x7f: {  	[tilespmem:s28+$0x6600] =	vst v28  }
0x80: {  	[tilespmem:s28+$0x2800] =	vst v29  }
0x81: {  	[tilespmem:s28+$0x6800] =	vst v10  }
0x82: {  	[tilespmem:s28+$0x2A00] =	vst v30  }
0x83: {  	[tilespmem:s28+$0x6A00] =	vst v31  }
0x84: {  	[tilespmem:s28+$0x2C00] =	vst v6  }
0x85: {  	[tilespmem:s28+$0x6C00] =	vst v32  }
0x86: {  	[tilespmem:s28+$0x2E00] =	vst v33  }
0x87: {  	[tilespmem:s28+$0x6E00] =	vst v11  }
0x88: {  	[tilespmem:s28+$0x3000] =	vst v34  }
0x89: {  	[tilespmem:s28+$0x7000] =	vst v35  }
0x8a: {  	[tilespmem:s28+$0x3200] =	vst v12  }
0x8b: {  	[tilespmem:s28+$0x7200] =	vst v36  }
0x8c: {  	[tilespmem:s28+$0x3400] =	vst v37  }
0x8d: {  	[tilespmem:s28+$0x7400] =	vst v38  }
0x8e: {  	[tilespmem:s28+$0x3600] =	vst v39  }
0x8f: {  	[tilespmem:s28+$0x7600] =	vst v40  }
0x90: {  	[tilespmem:s28+$0x3800] =	vst v13  }
0x91: {  	[tilespmem:s28+$0x7800] =	vst v41  }
.Ltmp0:
0x92: {  	[tilespmem:s28+$0x3A00] =	vst v42;
	(pc) =	sbr.rel @p0 .LBB2_2-.Ltmp0, $4  }
0x93: {  	[tilespmem:s28+$0x7A00] =	vst v14  }
0x94: {  	[tilespmem:s28+$0x3C00] =	vst v43  }
0x95: {  	[tilespmem:s28+$0x7C00] =	vst v44  }
0x96: {  	s30 =	sshra.s32 s29, $0x2;
	s29 =	sadd.s32 $0x40, s29;
	[tilespmem:s28+$0x3E00] =	vst v7  }
0x97: {  	v5 =	vld [tilespmem:s30+$0x200];
	[tilespmem:s28+$0x7E00] =	vst v1  }
0x98: {  	v1 =	vld [tilespmem:s30+$0x0];
	[tilespmem:s28+$0x4000] =	vst v2  }
0x99: {  	[tilespmem:s28+$0x8000] =	vst v4  }
0x9a: {  	[tilespmem:s28+$0x4200] =	vst v3  }
0x9b: {  	[tilespmem:s28+$0x400] =	vst v0  }
0x9c: {  	[tilespmem:s30+$0x4400] =	vst v5;
	v61 =	vadd.s32 $0x1D905C0, v5  }
0x9d: {  	v63 =	vadd.s32 $0xF4240, v5;
	[tilespmem:s30+$0x8200] =	vst v61  }
0x9e: {  	v6 =	vadd.s32 $0x1E8480, v5;
	[tilespmem:s30+$0x4600] =	vst v63  }
0x9f: {  	v8 =	vadd.s32 $0x2DC6C0, v5;
	[tilespmem:s30+$0x4800] =	vst v6  }
0xa0: {  	v10 =	vadd.s32 $0x3D0900, v5;
	[tilespmem:s30+$0x4A00] =	vst v8  }
0xa1: {  	v12 =	vadd.s32 $0x4C4B40, v5;
	[tilespmem:s30+$0x4C00] =	vst v10  }
0xa2: {  	v14 =	vadd.s32 $0x5B8D80, v5;
	[tilespmem:s30+$0x4E00] =	vst v12  }
0xa3: {  	v16 =	vadd.s32 $0x6ACFC0, v5;
	[tilespmem:s30+$0x5000] =	vst v14  }
0xa4: {  	v18 =	vadd.s32 $0x7A1200, v5;
	[tilespmem:s30+$0x5200] =	vst v16  }
0xa5: {  	v20 =	vadd.s32 $0x895440, v5;
	[tilespmem:s30+$0x5400] =	vst v18  }
0xa6: {  	v22 =	vadd.s32 $0x989680, v5;
	[tilespmem:s30+$0x5600] =	vst v20  }
0xa7: {  	v24 =	vadd.s32 $0xA7D8C0, v5;
	[tilespmem:s30+$0x5800] =	vst v22  }
0xa8: {  	v26 =	vadd.s32 $0xB71B00, v5;
	[tilespmem:s30+$0x5A00] =	vst v24  }
0xa9: {  	v28 =	vadd.s32 $0xC65D40, v5;
	[tilespmem:s30+$0x5C00] =	vst v26  }
0xaa: {  	v30 =	vadd.s32 $0xD59F80, v5;
	[tilespmem:s30+$0x5E00] =	vst v28  }
0xab: {  	v32 =	vadd.s32 $0xE4E1C0, v5;
	[tilespmem:s30+$0x6000] =	vst v30  }
0xac: {  	v34 =	vadd.s32 $0xF42400, v5;
	[tilespmem:s30+$0x6200] =	vst v32  }
0xad: {  	v36 =	vadd.s32 $0x1036640, v5;
	[tilespmem:s30+$0x6400] =	vst v34  }
0xae: {  	v38 =	vadd.s32 $0x112A880, v5;
	[tilespmem:s30+$0x6600] =	vst v36  }
0xaf: {  	v40 =	vadd.s32 $0x121EAC0, v5;
	[tilespmem:s30+$0x6800] =	vst v38  }
0xb0: {  	v42 =	vadd.s32 $0x1312D00, v5;
	[tilespmem:s30+$0x6A00] =	vst v40  }
0xb1: {  	v44 =	vadd.s32 $0x1406F40, v5;
	[tilespmem:s30+$0x6C00] =	vst v42  }
0xb2: {  	v46 =	vadd.s32 $0x14FB180, v5;
	[tilespmem:s30+$0x6E00] =	vst v44  }
0xb3: {  	v48 =	vadd.s32 $0x15EF3C0, v5;
	[tilespmem:s30+$0x7000] =	vst v46  }
0xb4: {  	v50 =	vadd.s32 $0x16E3600, v5;
	[tilespmem:s30+$0x7200] =	vst v48  }
0xb5: {  	v52 =	vadd.s32 $0x17D7840, v5;
	[tilespmem:s30+$0x7400] =	vst v50  }
0xb6: {  	v54 =	vadd.s32 $0x18CBA80, v5;
	[tilespmem:s30+$0x7600] =	vst v52  }
0xb7: {  	v56 =	vadd.s32 $0x19BFCC0, v5;
	[tilespmem:s30+$0x7800] =	vst v54  }
0xb8: {  	v58 =	vadd.s32 $0x1AB3F00, v5;
	[tilespmem:s30+$0x7A00] =	vst v56  }
0xb9: {  	v60 =	vadd.s32 $0x1BA8140, v5;
	[tilespmem:s30+$0x7C00] =	vst v58  }
0xba: {  	[tilespmem:s30+$0x7E00] =	vst v60  }
0xbb: {  	v62 =	vadd.s32 $0xF4240, v1;
	[tilespmem:s30+$0x400] =	vst v1  }
0xbc: {  	v4 =	vadd.s32 $0x1E8480, v1;
	[tilespmem:s30+$0x600] =	vst v62  }
0xbd: {  	v7 =	vadd.s32 $0x2DC6C0, v1;
	[tilespmem:s30+$0x800] =	vst v4  }
0xbe: {  	v9 =	vadd.s32 $0x3D0900, v1;
	[tilespmem:s30+$0xA00] =	vst v7  }
0xbf: {  	v11 =	vadd.s32 $0x4C4B40, v1;
	[tilespmem:s30+$0xC00] =	vst v9  }
0xc0: {  	v13 =	vadd.s32 $0x5B8D80, v1;
	[tilespmem:s30+$0xE00] =	vst v11  }
0xc1: {  	v15 =	vadd.s32 $0x6ACFC0, v1;
	[tilespmem:s30+$0x1000] =	vst v13  }
0xc2: {  	v17 =	vadd.s32 $0x7A1200, v1;
	[tilespmem:s30+$0x1200] =	vst v15  }
0xc3: {  	v19 =	vadd.s32 $0x895440, v1;
	[tilespmem:s30+$0x1400] =	vst v17  }
0xc4: {  	v21 =	vadd.s32 $0x989680, v1;
	[tilespmem:s30+$0x1600] =	vst v19  }
0xc5: {  	v23 =	vadd.s32 $0xA7D8C0, v1;
	[tilespmem:s30+$0x1800] =	vst v21  }
0xc6: {  	v25 =	vadd.s32 $0xB71B00, v1;
	[tilespmem:s30+$0x1A00] =	vst v23  }
0xc7: {  	v27 =	vadd.s32 $0xC65D40, v1;
	[tilespmem:s30+$0x1C00] =	vst v25  }
0xc8: {  	v29 =	vadd.s32 $0xD59F80, v1;
	[tilespmem:s30+$0x1E00] =	vst v27  }
0xc9: {  	v31 =	vadd.s32 $0xE4E1C0, v1;
	[tilespmem:s30+$0x2000] =	vst v29  }
0xca: {  	v33 =	vadd.s32 $0xF42400, v1;
	[tilespmem:s30+$0x2200] =	vst v31  }
0xcb: {  	v35 =	vadd.s32 $0x1036640, v1;
	[tilespmem:s30+$0x2400] =	vst v33  }
0xcc: {  	v37 =	vadd.s32 $0x112A880, v1;
	[tilespmem:s30+$0x2600] =	vst v35  }
0xcd: {  	v39 =	vadd.s32 $0x121EAC0, v1;
	[tilespmem:s30+$0x2800] =	vst v37  }
0xce: {  	v41 =	vadd.s32 $0x1312D00, v1;
	[tilespmem:s30+$0x2A00] =	vst v39  }
0xcf: {  	v43 =	vadd.s32 $0x1406F40, v1;
	[tilespmem:s30+$0x2C00] =	vst v41  }
0xd0: {  	v45 =	vadd.s32 $0x14FB180, v1;
	[tilespmem:s30+$0x2E00] =	vst v43  }
0xd1: {  	v47 =	vadd.s32 $0x15EF3C0, v1;
	[tilespmem:s30+$0x3000] =	vst v45  }
0xd2: {  	v49 =	vadd.s32 $0x16E3600, v1;
	[tilespmem:s30+$0x3200] =	vst v47  }
0xd3: {  	v51 =	vadd.s32 $0x17D7840, v1;
	[tilespmem:s30+$0x3400] =	vst v49  }
0xd4: {  	v53 =	vadd.s32 $0x18CBA80, v1;
	[tilespmem:s30+$0x3600] =	vst v51  }
0xd5: {  	v55 =	vadd.s32 $0x19BFCC0, v1;
	[tilespmem:s30+$0x3800] =	vst v53  }
0xd6: {  	v57 =	vadd.s32 $0x1AB3F00, v1;
	[tilespmem:s30+$0x3A00] =	vst v55  }
0xd7: {  	v59 =	vadd.s32 $0x1BA8140, v1;
	[tilespmem:s30+$0x3C00] =	vst v57  }
0xd8: {  	v61 =	vadd.s32 $0x1C9C380, v1;
	[tilespmem:s30+$0x3E00] =	vst v59  }
0xd9: {  	v63 =	vadd.s32 $0x1D905C0, v1;
	[tilespmem:s30+$0x4000] =	vst v61  }
0xda: {  	v62 =	vadd.s32 $0x1C9C380, v5;
	[tilespmem:s30+$0x4200] =	vst v63  }
0xdb: {  	s0 =	simm.s32 $0x400;
	s2 =	simm.s32 $0x8400;
	[tilespmem:s30+$0x8000] =	vst v62  }
0xdc: {  	[tilespmem:s2], [sflag:$0x2] =	stream.indirect.gather [hbm4b:s4+s11], $0x1, s0, s11, $0xb8;
	[tilespmem:$0x10600] =	vst v63  }
0xdd: {  	s31 =	simm.s32 $0xC400;
	s28 =	simm.s32 $0x4400  }
0xde: {  	[tilespmem:s31], [sflag:$0x3] =	stream.indirect.gather [hbm4b:s1+s11], $0x1, s28, s11, $0xb8;
	[tilespmem:$0x10600] =	vst v63  }
0xdf: {  	s28 =	simm.s32 $0x480;
	s31 =	simm.s32 $0x8480  }
0xe0: {  	[tilespmem:s31], [sflag:$0x2] =	stream.indirect.gather [hbm4b:s4+s11], $0x1, s28, s11, $0xb8;
	[tilespmem:$0x10600] =	vst v63  }
0xe1: {  	s28 =	simm.s32 $0x4480;
	s31 =	simm.s32 $0xC480  }
0xe2: {  	[tilespmem:s31], [sflag:$0x3] =	stream.indirect.gather [hbm4b:s1+s11], $0x1, s28, s11, $0xb8;
	[tilespmem:$0x10600] =	vst v63  }
0xe3: {  	s28 =	simm.s32 $0x500;
	s31 =	simm.s32 $0x8500  }
0xe4: {  	[tilespmem:s31], [sflag:$0x2] =	stream.indirect.gather [hbm4b:s4+s11], $0x1, s28, s11, $0xb8;
	[tilespmem:$0x10600] =	vst v63  }
0xe5: {  	s28 =	simm.s32 $0x4500;
	s31 =	simm.s32 $0xC500  }
0xe6: {  	[tilespmem:s31], [sflag:$0x3] =	stream.indirect.gather [hbm4b:s1+s11], $0x1, s28, s11, $0xb8;
	[tilespmem:$0x10600] =	vst v63  }
0xe7: {  	s28 =	simm.s32 $0x580;
	s31 =	simm.s32 $0x8580  }
0xe8: {  	[tilespmem:s31], [sflag:$0x2] =	stream.indirect.gather [hbm4b:s4+s11], $0x1, s28, s11, $0xb8;
	[tilespmem:$0x10600] =	vst v63  }
0xe9: {  	s28 =	simm.s32 $0x4580;
	s31 =	simm.s32 $0xC580  }
0xea: {  	[tilespmem:s31], [sflag:$0x3] =	stream.indirect.gather [hbm4b:s1+s11], $0x1, s28, s11, $0xb8;
	[tilespmem:$0x10600] =	vst v63  }
0xeb: {  	s28 =	simm.s32 $0x600;
	s31 =	simm.s32 $0x8600  }
0xec: {  	[tilespmem:s31], [sflag:$0x2] =	stream.indirect.gather [hbm4b:s4+s11], $0x1, s28, s11, $0xb8;
	[tilespmem:$0x10600] =	vst v63  }
0xed: {  	s28 =	simm.s32 $0x4600;
	s31 =	simm.s32 $0xC600  }
0xee: {  	[tilespmem:s31], [sflag:$0x3] =	stream.indirect.gather [hbm4b:s1+s11], $0x1, s28, s11, $0xb8;
	[tilespmem:$0x10600] =	vst v63  }
0xef: {  	s28 =	simm.s32 $0x680  }
0xf0: {  	[tilespmem:s9], [sflag:$0x2] =	stream.indirect.gather [hbm4b:s4+s11], $0x1, s28, s11, $0xb8;
	[tilespmem:$0x10600] =	vst v63  }
0xf1: {  	_ = 	snop  }
0xf2: {  	[tilespmem:s13], [sflag:$0x3] =	stream.indirect.gather [hbm4b:s1+s11], $0x1, s12, s11, $0xb8;
	[tilespmem:$0x10600] =	vst v63  }
0xf3: {  	_ = 	snop  }
0xf4: {  	[tilespmem:s15], [sflag:$0x2] =	stream.indirect.gather [hbm4b:s4+s11], $0x1, s14, s11, $0xb8;
	[tilespmem:$0x10600] =	vst v63  }
0xf5: {  	_ = 	snop  }
0xf6: {  	[tilespmem:s17], [sflag:$0x3] =	stream.indirect.gather [hbm4b:s1+s11], $0x1, s16, s11, $0xb8;
	[tilespmem:$0x10600] =	vst v63  }
0xf7: {  	_ = 	snop  }
0xf8: {  	[tilespmem:s19], [sflag:$0x2] =	stream.indirect.gather [hbm4b:s4+s11], $0x1, s18, s11, $0xb8;
	[tilespmem:$0x10600] =	vst v63  }
0xf9: {  	_ = 	snop  }
0xfa: {  	[tilespmem:s21], [sflag:$0x3] =	stream.indirect.gather [hbm4b:s1+s11], $0x1, s20, s11, $0xb8;
	[tilespmem:$0x10600] =	vst v63  }
0xfb: {  	s29 =	simm.s32 $0x800;
	s31 =	simm.s32 $0x8800  }
0xfc: {  	[tilespmem:s31], [sflag:$0x2] =	stream.indirect.gather [hbm4b:s4+s11], $0x1, s29, s11, $0xb8;
	[tilespmem:$0x10600] =	vst v63  }
0xfd: {  	s0 =	simm.s32 $0xC800;
	s29 =	simm.s32 $0x4800  }
0xfe: {  	[tilespmem:s0], [sflag:$0x3] =	stream.indirect.gather [hbm4b:s1+s11], $0x1, s29, s11, $0xb8;
	[tilespmem:$0x10600] =	vst v63  }
0xff: {  	s2 =	simm.s32 $0x8880;
	s29 =	simm.s32 $0x880  }
0x100: {  	[tilespmem:s2], [sflag:$0x2] =	stream.indirect.gather [hbm4b:s4+s11], $0x1, s29, s11, $0xb8;
	[tilespmem:$0x10600] =	vst v63  }
0x101: {  	s31 =	simm.s32 $0xC880;
	s29 =	simm.s32 $0x4880  }
0x102: {  	[tilespmem:s31], [sflag:$0x3] =	stream.indirect.gather [hbm4b:s1+s11], $0x1, s29, s11, $0xb8;
	[tilespmem:$0x10600] =	vst v63  }
0x103: {  	s0 =	simm.s32 $0x8900;
	s29 =	simm.s32 $0x900  }
0x104: {  	[tilespmem:s0], [sflag:$0x2] =	stream.indirect.gather [hbm4b:s4+s11], $0x1, s29, s11, $0xb8;
	[tilespmem:$0x10600] =	vst v63  }
0x105: {  	s2 =	simm.s32 $0xC900;
	s29 =	simm.s32 $0x4900  }
0x106: {  	[tilespmem:s2], [sflag:$0x3] =	stream.indirect.gather [hbm4b:s1+s11], $0x1, s29, s11, $0xb8;
	[tilespmem:$0x10600] =	vst v63  }
0x107: {  	s31 =	simm.s32 $0x8980;
	s29 =	simm.s32 $0x980  }
0x108: {  	[tilespmem:s31], [sflag:$0x2] =	stream.indirect.gather [hbm4b:s4+s11], $0x1, s29, s11, $0xb8;
	[tilespmem:$0x10600] =	vst v63  }
0x109: {  	s0 =	simm.s32 $0xC980;
	s29 =	simm.s32 $0x4980  }
0x10a: {  	[tilespmem:s0], [sflag:$0x3] =	stream.indirect.gather [hbm4b:s1+s11], $0x1, s29, s11, $0xb8;
	[tilespmem:$0x10600] =	vst v63  }
0x10b: {  	s2 =	simm.s32 $0x8A00;
	s29 =	simm.s32 $0xA00  }
0x10c: {  	[tilespmem:s2], [sflag:$0x2] =	stream.indirect.gather [hbm4b:s4+s11], $0x1, s29, s11, $0xb8;
	[tilespmem:$0x10600] =	vst v63  }
0x10d: {  	s31 =	simm.s32 $0xCA00;
	s29 =	simm.s32 $0x4A00  }
0x10e: {  	[tilespmem:s31], [sflag:$0x3] =	stream.indirect.gather [hbm4b:s1+s11], $0x1, s29, s11, $0xb8;
	[tilespmem:$0x10600] =	vst v63  }
0x10f: {  	s0 =	simm.s32 $0x8A80;
	s29 =	simm.s32 $0xA80  }
0x110: {  	[tilespmem:s0], [sflag:$0x2] =	stream.indirect.gather [hbm4b:s4+s11], $0x1, s29, s11, $0xb8;
	[tilespmem:$0x10600] =	vst v63  }
0x111: {  	s2 =	simm.s32 $0xCA80;
	s29 =	simm.s32 $0x4A80  }
0x112: {  	[tilespmem:s2], [sflag:$0x3] =	stream.indirect.gather [hbm4b:s1+s11], $0x1, s29, s11, $0xb8;
	[tilespmem:$0x10600] =	vst v63  }
0x113: {  	s31 =	simm.s32 $0x8B00;
	s29 =	simm.s32 $0xB00  }
0x114: {  	[tilespmem:s31], [sflag:$0x2] =	stream.indirect.gather [hbm4b:s4+s11], $0x1, s29, s11, $0xb8;
	[tilespmem:$0x10600] =	vst v63  }
0x115: {  	s0 =	simm.s32 $0xCB00;
	s29 =	simm.s32 $0x4B00  }
0x116: {  	[tilespmem:s0], [sflag:$0x3] =	stream.indirect.gather [hbm4b:s1+s11], $0x1, s29, s11, $0xb8;
	[tilespmem:$0x10600] =	vst v63  }
0x117: {  	s2 =	simm.s32 $0x8B80;
	s29 =	simm.s32 $0xB80  }
0x118: {  	[tilespmem:s2], [sflag:$0x2] =	stream.indirect.gather [hbm4b:s4+s11], $0x1, s29, s11, $0xb8;
	[tilespmem:$0x10600] =	vst v63  }
0x119: {  	s31 =	simm.s32 $0xCB80;
	s29 =	simm.s32 $0x4B80  }
0x11a: {  	[tilespmem:s31], [sflag:$0x3] =	stream.indirect.gather [hbm4b:s1+s11], $0x1, s29, s11, $0xb8;
	[tilespmem:$0x10600] =	vst v63  }
0x11b: {  	_ =	swait.ge [sflag:s22], $0x80  }
0x11c: {  	[sflag:s22] =	ssyncset.done $0x0  }
0x11d: {  	[sflag:s22] =	ssyncadd.s32 $0xFFFFFF80  }
0x11e: {  	_ =	swait.ge [sflag:s23], $0x80  }
0x11f: {  	[sflag:s23] =	ssyncset.done $0x0  }
0x120: {  	[sflag:s23] =	ssyncadd.s32 $0xFFFFFF80  }
0x121: {  	_ =	swait.ge [sflag:s22], $0x80  }
0x122: {  	[sflag:s22] =	ssyncset.done $0x0  }
0x123: {  	[sflag:s22] =	ssyncadd.s32 $0xFFFFFF80  }
0x124: {  	_ =	swait.ge [sflag:s23], $0x80  }
0x125: {  	[sflag:s23] =	ssyncset.done $0x0  }
0x126: {  	[sflag:s23] =	ssyncadd.s32 $0xFFFFFF80  }
0x127: {  	_ =	swait.ge [sflag:s22], $0x80  }
0x128: {  	[sflag:s22] =	ssyncset.done $0x0  }
0x129: {  	[sflag:s22] =	ssyncadd.s32 $0xFFFFFF80  }
0x12a: {  	_ =	swait.ge [sflag:s23], $0x80  }
0x12b: {  	[sflag:s23] =	ssyncset.done $0x0  }
0x12c: {  	[sflag:s23] =	ssyncadd.s32 $0xFFFFFF80  }
0x12d: {  	_ =	swait.ge [sflag:s22], $0x80  }
0x12e: {  	[sflag:s22] =	ssyncset.done $0x0  }
0x12f: {  	[sflag:s22] =	ssyncadd.s32 $0xFFFFFF80  }
0x130: {  	_ =	swait.ge [sflag:s23], $0x80  }
0x131: {  	[sflag:s23] =	ssyncset.done $0x0  }
0x132: {  	[sflag:s23] =	ssyncadd.s32 $0xFFFFFF80  }
0x133: {  	_ =	swait.ge [sflag:s22], $0x80  }
0x134: {  	[sflag:s22] =	ssyncset.done $0x0  }
0x135: {  	[sflag:s22] =	ssyncadd.s32 $0xFFFFFF80  }
0x136: {  	_ =	swait.ge [sflag:s23], $0x80  }
0x137: {  	[sflag:s23] =	ssyncset.done $0x0  }
0x138: {  	[sflag:s23] =	ssyncadd.s32 $0xFFFFFF80  }
0x139: {  	_ =	swait.ge [sflag:s22], $0x80  }
0x13a: {  	[sflag:s22] =	ssyncset.done $0x0  }
0x13b: {  	[sflag:s22] =	ssyncadd.s32 $0xFFFFFF80  }
0x13c: {  	_ =	swait.ge [sflag:s23], $0x80  }
0x13d: {  	[sflag:s23] =	ssyncset.done $0x0  }
0x13e: {  	[sflag:s23] =	ssyncadd.s32 $0xFFFFFF80  }
0x13f: {  	_ =	swait.ge [sflag:s22], $0x80  }
0x140: {  	[sflag:s22] =	ssyncset.done $0x0  }
0x141: {  	[sflag:s22] =	ssyncadd.s32 $0xFFFFFF80  }
0x142: {  	_ =	swait.ge [sflag:s23], $0x80  }
0x143: {  	[sflag:s23] =	ssyncset.done $0x0  }
0x144: {  	[sflag:s23] =	ssyncadd.s32 $0xFFFFFF80  }
0x145: {  	_ =	swait.ge [sflag:s22], $0x80  }
0x146: {  	[sflag:s22] =	ssyncset.done $0x0  }
0x147: {  	[sflag:s22] =	ssyncadd.s32 $0xFFFFFF80  }
0x148: {  	_ =	swait.ge [sflag:s23], $0x80  }
0x149: {  	s30 =	simm.s32 $0x400;
	s29 =	simm.s32 $0x2000;
	[sflag:s23] =	ssyncset.done $0x0  }
.LBB2_4:
0x14a: {  	s31 =	sadd.s32 $0x8800, s30  }
0x14b: {  	s0 =	sadd.s32 $0x800, s30;
	[sflag:s23] =	ssyncadd.s32 $0xFFFFFF80;
	s28 =	smov.u32 s29  }
0x14c: {  	[tilespmem:s31], [sflag:$0x2] =	stream.indirect.gather [hbm4b:s4+s11], $0x1, s0, s11, $0xb8;
	[tilespmem:$0x10600] =	vst v63  }
0x14d: {  	s2 =	sadd.s32 $0x4800, s30;
	s31 =	sadd.s32 $0x1000, s29;
	s0 =	sadd.s32 $0xC800, s30  }
0x14e: {  	[tilespmem:s0], [sflag:$0x3] =	stream.indirect.gather [hbm4b:s1+s11], $0x1, s2, s11, $0xb8;
	[tilespmem:$0x10600] =	vst v63  }
0x14f: {  	p0 =	sne.s32 s29, $0xE000;
	s0 =	sadd.s32 $0x8880, s30;
	s2 =	sadd.s32 $0x880, s30  }
0x150: {  	[tilespmem:s0], [sflag:$0x2] =	stream.indirect.gather [hbm4b:s4+s11], $0x1, s2, s11, $0xb8;
	[tilespmem:$0x10600] =	vst v63  }
0x151: {  	s0 =	sadd.s32 $0xC880, s30;
	s2 =	sadd.s32 $0x4880, s30  }
0x152: {  	[tilespmem:s0], [sflag:$0x3] =	stream.indirect.gather [hbm4b:s1+s11], $0x1, s2, s11, $0xb8;
	[tilespmem:$0x10600] =	vst v63  }
0x153: {  	s0 =	sadd.s32 $0x8900, s30;
	s2 =	sadd.s32 $0x900, s30  }
0x154: {  	[tilespmem:s0], [sflag:$0x2] =	stream.indirect.gather [hbm4b:s4+s11], $0x1, s2, s11, $0xb8;
	[tilespmem:$0x10600] =	vst v63  }
0x155: {  	s0 =	sadd.s32 $0xC900, s30;
	s2 =	sadd.s32 $0x4900, s30  }
0x156: {  	[tilespmem:s0], [sflag:$0x3] =	stream.indirect.gather [hbm4b:s1+s11], $0x1, s2, s11, $0xb8;
	[tilespmem:$0x10600] =	vst v63  }
0x157: {  	s0 =	sadd.s32 $0x8980, s30;
	s2 =	sadd.s32 $0x980, s30  }
0x158: {  	[tilespmem:s0], [sflag:$0x2] =	stream.indirect.gather [hbm4b:s4+s11], $0x1, s2, s11, $0xb8;
	[tilespmem:$0x10600] =	vst v63  }
0x159: {  	s0 =	sadd.s32 $0xC980, s30;
	s2 =	sadd.s32 $0x4980, s30  }
0x15a: {  	[tilespmem:s0], [sflag:$0x3] =	stream.indirect.gather [hbm4b:s1+s11], $0x1, s2, s11, $0xb8;
	[tilespmem:$0x10600] =	vst v63  }
0x15b: {  	s0 =	sadd.s32 $0x8A00, s30;
	s2 =	sadd.s32 $0xA00, s30  }
0x15c: {  	[tilespmem:s0], [sflag:$0x2] =	stream.indirect.gather [hbm4b:s4+s11], $0x1, s2, s11, $0xb8;
	[tilespmem:$0x10600] =	vst v63  }
0x15d: {  	s0 =	sadd.s32 $0xCA00, s30;
	s2 =	sadd.s32 $0x4A00, s30  }
0x15e: {  	[tilespmem:s0], [sflag:$0x3] =	stream.indirect.gather [hbm4b:s1+s11], $0x1, s2, s11, $0xb8;
	[tilespmem:$0x10600] =	vst v63  }
0x15f: {  	s0 =	sadd.s32 $0x8A80, s30;
	s2 =	sadd.s32 $0xA80, s30  }
0x160: {  	[tilespmem:s0], [sflag:$0x2] =	stream.indirect.gather [hbm4b:s4+s11], $0x1, s2, s11, $0xb8;
	[tilespmem:$0x10600] =	vst v63  }
0x161: {  	s0 =	sadd.s32 $0xCA80, s30;
	s2 =	sadd.s32 $0x4A80, s30  }
0x162: {  	[tilespmem:s0], [sflag:$0x3] =	stream.indirect.gather [hbm4b:s1+s11], $0x1, s2, s11, $0xb8;
	[tilespmem:$0x10600] =	vst v63  }
0x163: {  	s0 =	sadd.s32 $0x8B00, s30;
	s2 =	sadd.s32 $0xB00, s30  }
0x164: {  	[tilespmem:s0], [sflag:$0x2] =	stream.indirect.gather [hbm4b:s4+s11], $0x1, s2, s11, $0xb8;
	[tilespmem:$0x10600] =	vst v63  }
0x165: {  	s0 =	sadd.s32 $0xCB00, s30;
	s2 =	sadd.s32 $0x4B00, s30  }
0x166: {  	[tilespmem:s0], [sflag:$0x3] =	stream.indirect.gather [hbm4b:s1+s11], $0x1, s2, s11, $0xb8;
	[tilespmem:$0x10600] =	vst v63  }
0x167: {  	s0 =	sadd.s32 $0x8B80, s30;
	s2 =	sadd.s32 $0xB80, s30  }
0x168: {  	[tilespmem:s0], [sflag:$0x2] =	stream.indirect.gather [hbm4b:s4+s11], $0x1, s2, s11, $0xb8;
	[tilespmem:$0x10600] =	vst v63  }
0x169: {  	s0 =	sadd.s32 $0xCB80, s30;
	s2 =	sadd.s32 $0x4B80, s30  }
0x16a: {  	[tilespmem:s0], [sflag:$0x3] =	stream.indirect.gather [hbm4b:s1+s11], $0x1, s2, s11, $0xb8;
	[tilespmem:$0x10600] =	vst v63  }
0x16b: {  	_ =	swait.ge [sflag:s22], $0x80  }
0x16c: {  	[sflag:s22] =	ssyncset.done $0x0  }
0x16d: {  	[sflag:s22] =	ssyncadd.s32 $0xFFFFFF80  }
0x16e: {  	_ =	swait.ge [sflag:s23], $0x80  }
0x16f: {  	[sflag:s23] =	ssyncset.done $0x0  }
0x170: {  	[sflag:s23] =	ssyncadd.s32 $0xFFFFFF80  }
0x171: {  	_ =	swait.ge [sflag:s22], $0x80  }
0x172: {  	[sflag:s22] =	ssyncset.done $0x0  }
0x173: {  	[sflag:s22] =	ssyncadd.s32 $0xFFFFFF80  }
0x174: {  	_ =	swait.ge [sflag:s23], $0x80  }
0x175: {  	[sflag:s23] =	ssyncset.done $0x0  }
0x176: {  	[sflag:s23] =	ssyncadd.s32 $0xFFFFFF80  }
0x177: {  	_ =	swait.ge [sflag:s22], $0x80  }
0x178: {  	[sflag:s22] =	ssyncset.done $0x0  }
0x179: {  	[sflag:s22] =	ssyncadd.s32 $0xFFFFFF80  }
0x17a: {  	_ =	swait.ge [sflag:s23], $0x80  }
0x17b: {  	[sflag:s23] =	ssyncset.done $0x0  }
0x17c: {  	[sflag:s23] =	ssyncadd.s32 $0xFFFFFF80  }
0x17d: {  	_ =	swait.ge [sflag:s22], $0x80  }
0x17e: {  	[sflag:s22] =	ssyncset.done $0x0  }
0x17f: {  	[sflag:s22] =	ssyncadd.s32 $0xFFFFFF80  }
0x180: {  	_ =	swait.ge [sflag:s23], $0x80  }
0x181: {  	[sflag:s23] =	ssyncset.done $0x0  }
0x182: {  	[sflag:s23] =	ssyncadd.s32 $0xFFFFFF80  }
0x183: {  	_ =	swait.ge [sflag:s22], $0x80  }
0x184: {  	[sflag:s22] =	ssyncset.done $0x0  }
0x185: {  	[sflag:s22] =	ssyncadd.s32 $0xFFFFFF80  }
0x186: {  	_ =	swait.ge [sflag:s23], $0x80  }
0x187: {  	[sflag:s23] =	ssyncset.done $0x0  }
0x188: {  	[sflag:s23] =	ssyncadd.s32 $0xFFFFFF80  }
0x189: {  	_ =	swait.ge [sflag:s22], $0x80  }
0x18a: {  	[sflag:s22] =	ssyncset.done $0x0  }
0x18b: {  	[sflag:s22] =	ssyncadd.s32 $0xFFFFFF80  }
0x18c: {  	_ =	swait.ge [sflag:s23], $0x80  }
0x18d: {  	[sflag:s23] =	ssyncset.done $0x0  }
0x18e: {  	[sflag:s23] =	ssyncadd.s32 $0xFFFFFF80  }
0x18f: {  	_ =	swait.ge [sflag:s22], $0x80  }
0x190: {  	[sflag:s22] =	ssyncset.done $0x0  }
0x191: {  	[sflag:s22] =	ssyncadd.s32 $0xFFFFFF80  }
0x192: {  	_ =	swait.ge [sflag:s23], $0x80  }
0x193: {  	[sflag:s23] =	ssyncset.done $0x0  }
0x194: {  	[sflag:s23] =	ssyncadd.s32 $0xFFFFFF80  }
.Ltmp1:
0x195: {  	_ =	swait.ge [sflag:s22], $0x80;
	(pc) =	sbr.rel @p0 .LBB2_4-.Ltmp1, $4  }
0x196: {  	[sflag:s22] =	ssyncset.done $0x0  }
0x197: {  	[sflag:s22] =	ssyncadd.s32 $0xFFFFFF80  }
0x198: {  	_ =	swait.ge [sflag:s23], $0x80  }
0x199: {  	s29 =	smov.u32 s31;
	s30 =	sshra.s32 s28, $0x2;
	[sflag:s23] =	ssyncset.done $0x0  }
0x19a: {  	s0 =	sadd.s32 $0x8800, s30;
	s2 =	sadd.s32 $0x800, s30;
	[sflag:s23] =	ssyncadd.s32 $0xFFFFFF80  }
0x19b: {  	[tilespmem:s0], [sflag:$0x2] =	stream.indirect.gather [hbm4b:s4+s11], $0x1, s2, s11, $0xb8;
	[tilespmem:$0x10600] =	vst v63  }
0x19c: {  	s31 =	sadd.s32 $0x4800, s30;
	s2 =	sadd.s32 $0xC800, s30  }
0x19d: {  	[tilespmem:s2], [sflag:$0x3] =	stream.indirect.gather [hbm4b:s1+s11], $0x1, s31, s11, $0xb8;
	[tilespmem:$0x10600] =	vst v63  }
0x19e: {  	s2 =	sadd.s32 $0x8880, s30;
	s31 =	sadd.s32 $0x880, s30  }
0x19f: {  	[tilespmem:s2], [sflag:$0x2] =	stream.indirect.gather [hbm4b:s4+s11], $0x1, s31, s11, $0xb8;
	[tilespmem:$0x10600] =	vst v63  }
0x1a0: {  	s2 =	sadd.s32 $0xC880, s30;
	s31 =	sadd.s32 $0x4880, s30  }
0x1a1: {  	[tilespmem:s2], [sflag:$0x3] =	stream.indirect.gather [hbm4b:s1+s11], $0x1, s31, s11, $0xb8;
	[tilespmem:$0x10600] =	vst v63  }
0x1a2: {  	s2 =	sadd.s32 $0x8900, s30;
	s31 =	sadd.s32 $0x900, s30  }
0x1a3: {  	[tilespmem:s2], [sflag:$0x2] =	stream.indirect.gather [hbm4b:s4+s11], $0x1, s31, s11, $0xb8;
	[tilespmem:$0x10600] =	vst v63  }
0x1a4: {  	s2 =	sadd.s32 $0xC900, s30;
	s31 =	sadd.s32 $0x4900, s30  }
0x1a5: {  	[tilespmem:s2], [sflag:$0x3] =	stream.indirect.gather [hbm4b:s1+s11], $0x1, s31, s11, $0xb8;
	[tilespmem:$0x10600] =	vst v63  }
0x1a6: {  	s2 =	sadd.s32 $0x8980, s30;
	s31 =	sadd.s32 $0x980, s30  }
0x1a7: {  	[tilespmem:s2], [sflag:$0x2] =	stream.indirect.gather [hbm4b:s4+s11], $0x1, s31, s11, $0xb8;
	[tilespmem:$0x10600] =	vst v63  }
0x1a8: {  	s2 =	sadd.s32 $0xC980, s30;
	s31 =	sadd.s32 $0x4980, s30  }
0x1a9: {  	[tilespmem:s2], [sflag:$0x3] =	stream.indirect.gather [hbm4b:s1+s11], $0x1, s31, s11, $0xb8;
	[tilespmem:$0x10600] =	vst v63  }
0x1aa: {  	s2 =	sadd.s32 $0x8A00, s30;
	s31 =	sadd.s32 $0xA00, s30  }
0x1ab: {  	[tilespmem:s2], [sflag:$0x2] =	stream.indirect.gather [hbm4b:s4+s11], $0x1, s31, s11, $0xb8;
	[tilespmem:$0x10600] =	vst v63  }
0x1ac: {  	s2 =	sadd.s32 $0xCA00, s30;
	s31 =	sadd.s32 $0x4A00, s30  }
0x1ad: {  	[tilespmem:s2], [sflag:$0x3] =	stream.indirect.gather [hbm4b:s1+s11], $0x1, s31, s11, $0xb8;
	[tilespmem:$0x10600] =	vst v63  }
0x1ae: {  	s2 =	sadd.s32 $0x8A80, s30;
	s31 =	sadd.s32 $0xA80, s30  }
0x1af: {  	[tilespmem:s2], [sflag:$0x2] =	stream.indirect.gather [hbm4b:s4+s11], $0x1, s31, s11, $0xb8;
	[tilespmem:$0x10600] =	vst v63  }
0x1b0: {  	s2 =	sadd.s32 $0xCA80, s30;
	s31 =	sadd.s32 $0x4A80, s30  }
0x1b1: {  	[tilespmem:s2], [sflag:$0x3] =	stream.indirect.gather [hbm4b:s1+s11], $0x1, s31, s11, $0xb8;
	[tilespmem:$0x10600] =	vst v63  }
0x1b2: {  	s2 =	sadd.s32 $0x8B00, s30;
	s31 =	sadd.s32 $0xB00, s30  }
0x1b3: {  	[tilespmem:s2], [sflag:$0x2] =	stream.indirect.gather [hbm4b:s4+s11], $0x1, s31, s11, $0xb8;
	[tilespmem:$0x10600] =	vst v63  }
0x1b4: {  	s2 =	sadd.s32 $0xCB00, s30;
	s31 =	sadd.s32 $0x4B00, s30  }
0x1b5: {  	[tilespmem:s2], [sflag:$0x3] =	stream.indirect.gather [hbm4b:s1+s11], $0x1, s31, s11, $0xb8;
	[tilespmem:$0x10600] =	vst v63  }
0x1b6: {  	s2 =	sadd.s32 $0x8B80, s30;
	s31 =	sadd.s32 $0xB80, s30  }
0x1b7: {  	[tilespmem:s2], [sflag:$0x2] =	stream.indirect.gather [hbm4b:s4+s11], $0x1, s31, s11, $0xb8;
	[tilespmem:$0x10600] =	vst v63  }
0x1b8: {  	s2 =	sadd.s32 $0xCB80, s30;
	s31 =	sadd.s32 $0x4B80, s30  }
0x1b9: {  	[tilespmem:s2], [sflag:$0x3] =	stream.indirect.gather [hbm4b:s1+s11], $0x1, s31, s11, $0xb8;
	[tilespmem:$0x10600] =	vst v63  }
0x1ba: {  	_ =	swait.ge [sflag:s22], $0x80  }
0x1bb: {  	[sflag:s22] =	ssyncset.done $0x0  }
0x1bc: {  	[sflag:s22] =	ssyncadd.s32 $0xFFFFFF80  }
0x1bd: {  	_ =	swait.ge [sflag:s23], $0x80  }
0x1be: {  	[sflag:s23] =	ssyncset.done $0x0  }
0x1bf: {  	[sflag:s23] =	ssyncadd.s32 $0xFFFFFF80  }
0x1c0: {  	_ =	swait.ge [sflag:s22], $0x80  }
0x1c1: {  	[sflag:s22] =	ssyncset.done $0x0  }
0x1c2: {  	[sflag:s22] =	ssyncadd.s32 $0xFFFFFF80  }
0x1c3: {  	_ =	swait.ge [sflag:s23], $0x80  }
0x1c4: {  	[sflag:s23] =	ssyncset.done $0x0  }
0x1c5: {  	[sflag:s23] =	ssyncadd.s32 $0xFFFFFF80  }
0x1c6: {  	_ =	swait.ge [sflag:s22], $0x80  }
0x1c7: {  	[sflag:s22] =	ssyncset.done $0x0  }
0x1c8: {  	[sflag:s22] =	ssyncadd.s32 $0xFFFFFF80  }
0x1c9: {  	_ =	swait.ge [sflag:s23], $0x80  }
0x1ca: {  	[sflag:s23] =	ssyncset.done $0x0  }
0x1cb: {  	[sflag:s23] =	ssyncadd.s32 $0xFFFFFF80  }
0x1cc: {  	_ =	swait.ge [sflag:s22], $0x80  }
0x1cd: {  	[sflag:s22] =	ssyncset.done $0x0  }
0x1ce: {  	[sflag:s22] =	ssyncadd.s32 $0xFFFFFF80  }
0x1cf: {  	_ =	swait.ge [sflag:s23], $0x80  }
0x1d0: {  	[sflag:s23] =	ssyncset.done $0x0  }
0x1d1: {  	[sflag:s23] =	ssyncadd.s32 $0xFFFFFF80  }
0x1d2: {  	_ =	swait.ge [sflag:s22], $0x80  }
0x1d3: {  	[sflag:s22] =	ssyncset.done $0x0  }
0x1d4: {  	[sflag:s22] =	ssyncadd.s32 $0xFFFFFF80  }
0x1d5: {  	_ =	swait.ge [sflag:s23], $0x80  }
0x1d6: {  	[sflag:s23] =	ssyncset.done $0x0  }
0x1d7: {  	[sflag:s23] =	ssyncadd.s32 $0xFFFFFF80  }
0x1d8: {  	_ =	swait.ge [sflag:s22], $0x80  }
0x1d9: {  	[sflag:s22] =	ssyncset.done $0x0  }
0x1da: {  	[sflag:s22] =	ssyncadd.s32 $0xFFFFFF80  }
0x1db: {  	_ =	swait.ge [sflag:s23], $0x80  }
0x1dc: {  	[sflag:s23] =	ssyncset.done $0x0  }
0x1dd: {  	[sflag:s23] =	ssyncadd.s32 $0xFFFFFF80  }
0x1de: {  	_ =	swait.ge [sflag:s22], $0x80  }
0x1df: {  	[sflag:s22] =	ssyncset.done $0x0  }
0x1e0: {  	[sflag:s22] =	ssyncadd.s32 $0xFFFFFF80  }
0x1e1: {  	_ =	swait.ge [sflag:s23], $0x80  }
0x1e2: {  	[sflag:s23] =	ssyncset.done $0x0  }
0x1e3: {  	[sflag:s23] =	ssyncadd.s32 $0xFFFFFF80  }
0x1e4: {  	_ =	swait.ge [sflag:s22], $0x80  }
0x1e5: {  	[sflag:s22] =	ssyncset.done $0x0  }
0x1e6: {  	[sflag:s22] =	ssyncadd.s32 $0xFFFFFF80  }
0x1e7: {  	_ =	swait.ge [sflag:s23], $0x80  }
0x1e8: {  	[sflag:s23] =	ssyncset.done $0x0  }
0x1e9: {  	[sflag:s23] =	ssyncadd.s32 $0xFFFFFF80  }
0x1ea: {  	_ =	swait.ge [sflag:s22], $0x80  }
0x1eb: {  	[sflag:s22] =	ssyncset.done $0x0  }
0x1ec: {  	[sflag:s22] =	ssyncadd.s32 $0xFFFFFF80  }
0x1ed: {  	_ =	swait.ge [sflag:s23], $0x80  }
0x1ee: {  	[sflag:s23] =	ssyncset.done $0x0  }
0x1ef: {  	[sflag:s23] =	ssyncadd.s32 $0xFFFFFF80  }
0x1f0: {  	_ =	swait.ge [sflag:s22], $0x80  }
0x1f1: {  	[sflag:s22] =	ssyncset.done $0x0  }
0x1f2: {  	[sflag:s22] =	ssyncadd.s32 $0xFFFFFF80  }
0x1f3: {  	_ =	swait.ge [sflag:s23], $0x80  }
0x1f4: {  	[sflag:s23] =	ssyncset.done $0x0  }
0x1f5: {  	[sflag:s23] =	ssyncadd.s32 $0xFFFFFF80  }
0x1f6: {  	_ =	swait.ge [sflag:s22], $0x80  }
0x1f7: {  	[sflag:s22] =	ssyncset.done $0x0  }
0x1f8: {  	[sflag:s22] =	ssyncadd.s32 $0xFFFFFF80  }
0x1f9: {  	_ =	swait.ge [sflag:s23], $0x80  }
0x1fa: {  	[sflag:s23] =	ssyncset.done $0x0  }
0x1fb: {  	[sflag:s23] =	ssyncadd.s32 $0xFFFFFF80  }
0x1fc: {  	_ =	swait.ge [sflag:s22], $0x80  }
0x1fd: {  	[sflag:s22] =	ssyncset.done $0x0  }
0x1fe: {  	[sflag:s22] =	ssyncadd.s32 $0xFFFFFF80  }
0x1ff: {  	_ =	swait.ge [sflag:s23], $0x80  }
0x200: {  	[sflag:s23] =	ssyncset.done $0x0  }
0x201: {  	[sflag:s23] =	ssyncadd.s32 $0xFFFFFF80  }
0x202: {  	_ =	swait.ge [sflag:s22], $0x80  }
0x203: {  	[sflag:s22] =	ssyncset.done $0x0  }
0x204: {  	[sflag:s22] =	ssyncadd.s32 $0xFFFFFF80  }
0x205: {  	_ =	swait.ge [sflag:s23], $0x80  }
0x206: {  	[sflag:s23] =	ssyncset.done $0x0  }
0x207: {  	[sflag:s23] =	ssyncadd.s32 $0xFFFFFF80  }
0x208: {  	_ =	swait.ge [sflag:s22], $0x80  }
0x209: {  	[sflag:s22] =	ssyncset.done $0x0  }
0x20a: {  	[sflag:s22] =	ssyncadd.s32 $0xFFFFFF80  }
0x20b: {  	_ =	swait.ge [sflag:s23], $0x80  }
0x20c: {  	[sflag:s23] =	ssyncset.done $0x0  }
0x20d: {  	[sflag:s23] =	ssyncadd.s32 $0xFFFFFF80  }
0x20e: {  	_ =	swait.ge [sflag:s22], $0x80  }
0x20f: {  	[sflag:s22] =	ssyncset.done $0x0  }
0x210: {  	[sflag:s22] =	ssyncadd.s32 $0xFFFFFF80  }
0x211: {  	_ =	swait.ge [sflag:s23], $0x80  }
0x212: {  	[sflag:s23] =	ssyncset.done $0x0  }
0x213: {  	[sflag:s23] =	ssyncadd.s32 $0xFFFFFF80  }
0x214: {  	_ =	swait.ge [sflag:s22], $0x80  }
0x215: {  	[sflag:s22] =	ssyncset.done $0x0  }
0x216: {  	[sflag:s22] =	ssyncadd.s32 $0xFFFFFF80  }
0x217: {  	_ =	swait.ge [sflag:s23], $0x80  }
0x218: {  	[sflag:s23] =	ssyncset.done $0x0  }
0x219: {  	s28 =	simm.s32 $0x0;
	[sflag:s23] =	ssyncadd.s32 $0xFFFFFF80  }
0x21a: {  	v0 =	vld [tilespmem:s28+$0x8400]  }
0x21b: {  	v1 =	vld [tilespmem:s28+$0xC400]  }
0x21c: {  	v2 =	vld [tilespmem:s28+$0x8600]  }
0x21d: {  	v3 =	vld [tilespmem:s28+$0xC600]  }
0x21e: {  	v4 =	vld [tilespmem:s28+$0x8800]  }
0x21f: {  	v5 =	vld [tilespmem:s28+$0xC800]  }
0x220: {  	v6 =	vld [tilespmem:s28+$0x8A00]  }
0x221: {  	v7 =	vld [tilespmem:s28+$0xCA00]  }
0x222: {  	v0 =	vmul.f32 v1, v0;
	v1 =	vmul.f32 v3, v2;
	v2 =	vld [tilespmem:s28+$0x8C00]  }
0x223: {  	v3 =	vld [tilespmem:s28+$0xCC00]  }
0x224: {  	v0 =	vadd.f32 v1, v0;
	v1 =	vmul.f32 v5, v4;
	v4 =	vld [tilespmem:s28+$0x8E00]  }
0x225: {  	v5 =	vld [tilespmem:s28+$0xCE00]  }
0x226: {  	v0 =	vadd.f32 v1, v0;
	v1 =	vmul.f32 v7, v6;
	v6 =	vld [tilespmem:s28+$0x9000]  }
0x227: {  	v7 =	vld [tilespmem:s28+$0xD000]  }
0x228: {  	v0 =	vadd.f32 v1, v0;
	v1 =	vmul.f32 v3, v2;
	v2 =	vld [tilespmem:s28+$0x9200]  }
0x229: {  	v3 =	vld [tilespmem:s28+$0xD200]  }
0x22a: {  	v0 =	vadd.f32 v1, v0;
	v1 =	vmul.f32 v5, v4;
	v4 =	vld [tilespmem:s28+$0x9400]  }
0x22b: {  	v5 =	vld [tilespmem:s28+$0xD400]  }
0x22c: {  	v0 =	vadd.f32 v1, v0;
	v1 =	vmul.f32 v7, v6;
	v6 =	vld [tilespmem:s28+$0x9600]  }
0x22d: {  	v7 =	vld [tilespmem:s28+$0xD600]  }
0x22e: {  	v0 =	vadd.f32 v1, v0;
	v1 =	vmul.f32 v3, v2;
	v2 =	vld [tilespmem:s28+$0x9800]  }
0x22f: {  	v3 =	vld [tilespmem:s28+$0xD800]  }
0x230: {  	v0 =	vadd.f32 v1, v0;
	v1 =	vmul.f32 v5, v4;
	v4 =	vld [tilespmem:s28+$0x9A00]  }
0x231: {  	v5 =	vld [tilespmem:s28+$0xDA00]  }
0x232: {  	v0 =	vadd.f32 v1, v0;
	v1 =	vmul.f32 v7, v6;
	v6 =	vld [tilespmem:s28+$0x9C00]  }
0x233: {  	v7 =	vld [tilespmem:s28+$0xDC00]  }
0x234: {  	v0 =	vadd.f32 v1, v0;
	v1 =	vmul.f32 v3, v2;
	v2 =	vld [tilespmem:s28+$0x9E00]  }
0x235: {  	v3 =	vld [tilespmem:s28+$0xDE00]  }
0x236: {  	v0 =	vadd.f32 v1, v0;
	v1 =	vmul.f32 v5, v4;
	v4 =	vld [tilespmem:s28+$0xA000]  }
0x237: {  	v5 =	vld [tilespmem:s28+$0xE000]  }
0x238: {  	v0 =	vadd.f32 v1, v0;
	v1 =	vmul.f32 v7, v6;
	v6 =	vld [tilespmem:s28+$0xA200]  }
0x239: {  	v7 =	vld [tilespmem:s28+$0xE200]  }
0x23a: {  	v0 =	vadd.f32 v1, v0;
	v1 =	vmul.f32 v3, v2;
	v2 =	vld [tilespmem:s28+$0xA400]  }
0x23b: {  	v3 =	vld [tilespmem:s28+$0xE400]  }
0x23c: {  	v0 =	vadd.f32 v1, v0;
	v1 =	vmul.f32 v5, v4;
	v4 =	vld [tilespmem:s28+$0xA600]  }
0x23d: {  	v5 =	vld [tilespmem:s28+$0xE600]  }
0x23e: {  	v0 =	vadd.f32 v1, v0;
	v1 =	vmul.f32 v7, v6;
	v6 =	vld [tilespmem:s28+$0xA800]  }
0x23f: {  	v7 =	vld [tilespmem:s28+$0xE800]  }
0x240: {  	v0 =	vadd.f32 v1, v0;
	v1 =	vmul.f32 v3, v2;
	v2 =	vld [tilespmem:s28+$0xAA00]  }
0x241: {  	v3 =	vld [tilespmem:s28+$0xEA00]  }
0x242: {  	v0 =	vadd.f32 v1, v0;
	v1 =	vmul.f32 v5, v4;
	v4 =	vld [tilespmem:s28+$0xAC00]  }
0x243: {  	v5 =	vld [tilespmem:s28+$0xEC00]  }
0x244: {  	v0 =	vadd.f32 v1, v0;
	v1 =	vmul.f32 v7, v6;
	v6 =	vld [tilespmem:s28+$0xAE00]  }
0x245: {  	v7 =	vld [tilespmem:s28+$0xEE00]  }
0x246: {  	v0 =	vadd.f32 v1, v0;
	v1 =	vmul.f32 v3, v2;
	v2 =	vld [tilespmem:s28+$0xB000]  }
0x247: {  	v3 =	vld [tilespmem:s28+$0xF000]  }
0x248: {  	v0 =	vadd.f32 v1, v0;
	v1 =	vmul.f32 v5, v4;
	v4 =	vld [tilespmem:s28+$0xB200]  }
0x249: {  	v5 =	vld [tilespmem:s28+$0xF200]  }
0x24a: {  	v0 =	vadd.f32 v1, v0;
	v1 =	vmul.f32 v7, v6;
	v6 =	vld [tilespmem:s28+$0xB400]  }
0x24b: {  	v7 =	vld [tilespmem:s28+$0xF400]  }
0x24c: {  	v0 =	vadd.f32 v1, v0;
	v1 =	vmul.f32 v3, v2;
	v2 =	vld [tilespmem:s28+$0xB600]  }
0x24d: {  	v3 =	vld [tilespmem:s28+$0xF600]  }
0x24e: {  	v0 =	vadd.f32 v1, v0;
	v1 =	vmul.f32 v5, v4;
	v4 =	vld [tilespmem:s28+$0xB800]  }
0x24f: {  	v5 =	vld [tilespmem:s28+$0xF800]  }
0x250: {  	v0 =	vadd.f32 v1, v0;
	v1 =	vmul.f32 v7, v6;
	v6 =	vld [tilespmem:s28+$0xBA00]  }
0x251: {  	v7 =	vld [tilespmem:s28+$0xFA00]  }
0x252: {  	v0 =	vadd.f32 v1, v0;
	v1 =	vmul.f32 v3, v2;
	v2 =	vld [tilespmem:s28+$0xBC00]  }
0x253: {  	v3 =	vld [tilespmem:s28+$0xFC00]  }
0x254: {  	v8 =	vld [tilespmem:s28+$0xFE00];
	v0 =	vadd.f32 v1, v0;
	v1 =	vmul.f32 v5, v4  }
0x255: {  	v5 =	vld [tilespmem:s28+$0xBE00]  }
0x256: {  	v0 =	vadd.f32 v1, v0;
	v1 =	vmul.f32 v7, v6;
	v6 =	vld [tilespmem:s28+$0xC000]  }
0x257: {  	v7 =	vld [tilespmem:s28+$0x10000]  }
0x258: {  	v4 =	vld [tilespmem:s28+$0x10200];
	v2 =	vmul.f32 v3, v2;
	v9 =	vadd.f32 v1, v0  }
0x259: {  	s30 =	simm.s32 $0x10;
	v1 =	vld [tilespmem:s28+$0xC200]  }
0x25a: {  	v3 =	vld [tilespmem:s30+$0x8600];
	v5 =	vmul.f32 v8, v5;
	v9 =	vadd.f32 v2, v9  }
0x25b: {  	v0 =	vld [tilespmem:s30+$0x8400]  }
0x25c: {  	s29 =	simm.s32 $0x80;
	v2 =	vld [tilespmem:s30+$0xC400];
	v6 =	vmul.f32 v7, v6;
	v5 =	vadd.f32 v5, v9  }
.LBB2_6:
0x25d: {  	p0 =	sne.s32 s29, $0x7C0;
	v7 =	vld [tilespmem:s30+$0xC600]  }
0x25e: {  	v8 =	vld [tilespmem:s30+$0x8800];
	v5 =	vadd.f32 v6, v5;
	v1 =	vmul.f32 v4, v1  }
0x25f: {  	v4 =	vld [tilespmem:s30+$0xC800]  }
0x260: {  	v6 =	vld [tilespmem:s30+$0x8A00];
	v1 =	vadd.f32 v1, v5  }
0x261: {  	v5 =	vld [tilespmem:s30+$0xCA00]  }
0x262: {  	v0 =	vmul.f32 v2, v0;
	v2 =	vmul.f32 v7, v3;
	v3 =	vld [tilespmem:s30+$0x8C00];
	[tilespmem:s28+$0x10400] =	vst v1;
	s28 =	smov.u32 s30  }
0x263: {  	v1 =	vld [tilespmem:s28+$0xCC00]  }
0x264: {  	v0 =	vadd.f32 v2, v0;
	v2 =	vmul.f32 v4, v8;
	v4 =	vld [tilespmem:s28+$0x8E00]  }
0x265: {  	v7 =	vld [tilespmem:s28+$0xCE00]  }
0x266: {  	v0 =	vadd.f32 v2, v0;
	v2 =	vmul.f32 v5, v6;
	v5 =	vld [tilespmem:s28+$0x9000]  }
0x267: {  	v6 =	vld [tilespmem:s28+$0xD000]  }
0x268: {  	v0 =	vadd.f32 v2, v0;
	v1 =	vmul.f32 v1, v3;
	v2 =	vld [tilespmem:s28+$0x9200]  }
0x269: {  	v3 =	vld [tilespmem:s28+$0xD200]  }
0x26a: {  	v0 =	vadd.f32 v1, v0;
	v1 =	vmul.f32 v7, v4;
	v4 =	vld [tilespmem:s28+$0x9400]  }
0x26b: {  	v7 =	vld [tilespmem:s28+$0xD400]  }
0x26c: {  	v0 =	vadd.f32 v1, v0;
	v1 =	vmul.f32 v6, v5;
	v5 =	vld [tilespmem:s28+$0x9600]  }
0x26d: {  	v6 =	vld [tilespmem:s28+$0xD600]  }
0x26e: {  	v0 =	vadd.f32 v1, v0;
	v1 =	vmul.f32 v3, v2;
	v2 =	vld [tilespmem:s28+$0x9800]  }
0x26f: {  	v3 =	vld [tilespmem:s28+$0xD800]  }
0x270: {  	v0 =	vadd.f32 v1, v0;
	v1 =	vmul.f32 v7, v4;
	v4 =	vld [tilespmem:s28+$0x9A00]  }
0x271: {  	v7 =	vld [tilespmem:s28+$0xDA00]  }
0x272: {  	v0 =	vadd.f32 v1, v0;
	v1 =	vmul.f32 v6, v5;
	v5 =	vld [tilespmem:s28+$0x9C00]  }
0x273: {  	v6 =	vld [tilespmem:s28+$0xDC00]  }
0x274: {  	v0 =	vadd.f32 v1, v0;
	v1 =	vmul.f32 v3, v2;
	v2 =	vld [tilespmem:s28+$0x9E00]  }
0x275: {  	v3 =	vld [tilespmem:s28+$0xDE00]  }
0x276: {  	v0 =	vadd.f32 v1, v0;
	v1 =	vmul.f32 v7, v4;
	v4 =	vld [tilespmem:s28+$0xA000]  }
0x277: {  	v7 =	vld [tilespmem:s28+$0xE000]  }
0x278: {  	v0 =	vadd.f32 v1, v0;
	v1 =	vmul.f32 v6, v5;
	v5 =	vld [tilespmem:s28+$0xA200]  }
0x279: {  	v6 =	vld [tilespmem:s28+$0xE200]  }
0x27a: {  	v0 =	vadd.f32 v1, v0;
	v1 =	vmul.f32 v3, v2;
	v2 =	vld [tilespmem:s28+$0xA400]  }
0x27b: {  	v3 =	vld [tilespmem:s28+$0xE400]  }
0x27c: {  	v0 =	vadd.f32 v1, v0;
	v1 =	vmul.f32 v7, v4;
	v4 =	vld [tilespmem:s28+$0xA600]  }
0x27d: {  	v7 =	vld [tilespmem:s28+$0xE600]  }
0x27e: {  	v0 =	vadd.f32 v1, v0;
	v1 =	vmul.f32 v6, v5;
	v5 =	vld [tilespmem:s28+$0xA800]  }
0x27f: {  	v6 =	vld [tilespmem:s28+$0xE800]  }
0x280: {  	v0 =	vadd.f32 v1, v0;
	v1 =	vmul.f32 v3, v2;
	v2 =	vld [tilespmem:s28+$0xAA00]  }
0x281: {  	v3 =	vld [tilespmem:s28+$0xEA00]  }
0x282: {  	v0 =	vadd.f32 v1, v0;
	v1 =	vmul.f32 v7, v4;
	v4 =	vld [tilespmem:s28+$0xAC00]  }
0x283: {  	v7 =	vld [tilespmem:s28+$0xEC00]  }
0x284: {  	v0 =	vadd.f32 v1, v0;
	v1 =	vmul.f32 v6, v5;
	v5 =	vld [tilespmem:s28+$0xAE00]  }
0x285: {  	v6 =	vld [tilespmem:s28+$0xEE00]  }
0x286: {  	v0 =	vadd.f32 v1, v0;
	v1 =	vmul.f32 v3, v2;
	v2 =	vld [tilespmem:s28+$0xB000]  }
0x287: {  	v3 =	vld [tilespmem:s28+$0xF000]  }
0x288: {  	v0 =	vadd.f32 v1, v0;
	v1 =	vmul.f32 v7, v4;
	v4 =	vld [tilespmem:s28+$0xB200]  }
0x289: {  	v7 =	vld [tilespmem:s28+$0xF200]  }
0x28a: {  	v0 =	vadd.f32 v1, v0;
	v1 =	vmul.f32 v6, v5;
	v5 =	vld [tilespmem:s28+$0xB400]  }
0x28b: {  	v6 =	vld [tilespmem:s28+$0xF400]  }
0x28c: {  	v0 =	vadd.f32 v1, v0;
	v1 =	vmul.f32 v3, v2;
	v2 =	vld [tilespmem:s28+$0xB600]  }
0x28d: {  	v3 =	vld [tilespmem:s28+$0xF600]  }
0x28e: {  	v0 =	vadd.f32 v1, v0;
	v1 =	vmul.f32 v7, v4;
	v4 =	vld [tilespmem:s28+$0xB800]  }
0x28f: {  	v7 =	vld [tilespmem:s28+$0xF800]  }
0x290: {  	v0 =	vadd.f32 v1, v0;
	v1 =	vmul.f32 v6, v5;
	v5 =	vld [tilespmem:s28+$0xBA00]  }
0x291: {  	v6 =	vld [tilespmem:s28+$0xFA00]  }
0x292: {  	v0 =	vadd.f32 v1, v0;
	v1 =	vmul.f32 v3, v2;
	v2 =	vld [tilespmem:s28+$0xBC00]  }
0x293: {  	v3 =	vld [tilespmem:s28+$0xFC00]  }
0x294: {  	v0 =	vadd.f32 v1, v0;
	v1 =	vmul.f32 v7, v4;
	v7 =	vld [tilespmem:s28+$0xBE00]  }
0x295: {  	v8 =	vld [tilespmem:s28+$0xFE00]  }
0x296: {  	v0 =	vadd.f32 v1, v0;
	v1 =	vmul.f32 v6, v5;
	v6 =	vld [tilespmem:s28+$0xC000]  }
0x297: {  	v9 =	vld [tilespmem:s28+$0x10000]  }
.Ltmp2:
0x298: {  	v5 =	vadd.f32 v1, v0;
	v2 =	vmul.f32 v3, v2;
	v1 =	vld [tilespmem:s28+$0xC200];
	(pc) =	sbr.rel @p0 .LBB2_6-.Ltmp2, $4  }
0x299: {  	s30 =	sshra.s32 s29, $0x2;
	v4 =	vld [tilespmem:s28+$0x10200]  }
0x29a: {  	v0 =	vld [tilespmem:s30+$0x8400];
	v5 =	vadd.f32 v2, v5;
	v7 =	vmul.f32 v8, v7  }
0x29b: {  	v2 =	vld [tilespmem:s30+$0xC400]  }
0x29c: {  	s29 =	sadd.s32 $0x40, s29;
	v3 =	vld [tilespmem:s30+$0x8600];
	v5 =	vadd.f32 v7, v5;
	v6 =	vmul.f32 v9, v6  }
0x29d: {  	v7 =	vld [tilespmem:s30+$0xC600]  }
0x29e: {  	v8 =	vld [tilespmem:s30+$0x8800];
	v5 =	vadd.f32 v6, v5;
	v1 =	vmul.f32 v4, v1  }
0x29f: {  	v32 =	vld [tilespmem:s30+$0xC800]  }
0x2a0: {  	v33 =	vld [tilespmem:s30+$0x8A00];
	v1 =	vadd.f32 v1, v5  }
0x2a1: {  	v34 =	vld [tilespmem:s30+$0xCA00]  }
0x2a2: {  	v9 =	vld [tilespmem:s30+$0x8C00];
	v0 =	vmul.f32 v2, v0;
	v35 =	vmul.f32 v7, v3;
	[tilespmem:s28+$0x10400] =	vst v1  }
0x2a3: {  	v1 =	vld [tilespmem:s30+$0xCC00]  }
0x2a4: {  	v36 =	vmul.f32 v32, v8;
	v37 =	vld [tilespmem:s30+$0x8E00];
	v0 =	vadd.f32 v35, v0  }
0x2a5: {  	v38 =	vld [tilespmem:s30+$0xCE00]  }
0x2a6: {  	v39 =	vmul.f32 v34, v33;
	v40 =	vld [tilespmem:s30+$0x9000];
	v0 =	vadd.f32 v36, v0  }
0x2a7: {  	v41 =	vld [tilespmem:s30+$0xD000]  }
0x2a8: {  	v42 =	vld [tilespmem:s30+$0x9200];
	v0 =	vadd.f32 v39, v0;
	v1 =	vmul.f32 v1, v9  }
0x2a9: {  	v43 =	vld [tilespmem:s30+$0xD200]  }
0x2aa: {  	v45 =	vld [tilespmem:s30+$0x9400];
	v44 =	vmul.f32 v38, v37;
	v0 =	vadd.f32 v1, v0  }
0x2ab: {  	v46 =	vld [tilespmem:s30+$0xD400]  }
0x2ac: {  	v48 =	vld [tilespmem:s30+$0x9600];
	v47 =	vmul.f32 v41, v40;
	v0 =	vadd.f32 v44, v0  }
0x2ad: {  	v49 =	vld [tilespmem:s30+$0xD600]  }
0x2ae: {  	v51 =	vld [tilespmem:s30+$0x9800];
	v50 =	vmul.f32 v43, v42;
	v0 =	vadd.f32 v47, v0  }
0x2af: {  	v52 =	vld [tilespmem:s30+$0xD800]  }
0x2b0: {  	v54 =	vld [tilespmem:s30+$0x9A00];
	v53 =	vmul.f32 v46, v45;
	v0 =	vadd.f32 v50, v0  }
0x2b1: {  	v55 =	vld [tilespmem:s30+$0xDA00]  }
0x2b2: {  	v57 =	vld [tilespmem:s30+$0x9C00];
	v56 =	vmul.f32 v49, v48;
	v0 =	vadd.f32 v53, v0  }
0x2b3: {  	v58 =	vld [tilespmem:s30+$0xDC00]  }
0x2b4: {  	v60 =	vld [tilespmem:s30+$0x9E00];
	v59 =	vmul.f32 v52, v51;
	v0 =	vadd.f32 v56, v0  }
0x2b5: {  	v61 =	vld [tilespmem:s30+$0xDE00]  }
0x2b6: {  	v63 =	vld [tilespmem:s30+$0xA000];
	v62 =	vmul.f32 v55, v54;
	v0 =	vadd.f32 v59, v0  }
0x2b7: {  	v9 =	vld [tilespmem:s30+$0xE000]  }
0x2b8: {  	v11 =	vld [tilespmem:s30+$0xA200];
	v10 =	vmul.f32 v58, v57;
	v0 =	vadd.f32 v62, v0  }
0x2b9: {  	v12 =	vld [tilespmem:s30+$0xE200]  }
0x2ba: {  	v14 =	vld [tilespmem:s30+$0xA400];
	v13 =	vmul.f32 v61, v60;
	v0 =	vadd.f32 v10, v0  }
0x2bb: {  	v15 =	vld [tilespmem:s30+$0xE400]  }
0x2bc: {  	v17 =	vld [tilespmem:s30+$0xA600];
	v16 =	vmul.f32 v9, v63;
	v0 =	vadd.f32 v13, v0  }
0x2bd: {  	v18 =	vld [tilespmem:s30+$0xE600]  }
0x2be: {  	v20 =	vld [tilespmem:s30+$0xA800];
	v19 =	vmul.f32 v12, v11;
	v0 =	vadd.f32 v16, v0  }
0x2bf: {  	v21 =	vld [tilespmem:s30+$0xE800]  }
0x2c0: {  	v23 =	vld [tilespmem:s30+$0xAA00];
	v22 =	vmul.f32 v15, v14;
	v0 =	vadd.f32 v19, v0  }
0x2c1: {  	v24 =	vld [tilespmem:s30+$0xEA00]  }
0x2c2: {  	v26 =	vld [tilespmem:s30+$0xAC00];
	v25 =	vmul.f32 v18, v17;
	v0 =	vadd.f32 v22, v0  }
0x2c3: {  	v27 =	vld [tilespmem:s30+$0xEC00]  }
0x2c4: {  	v29 =	vld [tilespmem:s30+$0xAE00];
	v28 =	vmul.f32 v21, v20;
	v0 =	vadd.f32 v25, v0  }
0x2c5: {  	v30 =	vld [tilespmem:s30+$0xEE00]  }
0x2c6: {  	v32 =	vld [tilespmem:s30+$0xB000];
	v31 =	vmul.f32 v24, v23;
	v0 =	vadd.f32 v28, v0  }
0x2c7: {  	v33 =	vld [tilespmem:s30+$0xF000]  }
0x2c8: {  	v35 =	vld [tilespmem:s30+$0xB200];
	v34 =	vmul.f32 v27, v26;
	v0 =	vadd.f32 v31, v0  }
0x2c9: {  	v36 =	vld [tilespmem:s30+$0xF200]  }
0x2ca: {  	v37 =	vmul.f32 v30, v29;
	v38 =	vld [tilespmem:s30+$0xB400];
	v0 =	vadd.f32 v34, v0  }
0x2cb: {  	v39 =	vld [tilespmem:s30+$0xF400]  }
0x2cc: {  	v40 =	vmul.f32 v33, v32;
	v41 =	vld [tilespmem:s30+$0xB600];
	v0 =	vadd.f32 v37, v0  }
0x2cd: {  	v42 =	vld [tilespmem:s30+$0xF600]  }
0x2ce: {  	v45 =	vld [tilespmem:s30+$0xF800];
	v43 =	vmul.f32 v36, v35;
	v0 =	vadd.f32 v40, v0  }
0x2cf: {  	v44 =	vld [tilespmem:s30+$0xB800]  }
0x2d0: {  	v48 =	vld [tilespmem:s30+$0xFA00];
	v46 =	vmul.f32 v39, v38;
	v0 =	vadd.f32 v43, v0  }
0x2d1: {  	v47 =	vld [tilespmem:s30+$0xBA00]  }
0x2d2: {  	v51 =	vld [tilespmem:s30+$0xFC00];
	v49 =	vmul.f32 v42, v41;
	v0 =	vadd.f32 v46, v0  }
0x2d3: {  	v50 =	vld [tilespmem:s30+$0xBC00]  }
0x2d4: {  	v54 =	vld [tilespmem:s30+$0xFE00];
	v52 =	vmul.f32 v45, v44;
	v0 =	vadd.f32 v49, v0  }
0x2d5: {  	v53 =	vld [tilespmem:s30+$0xBE00]  }
0x2d6: {  	v57 =	vld [tilespmem:s30+$0x10000];
	v55 =	vmul.f32 v48, v47;
	v0 =	vadd.f32 v52, v0  }
0x2d7: {  	v56 =	vld [tilespmem:s30+$0xC000]  }
0x2d8: {  	v60 =	vld [tilespmem:s30+$0x10200];
	v58 =	vmul.f32 v51, v50;
	v0 =	vadd.f32 v55, v0  }
0x2d9: {  	v59 =	vld [tilespmem:s30+$0xC200]  }
0x2da: {  	v61 =	vmul.f32 v54, v53;
	v0 =	vadd.f32 v58, v0;
	_ =	sdelay $0x1  }
0x2db: {  	v62 =	vmul.f32 v57, v56;
	v0 =	vadd.f32 v61, v0;
	_ =	sdelay $0x1  }
0x2dc: {  	v63 =	vmul.f32 v60, v59;
	v0 =	vadd.f32 v62, v0;
	_ =	sdelay $0x1  }
0x2dd: {  	s26 =	sadd.s32 $0x1, s26;
	v0 =	vadd.f32 v63, v0  }
0x2de: {  	p0 =	sne.s32 s26, s8  }
.Ltmp3:
0x2df: {  	[tilespmem:s30+$0x10400] =	vst v0;
	(pc) =	sbr.rel @p0 .LBB2_1-.Ltmp3, $4  }
0x2e0: {  	[hbm4b:s7+s3] =	stream.linear.scatter [tilespmem:s24], [sflag:$0x4], $0x200, $0x38;
	[tilespmem:$0x10600] =	vst v63  }
0x2e1: {  	_ =	swait.ge [sflag:s25], $0x200  }
0x2e2: {  	[sflag:s25] =	ssyncset.done $0x0  }
0x2e3: {  	[sflag:s25] =	ssyncadd.s32 $0xFFFFFE00  }
0x2e4: {  	_ =	sfence.sel $0x180000  }
0x2e5: {  	[bflag:$0x0] =	sbarrier.arrive $0xFFFF  }
0x2e6: {  	_ =	strace $0x90000047  }
0x2e7: {  	s0 =	stileid.u32;
	[bflag:$0x2] =	sbarrier.arrive $0xFFFF  }
0x2e8: {  	p0 =	sne.s32 s0, $0x0;
	s0 =	rddreg [dreg:$0x4]  }
0x2e9: {  	s0 =	sadd.s32 @!p0 $0x100000, s0  }
0x2ea: {  	[sflag:s0] =	ssyncadd.tile.s32 @!p0 $0x1;
	_ =	shalt  }
.Lfunc_end2:
_tile_overlayer_lowered:
.L_overlay_start_2:
0x2eb: {  	(tag) =	ssettag $0x2  }
0x2ec: {  	s0 =	rddreg [dreg:$0x0];
	s2 =	stileid.u32  }
0x2ed: {  	s1 =	rddreg [dreg:$0x1];
	p0 =	sne.s32 s2, $0x0  }
0x2ee: {  	s3 =	rddreg [dreg:$0x2];
	[bflag:$0x3] =	sbarrier.arrive $0xFFFF;
	s2 =	simm.s32 @!p0 $0x1C04  }
0x2ef: {  	[timem:s3], [sflag:s2] =	dma.local @!p0 [hbm:s0], s1  }
0x2f0: {  	s0 =	simm.s32 @!p0 $0x4  }
0x2f1: {  	_ =	swait.ge @!p0 [sflag:s0], s1  }
0x2f2: {  	s1 =	ssub.s32 @!p0 $0x0, s1;
	[sflag:s0] =	ssyncset.done @!p0 $0x0  }
0x2f3: {  	[sflag:s0] =	ssyncadd.s32 @!p0 s1  }
0x2f4: {  	[bflag:$0x3] =	sbarrier.arrive $0xFFFF  }
0x2f5: {  	_ =	shalt  }

</sc_bundles>
